<compile_context>
chip_gen: v7x
topology: tpu7x:2x2x1
jax: 0.10.2.dev20260603
libtpu: 0.0.44.dev20260713+nightly
codegen_flags: <defaults>
</compile_context>

<pallas_src>
import functools

import jax
import jax.numpy as jnp
from jax import lax
from jax.experimental import pallas as pl
from jax.experimental.pallas import tpu as pltpu
from jax.experimental.pallas import tpu_sc as plsc

S, U, H, V = 20, 256, 128, 10000
LAMBDA_LOC = 0.1


@functools.cache
def _make_sc_gather():
    info = plsc.get_sparse_core_info()
    nc, ns = info.num_cores, info.num_subcores
    nw = nc * ns
    xw = (S * U) // nw
    uw = U // nw
    xc = xw // 2
    mesh = plsc.VectorSubcoreMesh(core_axis_name="c", subcore_axis_name="s")

    @functools.partial(
        pl.kernel,
        out_type=(jax.ShapeDtypeStruct((S * U, H), jnp.float32),
                  jax.ShapeDtypeStruct((U, H), jnp.float32)),
        mesh=mesh,
        scratch_types=[
            pltpu.VMEM((xw,), jnp.int32),
            pltpu.VMEM((uw,), jnp.int32),
            pltpu.VMEM((xw, H), jnp.float32),
            pltpu.VMEM((uw, H), jnp.float32),
            pltpu.SemaphoreType.DMA,
        ],
    )
    def gather_k(table_hbm, xidx_hbm, uidx_hbm, outx_hbm, outu_hbm,
                 xidx_v, uidx_v, xrows_v, urows_v, sem):
        wid = lax.axis_index("s") * nc + lax.axis_index("c")
        xbase = wid * xw
        ubase = wid * uw
        pltpu.sync_copy(xidx_hbm.at[pl.ds(xbase, xw)], xidx_v)
        pltpu.sync_copy(uidx_hbm.at[pl.ds(ubase, uw)], uidx_v)
        copies = [
            pltpu.async_copy(table_hbm.at[xidx_v.at[pl.ds(k * xc, xc)]],
                             xrows_v.at[pl.ds(k * xc, xc)], sem)
            for k in range(2)
        ]
        copies.append(pltpu.async_copy(table_hbm.at[uidx_v], urows_v, sem))
        for c in copies:
            c.wait()
        pltpu.sync_copy(xrows_v, outx_hbm.at[pl.ds(xbase, xw)])
        pltpu.sync_copy(urows_v, outu_hbm.at[pl.ds(ubase, uw)])

    return gather_k


def _fuse_body(xemb_ref, pu_ref, t_ref, sx_ref, sy_ref, h0_ref, wih_ref,
               whh_ref, bih_ref, bhh_ref, wf_ref, bf_ref, m_ref, out_ref,
               hs_ref, t2v_ref, gi_ref):
    bf16 = jnp.bfloat16

    xe = xemb_ref[...].reshape(S * U, H).astype(bf16)
    gi_all = lax.dot_general(xe, wih_ref[...].astype(bf16),
                             (((1,), (1,)), ((), ())),
                             preferred_element_type=jnp.float32)
    gi_ref[...] = gi_all.reshape(S, U, 3 * H) + bih_ref[...]

    whh = whh_ref[...].astype(bf16)
    bhh = bhh_ref[...]

    def gru_step(i, hprev):
        gi = gi_ref[i]
        gh = lax.dot_general(hprev.astype(bf16), whh,
                             (((1,), (1,)), ((), ())),
                             preferred_element_type=jnp.float32) + bhh
        r = jax.nn.sigmoid(gi[:, :H] + gh[:, :H])
        z = jax.nn.sigmoid(gi[:, H:2 * H] + gh[:, H:2 * H])
        n = jnp.tanh(gi[:, 2 * H:] + r * gh[:, 2 * H:])
        hn = (1.0 - z) * n + z * hprev
        hs_ref[pl.ds(i, 1)] = hn[None]
        return hn

    lax.fori_loop(0, S, gru_step, h0_ref[...], unroll=True)

    tau = t_ref[...][:, :, None]
    ph = tau * wf_ref[...][0] + bf_ref[...][0]
    k = jnp.round(ph * (1.0 / jnp.pi))
    r = ph - k * 3.140625 - k * jnp.float32(jnp.pi - 3.140625)
    fpar = k * 0.5
    sign = 1.0 - 4.0 * (fpar - jnp.floor(fpar))
    s2 = r * r
    sp = sign * (r * (0.999999976 + s2 * (-0.16666648 + s2 * (
        8.3328992e-3 + s2 * (-1.9800865e-4 + s2 * 2.5904300e-6)))))
    t2v_ref[...] = sp + m_ref[...][None] * (ph - sp)

    for i in range(S):
        t2vi = t2v_ref[i]
        sxi = sx_ref[pl.ds(i, 1)]
        syi = sy_ref[pl.ds(i, 1)]

        def j_body(j, carry, t2vi=t2vi, sxi=sxi, syi=syi):
            acc, sw = carry
            d = t2v_ref[j] - t2vi
            asq = jnp.sum(d * d, axis=1)
            dx = sx_ref[pl.ds(j, 1)] - sxi
            dy = sy_ref[pl.ds(j, 1)] - syi
            dist = jnp.sqrt(dx * dx + dy * dy + 1e-12)[0]
            w = jnp.exp(-(asq + LAMBDA_LOC * dist)) + 1e-10
            return (acc + w[:, None] * hs_ref[j], sw + w)

        acc, sw = lax.fori_loop(
            0, i + 1, j_body,
            (jnp.zeros((U, H), jnp.float32), jnp.zeros((U,), jnp.float32)))
        out_ref[pl.ds(i, 1), :, :H] = (acc / sw[:, None]).astype(bf16)[None]

    out_ref[:, :, H:] = jnp.broadcast_to(
        pu_ref[...].astype(bf16)[None], (S, U, H))


_BN = 512


def _mm_body(a_ref, w_ref, b_ref, o_ref):
    w = w_ref[...].astype(jnp.bfloat16)
    b = b_ref[...]
    for i in range(S):
        y = lax.dot_general(w, a_ref[i], (((1,), (1,)), ((), ())),
                            preferred_element_type=jnp.float32)
        o_ref[i] = y + b


def _fc_matmul(a, fc_W, fc_b2):
    yt = pl.pallas_call(
        _mm_body,
        grid=(pl.cdiv(V, _BN),),
        in_specs=[
            pl.BlockSpec((S, U, 2 * H), lambda n: (0, 0, 0)),
            pl.BlockSpec((_BN, 2 * H), lambda n: (n, 0)),
            pl.BlockSpec((_BN, 1), lambda n: (n, 0)),
        ],
        out_specs=pl.BlockSpec((S, _BN, U), lambda n: (0, n, 0)),
        out_shape=jax.ShapeDtypeStruct((S, V, U), jnp.float32),
    )(a, fc_W, fc_b2)
    return jnp.transpose(yt, (0, 2, 1))


def kernel(x, t, s, h, active_user, enc_table, gru_Wih, gru_Whh, gru_bih,
           gru_bhh, t2v_w0, t2v_b0, t2v_W, t2v_B, fc_W, fc_b):
    x_rows, u_rows = _make_sc_gather()(
        enc_table, x.reshape(-1).astype(jnp.int32),
        active_user.reshape(-1).astype(jnp.int32))
    x_emb = x_rows.reshape(S, U, H)

    wf = jnp.concatenate([t2v_w0, t2v_W[0]]).reshape(1, H)
    bf = jnp.concatenate([t2v_b0, t2v_B]).reshape(1, H)
    chmask = jnp.zeros((1, H), jnp.float32).at[0, 0].set(1.0)
    out_pu = pl.pallas_call(
        _fuse_body,
        out_shape=jax.ShapeDtypeStruct((S, U, 2 * H), jnp.bfloat16),
        scratch_shapes=[
            pltpu.VMEM((S, U, H), jnp.float32),
            pltpu.VMEM((S, U, H), jnp.float32),
            pltpu.VMEM((S, U, 3 * H), jnp.float32),
        ],
    )(x_emb, u_rows, t, s[:, :, 0], s[:, :, 1], h[0], gru_Wih, gru_Whh,
      gru_bih.reshape(1, 3 * H), gru_bhh.reshape(1, 3 * H), wf, bf, chmask)

    return _fc_matmul(out_pu, fc_W, fc_b.reshape(V, 1))

# --- scband reference (transcript-rebuilt; emitter-appended) ---
"""Pipeline reference for scband-flashback-80161269613286 (READ-ONLY COPY).

The authoritative reference and input builder live on the scoring server;
editing this copy changes nothing except your own understanding.
"""

import jax, jax.numpy as jnp
import numpy as np

S, U, H, V = 20, 256, 128, 10000
LAMBDA_LOC = 0.1


def setup_inputs(seed: int = 0) -> dict:
    key = jax.random.key(seed)
    ks = [jax.random.fold_in(key, i) for i in range(16)]
    x = jax.random.randint(ks[0], (S, U), 0, V)
    t = jax.random.uniform(ks[1], (S, U), dtype=jnp.float32) * 86400.0
    s = jax.random.normal(ks[2], (S, U, 2), dtype=jnp.float32)
    h = jnp.zeros((1, U, H), dtype=jnp.float32)
    active_user = jax.random.randint(ks[3], (1, U), 0, V)
    enc_table = jax.random.normal(ks[4], (V, H), dtype=jnp.float32) * 0.02
    gru_Wih = jax.random.normal(ks[5], (3 * H, H), dtype=jnp.float32) * 0.05
    gru_Whh = jax.random.normal(ks[6], (3 * H, H), dtype=jnp.float32) * 0.05
    gru_bih = jnp.zeros((3 * H,), jnp.float32)
    gru_bhh = jnp.zeros((3 * H,), jnp.float32)
    t2v_w0 = jax.random.normal(ks[7], (1,), jnp.float32) * 0.01
    t2v_b0 = jnp.zeros((1,), jnp.float32)
    t2v_W = jax.random.normal(ks[8], (1, H - 1), jnp.float32) * 0.01
    t2v_B = jnp.zeros((H - 1,), jnp.float32)
    fc_W = jax.random.normal(ks[9], (V, 2 * H), jnp.float32) * 0.02
    fc_b = jnp.zeros((V,), jnp.float32)
    return {"x": x, "t": t, "s": s, "h": h, "active_user": active_user,
            "enc_table": enc_table, "gru_Wih": gru_Wih, "gru_Whh": gru_Whh,
            "gru_bih": gru_bih, "gru_bhh": gru_bhh, "t2v_w0": t2v_w0,
            "t2v_b0": t2v_b0, "t2v_W": t2v_W, "t2v_B": t2v_B,
            "fc_W": fc_W, "fc_b": fc_b}


def reference(x, t, s, h, active_user, enc_table, gru_Wih, gru_Whh, gru_bih,
              gru_bhh, t2v_w0, t2v_b0, t2v_W, t2v_B, fc_W, fc_b):
    # non-GCN path of Flashback.forward with setting.dist_t == 'time2v'
    x_emb = jnp.take(enc_table, x, axis=0)              # [S, U, H] embedding gather
    p_u = jnp.take(enc_table, active_user, axis=0).reshape(U, H)

    def gru_step(hprev, xt):
        gi = xt @ gru_Wih.T + gru_bih
        gh = hprev @ gru_Whh.T + gru_bhh
        i_r, i_z, i_n = jnp.split(gi, 3, axis=-1)
        h_r, h_z, h_n = jnp.split(gh, 3, axis=-1)
        r = jax.nn.sigmoid(i_r + h_r)
        z = jax.nn.sigmoid(i_z + h_z)
        n = jnp.tanh(i_n + r * h_n)
        hn = (1.0 - z) * n + z * hprev
        return hn, hn

    _, out = jax.lax.scan(gru_step, h[0], x_emb)        # [S, U, H]

    # Time2Vec('sin', H)
    tau = t[..., None]                                   # [S, U, 1]
    t2v = jnp.concatenate([tau * t2v_w0 + t2v_b0,
                           jnp.sin(tau * t2v_W[0] + t2v_B)], axis=-1)  # [S, U, H]

    # a_j = exp(-||t2v(t_i) - t2v(t_j)||^2) for all pairs
    diff = t2v[:, None, :, :] - t2v[None, :, :, :]       # [S, S, U, H]
    a = jnp.exp(-jnp.sum(diff * diff, axis=-1))          # [S, S, U]
    # spatial kernel b_j = exp(-lambda_loc * dist_s)
    ds = s[:, None, :, :] - s[None, :, :, :]             # [S, S, U, 2]
    dist_s = jnp.sqrt(jnp.sum(ds * ds, axis=-1) + 1e-12)
    b = jnp.exp(-LAMBDA_LOC * dist_s)
    mask = jnp.tril(jnp.ones((S, S), jnp.float32))[:, :, None]  # j <= i
    w = (a * b + 1e-10) * mask                           # [S, S, U]
    sum_w = jnp.sum(w, axis=1)                           # [S, U]
    out_w = jnp.einsum('iju,juh->iuh', w, out) / sum_w[..., None]  # [S, U, H]

    p_u_exp = jnp.broadcast_to(p_u[None, :, :], (S, U, H))
    out_pu = jnp.concatenate([out_w, p_u_exp], axis=-1)  # [S, U, 2H]
    y_linear = out_pu @ fc_W.T + fc_b                    # [S, U, V]
    return y_linear

if __name__ == "__main__":
    import jax
    _d = setup_inputs()
    print(jax.jit(kernel)(*tuple(_d.values())))

</pallas_src>

<mosaic_0001>
#map = affine_map<(d0, d1) -> (0, 0)>
#map1 = affine_map<(d0, d1) -> (0)>
module attributes {stable_mosaic.version = 14 : i64} {
  func.func @gather_k(%arg0: i32, %arg1: i32, %arg2: memref<10000x128xf32, #tpu.memory_space<hbm>>, %arg3: memref<5120xi32, #tpu.memory_space<hbm>>, %arg4: memref<256xi32, #tpu.memory_space<hbm>>, %arg5: memref<5120x128xf32, #tpu.memory_space<hbm>>, %arg6: memref<256x128xf32, #tpu.memory_space<hbm>>, %arg7: memref<160xi32, #tpu.memory_space<vmem>>, %arg8: memref<8xi32, #tpu.memory_space<vmem>>, %arg9: memref<160x128xf32, #tpu.memory_space<vmem>>, %arg10: memref<8x128xf32, #tpu.memory_space<vmem>>, %arg11: memref<!tpu.dma_semaphore, #tpu.memory_space<semaphore_mem>>) attributes {dimension_semantics = [#tpu.dimension_semantics<core_parallel>, #tpu.dimension_semantics<subcore_parallel>], iteration_bounds = array<i64: 2, 16>, scalar_prefetch = 0 : i64, scratch_operands = 5 : i64, tpu.core_type = #tpu.core_type<sc_vector_subcore>, window_params = [{transform_indices = #map}, {transform_indices = #map1}, {transform_indices = #map1}, {transform_indices = #map}, {transform_indices = #map}]} {
    %mul3A = arith.constant 2 : i32
    %mul3A_0 = arith.muli %arg1, %mul3A : i32
    %add3A = arith.addi %mul3A_0, %arg0 : i32
    %mul3A_1 = arith.constant 160 : i32
    %mul3A_2 = arith.muli %add3A, %mul3A_1 : i32
    %mul3A_3 = arith.constant 8 : i32
    %mul3A_4 = arith.muli %add3A, %mul3A_3 : i32
    "tpu.region"() ({
      %run_scoped3A = tpu.sem_alloc : memref<!tpu.dma_semaphore, #tpu.memory_space<semaphore_mem>>
      %dma_start3A_41 = tpu.memref_slice %arg3[%mul3A_2] : memref<5120xi32, #tpu.memory_space<hbm>> -> memref<160xi32, #tpu.memory_space<hbm>>
      %dma_start3A_42 = tpu.memref_slice %arg3[%mul3A_2] : memref<5120xi32, #tpu.memory_space<hbm>> -> memref<160xi32, #tpu.memory_space<hbm>>
      tpu.enqueue_dma source(%dma_start3A_42 : memref<160xi32, #tpu.memory_space<hbm>>) target(%arg7 : memref<160xi32, #tpu.memory_space<vmem>>) target_semaphore(%run_scoped3A : memref<!tpu.dma_semaphore, #tpu.memory_space<semaphore_mem>>)
      %dma_wait3A_43 = tpu.memref_slice %arg3[%mul3A_2] : memref<5120xi32, #tpu.memory_space<hbm>> -> memref<160xi32, #tpu.memory_space<hbm>>
      %dma_wait3A_44 = tpu.memref_slice %arg3[%mul3A_2] : memref<5120xi32, #tpu.memory_space<hbm>> -> memref<160xi32, #tpu.memory_space<hbm>>
      tpu.wait_dma2 semaphore(%run_scoped3A : memref<!tpu.dma_semaphore, #tpu.memory_space<semaphore_mem>>) src(%dma_wait3A_44 : memref<160xi32, #tpu.memory_space<hbm>>) dst(%arg7 : memref<160xi32, #tpu.memory_space<vmem>>)
      tpu.yield
    }) : () -> ()
    "tpu.region"() ({
      %run_scoped3A = tpu.sem_alloc : memref<!tpu.dma_semaphore, #tpu.memory_space<semaphore_mem>>
      %dma_start3A_41 = tpu.memref_slice %arg4[%mul3A_4] : memref<256xi32, #tpu.memory_space<hbm>> -> memref<8xi32, #tpu.memory_space<hbm>>
      %dma_start3A_42 = tpu.memref_slice %arg4[%mul3A_4] : memref<256xi32, #tpu.memory_space<hbm>> -> memref<8xi32, #tpu.memory_space<hbm>>
      tpu.enqueue_dma source(%dma_start3A_42 : memref<8xi32, #tpu.memory_space<hbm>>) target(%arg8 : memref<8xi32, #tpu.memory_space<vmem>>) target_semaphore(%run_scoped3A : memref<!tpu.dma_semaphore, #tpu.memory_space<semaphore_mem>>)
      %dma_wait3A_43 = tpu.memref_slice %arg4[%mul3A_4] : memref<256xi32, #tpu.memory_space<hbm>> -> memref<8xi32, #tpu.memory_space<hbm>>
      %dma_wait3A_44 = tpu.memref_slice %arg4[%mul3A_4] : memref<256xi32, #tpu.memory_space<hbm>> -> memref<8xi32, #tpu.memory_space<hbm>>
      tpu.wait_dma2 semaphore(%run_scoped3A : memref<!tpu.dma_semaphore, #tpu.memory_space<semaphore_mem>>) src(%dma_wait3A_44 : memref<8xi32, #tpu.memory_space<hbm>>) dst(%arg8 : memref<8xi32, #tpu.memory_space<vmem>>)
      tpu.yield
    }) : () -> ()
    %dma_start3A = arith.constant 0 : i32
    %dma_start3A_5 = arith.constant 0 : i32
    %dma_start3A_6 = tpu.memref_slice %arg9[%dma_start3A, %dma_start3A_5] : memref<160x128xf32, #tpu.memory_space<vmem>> -> memref<80x128xf32, #tpu.memory_space<vmem>>
    %dma_start3A_7 = arith.constant 0 : i32
    %dma_start3A_8 = tpu.memref_slice %arg7[%dma_start3A_7] : memref<160xi32, #tpu.memory_space<vmem>> -> memref<80xi32, #tpu.memory_space<vmem>>
    %dma_start3A_9 = arith.constant 0 : i32
    %dma_start3A_10 = arith.constant 0 : i32
    %dma_start3A_11 = tpu.memref_slice %arg2[%dma_start3A_9, %dma_start3A_10] : memref<10000x128xf32, #tpu.memory_space<hbm>> -> memref<10000x128xf32, #tpu.memory_space<hbm>>
    tpu.enqueue_indirect_dma source(%dma_start3A_11 : memref<10000x128xf32, #tpu.memory_space<hbm>>) target(%dma_start3A_6 : memref<80x128xf32, #tpu.memory_space<vmem>>) offsets(%dma_start3A_8 : memref<80xi32, #tpu.memory_space<vmem>>) semaphore(%arg11 : memref<!tpu.dma_semaphore, #tpu.memory_space<semaphore_mem>>)
    %dma_start3A_12 = arith.constant 80 : i32
    %dma_start3A_13 = arith.constant 0 : i32
    %dma_start3A_14 = tpu.memref_slice %arg9[%dma_start3A_12, %dma_start3A_13] : memref<160x128xf32, #tpu.memory_space<vmem>> -> memref<80x128xf32, #tpu.memory_space<vmem>>
    %dma_start3A_15 = arith.constant 80 : i32
    %dma_start3A_16 = tpu.memref_slice %arg7[%dma_start3A_15] : memref<160xi32, #tpu.memory_space<vmem>> -> memref<80xi32, #tpu.memory_space<vmem>>
    %dma_start3A_17 = arith.constant 0 : i32
    %dma_start3A_18 = arith.constant 0 : i32
    %dma_start3A_19 = tpu.memref_slice %arg2[%dma_start3A_17, %dma_start3A_18] : memref<10000x128xf32, #tpu.memory_space<hbm>> -> memref<10000x128xf32, #tpu.memory_space<hbm>>
    tpu.enqueue_indirect_dma source(%dma_start3A_19 : memref<10000x128xf32, #tpu.memory_space<hbm>>) target(%dma_start3A_14 : memref<80x128xf32, #tpu.memory_space<vmem>>) offsets(%dma_start3A_16 : memref<80xi32, #tpu.memory_space<vmem>>) semaphore(%arg11 : memref<!tpu.dma_semaphore, #tpu.memory_space<semaphore_mem>>)
    %dma_start3A_20 = arith.constant 0 : i32
    %dma_start3A_21 = arith.constant 0 : i32
    %dma_start3A_22 = tpu.memref_slice %arg2[%dma_start3A_20, %dma_start3A_21] : memref<10000x128xf32, #tpu.memory_space<hbm>> -> memref<10000x128xf32, #tpu.memory_space<hbm>>
    tpu.enqueue_indirect_dma source(%dma_start3A_22 : memref<10000x128xf32, #tpu.memory_space<hbm>>) target(%arg10 : memref<8x128xf32, #tpu.memory_space<vmem>>) offsets(%arg8 : memref<8xi32, #tpu.memory_space<vmem>>) semaphore(%arg11 : memref<!tpu.dma_semaphore, #tpu.memory_space<semaphore_mem>>)
    %dma_wait3A = arith.constant 0 : i32
    %dma_wait3A_23 = arith.constant 0 : i32
    %dma_wait3A_24 = tpu.memref_slice %arg9[%dma_wait3A, %dma_wait3A_23] : memref<160x128xf32, #tpu.memory_space<vmem>> -> memref<80x128xf32, #tpu.memory_space<vmem>>
    %dma_wait3A_25 = arith.constant 0 : i32
    %dma_wait3A_26 = tpu.memref_slice %arg7[%dma_wait3A_25] : memref<160xi32, #tpu.memory_space<vmem>> -> memref<80xi32, #tpu.memory_space<vmem>>
    %dma_wait3A_27 = arith.constant 0 : i32
    %dma_wait3A_28 = arith.constant 0 : i32
    %dma_wait3A_29 = tpu.memref_slice %arg2[%dma_wait3A_27, %dma_wait3A_28] : memref<10000x128xf32, #tpu.memory_space<hbm>> -> memref<10000x128xf32, #tpu.memory_space<hbm>>
    tpu.wait_indirect_dma semaphore(%arg11 : memref<!tpu.dma_semaphore, #tpu.memory_space<semaphore_mem>>) src(%dma_wait3A_29 : memref<10000x128xf32, #tpu.memory_space<hbm>>) dst(%dma_wait3A_24 : memref<80x128xf32, #tpu.memory_space<vmem>>)
    %dma_wait3A_30 = arith.constant 80 : i32
    %dma_wait3A_31 = arith.constant 0 : i32
    %dma_wait3A_32 = tpu.memref_slice %arg9[%dma_wait3A_30, %dma_wait3A_31] : memref<160x128xf32, #tpu.memory_space<vmem>> -> memref<80x128xf32, #tpu.memory_space<vmem>>
    %dma_wait3A_33 = arith.constant 80 : i32
    %dma_wait3A_34 = tpu.memref_slice %arg7[%dma_wait3A_33] : memref<160xi32, #tpu.memory_space<vmem>> -> memref<80xi32, #tpu.memory_space<vmem>>
    %dma_wait3A_35 = arith.constant 0 : i32
    %dma_wait3A_36 = arith.constant 0 : i32
    %dma_wait3A_37 = tpu.memref_slice %arg2[%dma_wait3A_35, %dma_wait3A_36] : memref<10000x128xf32, #tpu.memory_space<hbm>> -> memref<10000x128xf32, #tpu.memory_space<hbm>>
    tpu.wait_indirect_dma semaphore(%arg11 : memref<!tpu.dma_semaphore, #tpu.memory_space<semaphore_mem>>) src(%dma_wait3A_37 : memref<10000x128xf32, #tpu.memory_space<hbm>>) dst(%dma_wait3A_32 : memref<80x128xf32, #tpu.memory_space<vmem>>)
    %dma_wait3A_38 = arith.constant 0 : i32
    %dma_wait3A_39 = arith.constant 0 : i32
    %dma_wait3A_40 = tpu.memref_slice %arg2[%dma_wait3A_38, %dma_wait3A_39] : memref<10000x128xf32, #tpu.memory_space<hbm>> -> memref<10000x128xf32, #tpu.memory_space<hbm>>
    tpu.wait_indirect_dma semaphore(%arg11 : memref<!tpu.dma_semaphore, #tpu.memory_space<semaphore_mem>>) src(%dma_wait3A_40 : memref<10000x128xf32, #tpu.memory_space<hbm>>) dst(%arg10 : memref<8x128xf32, #tpu.memory_space<vmem>>)
    "tpu.region"() ({
      %run_scoped3A = tpu.sem_alloc : memref<!tpu.dma_semaphore, #tpu.memory_space<semaphore_mem>>
      %dma_start3A_41 = arith.constant 0 : i32
      %dma_start3A_42 = tpu.memref_slice %arg5[%mul3A_2, %dma_start3A_41] : memref<5120x128xf32, #tpu.memory_space<hbm>> -> memref<160x128xf32, #tpu.memory_space<hbm>>
      %dma_start3A_43 = arith.constant 0 : i32
      %dma_start3A_44 = tpu.memref_slice %arg5[%mul3A_2, %dma_start3A_43] : memref<5120x128xf32, #tpu.memory_space<hbm>> -> memref<160x128xf32, #tpu.memory_space<hbm>>
      tpu.enqueue_dma source(%arg9 : memref<160x128xf32, #tpu.memory_space<vmem>>) target(%dma_start3A_44 : memref<160x128xf32, #tpu.memory_space<hbm>>) target_semaphore(%run_scoped3A : memref<!tpu.dma_semaphore, #tpu.memory_space<semaphore_mem>>)
      %dma_wait3A_45 = arith.constant 0 : i32
      %dma_wait3A_46 = tpu.memref_slice %arg5[%mul3A_2, %dma_wait3A_45] : memref<5120x128xf32, #tpu.memory_space<hbm>> -> memref<160x128xf32, #tpu.memory_space<hbm>>
      %dma_wait3A_47 = arith.constant 0 : i32
      %dma_wait3A_48 = tpu.memref_slice %arg5[%mul3A_2, %dma_wait3A_47] : memref<5120x128xf32, #tpu.memory_space<hbm>> -> memref<160x128xf32, #tpu.memory_space<hbm>>
      tpu.wait_dma2 semaphore(%run_scoped3A : memref<!tpu.dma_semaphore, #tpu.memory_space<semaphore_mem>>) src(%arg9 : memref<160x128xf32, #tpu.memory_space<vmem>>) dst(%dma_wait3A_48 : memref<160x128xf32, #tpu.memory_space<hbm>>)
      tpu.yield
    }) : () -> ()
    "tpu.region"() ({
      %run_scoped3A = tpu.sem_alloc : memref<!tpu.dma_semaphore, #tpu.memory_space<semaphore_mem>>
      %dma_start3A_41 = arith.constant 0 : i32
      %dma_start3A_42 = tpu.memref_slice %arg6[%mul3A_4, %dma_start3A_41] : memref<256x128xf32, #tpu.memory_space<hbm>> -> memref<8x128xf32, #tpu.memory_space<hbm>>
      %dma_start3A_43 = arith.constant 0 : i32
      %dma_start3A_44 = tpu.memref_slice %arg6[%mul3A_4, %dma_start3A_43] : memref<256x128xf32, #tpu.memory_space<hbm>> -> memref<8x128xf32, #tpu.memory_space<hbm>>
      tpu.enqueue_dma source(%arg10 : memref<8x128xf32, #tpu.memory_space<vmem>>) target(%dma_start3A_44 : memref<8x128xf32, #tpu.memory_space<hbm>>) target_semaphore(%run_scoped3A : memref<!tpu.dma_semaphore, #tpu.memory_space<semaphore_mem>>)
      %dma_wait3A_45 = arith.constant 0 : i32
      %dma_wait3A_46 = tpu.memref_slice %arg6[%mul3A_4, %dma_wait3A_45] : memref<256x128xf32, #tpu.memory_space<hbm>> -> memref<8x128xf32, #tpu.memory_space<hbm>>
      %dma_wait3A_47 = arith.constant 0 : i32
      %dma_wait3A_48 = tpu.memref_slice %arg6[%mul3A_4, %dma_wait3A_47] : memref<256x128xf32, #tpu.memory_space<hbm>> -> memref<8x128xf32, #tpu.memory_space<hbm>>
      tpu.wait_dma2 semaphore(%run_scoped3A : memref<!tpu.dma_semaphore, #tpu.memory_space<semaphore_mem>>) src(%arg10 : memref<8x128xf32, #tpu.memory_space<vmem>>) dst(%dma_wait3A_48 : memref<8x128xf32, #tpu.memory_space<hbm>>)
      tpu.yield
    }) : () -> ()
    return
  }
}

module attributes {stable_mosaic.version = 14 : i64} {
  func.func @_mm_body(%arg0: i32, %arg1: memref<20x256x256xbf16, #tpu.memory_space<vmem>>, %arg2: memref<512x256xf32, #tpu.memory_space<vmem>>, %arg3: memref<512x1xf32, #tpu.memory_space<vmem>>, %arg4: memref<20x512x256xf32, #tpu.memory_space<vmem>>) attributes {dimension_semantics = [#tpu.dimension_semantics<arbitrary>], iteration_bounds = array<i64: 20>, scalar_prefetch = 0 : i64, scratch_operands = 0 : i64, tpu.core_type = #tpu.core_type<tc>, window_params = [{pipeline_mode = #tpu.pipeline_mode<synchronous>, transform_indices = @transform_0, window_bounds = array<i64: 20, 256, 256>}, {transform_indices = @transform_1, window_bounds = array<i64: 512, 256>}, {transform_indices = @transform_2, window_bounds = array<i64: 512, 1>}, {transform_indices = @transform_3, window_bounds = array<i64: 20, 512, 256>}]} {
    %get3A = arith.constant 0 : index
    %get3A_0 = arith.constant 0 : index
    %get3A_1 = vector.load %arg2[%get3A, %get3A_0] : memref<512x256xf32, #tpu.memory_space<vmem>>, vector<512x256xf32>
    %convert_element_type3A = arith.truncf %get3A_1 : vector<512x256xf32> to vector<512x256xbf16>
    %get3A_2 = arith.constant 0 : index
    %get3A_3 = arith.constant 0 : index
    %get3A_4 = vector.load %arg3[%get3A_2, %get3A_3] : memref<512x1xf32, #tpu.memory_space<vmem>>, vector<512x1xf32>
    %get3A_5 = arith.constant 0 : index
    %get3A_6 = arith.constant 0 : index
    %get3A_7 = arith.constant 0 : index
    %get3A_8 = vector.load %arg1[%get3A_5, %get3A_6, %get3A_7] : memref<20x256x256xbf16, #tpu.memory_space<vmem>>, vector<1x256x256xbf16>
    %get3A_9 = vector.shape_cast %get3A_8 : vector<1x256x256xbf16> to vector<256x256xbf16>
    %dot_general3A = arith.constant dense<0.000000e+00> : vector<512x256xf32>
    %dot_general3A_10 = tpu.matmul %convert_element_type3A, %get3A_9, %dot_general3A {dimension_numbers = #tpu.dot_dimension_numbers<[1], [1], [0], [0], [0, 0, 1, 0], [], []>, transpose_lhs_hint = false} : vector<512x256xbf16>, vector<256x256xbf16>, vector<512x256xf32> -> vector<512x256xf32>
    %add3A = vector.broadcast %get3A_4 : vector<512x1xf32> to vector<512x256xf32>
    %add3A_11 = arith.addf %dot_general3A_10, %add3A : vector<512x256xf32>
    %swap3A = arith.constant 0 : index
    %swap3A_12 = arith.constant 0 : index
    %swap3A_13 = arith.constant 0 : index
    %swap3A_14 = vector.load %arg4[%swap3A, %swap3A_12, %swap3A_13] : memref<20x512x256xf32, #tpu.memory_space<vmem>>, vector<1x512x256xf32>
    %swap3A_15 = vector.shape_cast %swap3A_14 : vector<1x512x256xf32> to vector<512x256xf32>
    %swap3A_16 = vector.shape_cast %add3A_11 : vector<512x256xf32> to vector<1x512x256xf32>
    tpu.vector_store %arg4[%swap3A, %swap3A_12, %swap3A_13], %swap3A_16 {strides = array<i32>} : memref<20x512x256xf32, #tpu.memory_space<vmem>>, vector<1x512x256xf32>,
    %get3A_17 = arith.constant 1 : index
    %get3A_18 = arith.constant 0 : index
    %get3A_19 = arith.constant 0 : index
    %get3A_20 = vector.load %arg1[%get3A_17, %get3A_18, %get3A_19] : memref<20x256x256xbf16, #tpu.memory_space<vmem>>, vector<1x256x256xbf16>
    %get3A_21 = vector.shape_cast %get3A_20 : vector<1x256x256xbf16> to vector<256x256xbf16>
    %dot_general3A_22 = arith.constant dense<0.000000e+00> : vector<512x256xf32>
    %dot_general3A_23 = tpu.matmul %convert_element_type3A, %get3A_21, %dot_general3A_22 {dimension_numbers = #tpu.dot_dimension_numbers<[1], [1], [0], [0], [0, 0, 1, 0], [], []>, transpose_lhs_hint = false} : vector<512x256xbf16>, vector<256x256xbf16>, vector<512x256xf32> -> vector<512x256xf32>
    %add3A_24 = vector.broadcast %get3A_4 : vector<512x1xf32> to vector<512x256xf32>
    %add3A_25 = arith.addf %dot_general3A_23, %add3A_24 : vector<512x256xf32>
    %swap3A_26 = arith.constant 1 : index
    %swap3A_27 = arith.constant 0 : index
    %swap3A_28 = arith.constant 0 : index
    %swap3A_29 = vector.load %arg4[%swap3A_26, %swap3A_27, %swap3A_28] : memref<20x512x256xf32, #tpu.memory_space<vmem>>, vector<1x512x256xf32>
    %swap3A_30 = vector.shape_cast %swap3A_29 : vector<1x512x256xf32> to vector<512x256xf32>
    %swap3A_31 = vector.shape_cast %add3A_25 : vector<512x256xf32> to vector<1x512x256xf32>
    tpu.vector_store %arg4[%swap3A_26, %swap3A_27, %swap3A_28], %swap3A_31 {strides = array<i32>} : memref<20x512x256xf32, #tpu.memory_space<vmem>>, vector<1x512x256xf32>,
    %get3A_32 = arith.constant 2 : index
    %get3A_33 = arith.constant 0 : index
    %get3A_34 = arith.constant 0 : index
    %get3A_35 = vector.load %arg1[%get3A_32, %get3A_33, %get3A_34] : memref<20x256x256xbf16, #tpu.memory_space<vmem>>, vector<1x256x256xbf16>
    %get3A_36 = vector.shape_cast %get3A_35 : vector<1x256x256xbf16> to vector<256x256xbf16>
    %dot_general3A_37 = arith.constant dense<0.000000e+00> : vector<512x256xf32>
    %dot_general3A_38 = tpu.matmul %convert_element_type3A, %get3A_36, %dot_general3A_37 {dimension_numbers = #tpu.dot_dimension_numbers<[1], [1], [0], [0], [0, 0, 1, 0], [], []>, transpose_lhs_hint = false} : vector<512x256xbf16>, vector<256x256xbf16>, vector<512x256xf32> -> vector<512x256xf32>
    %add3A_39 = vector.broadcast %get3A_4 : vector<512x1xf32> to vector<512x256xf32>
    %add3A_40 = arith.addf %dot_general3A_38, %add3A_39 : vector<512x256xf32>
    %swap3A_41 = arith.constant 2 : index
    %swap3A_42 = arith.constant 0 : index
    %swap3A_43 = arith.constant 0 : index
    %swap3A_44 = vector.load %arg4[%swap3A_41, %swap3A_42, %swap3A_43] : memref<20x512x256xf32, #tpu.memory_space<vmem>>, vector<1x512x256xf32>
    %swap3A_45 = vector.shape_cast %swap3A_44 : vector<1x512x256xf32> to vector<512x256xf32>
    %swap3A_46 = vector.shape_cast %add3A_40 : vector<512x256xf32> to vector<1x512x256xf32>
    tpu.vector_store %arg4[%swap3A_41, %swap3A_42, %swap3A_43], %swap3A_46 {strides = array<i32>} : memref<20x512x256xf32, #tpu.memory_space<vmem>>, vector<1x512x256xf32>,
    %get3A_47 = arith.constant 3 : index
    %get3A_48 = arith.constant 0 : index
    %get3A_49 = arith.constant 0 : index
    %get3A_50 = vector.load %arg1[%get3A_47, %get3A_48, %get3A_49] : memref<20x256x256xbf16, #tpu.memory_space<vmem>>, vector<1x256x256xbf16>
    %get3A_51 = vector.shape_cast %get3A_50 : vector<1x256x256xbf16> to vector<256x256xbf16>
    %dot_general3A_52 = arith.constant dense<0.000000e+00> : vector<512x256xf32>
    %dot_general3A_53 = tpu.matmul %convert_element_type3A, %get3A_51, %dot_general3A_52 {dimension_numbers = #tpu.dot_dimension_numbers<[1], [1], [0], [0], [0, 0, 1, 0], [], []>, transpose_lhs_hint = false} : vector<512x256xbf16>, vector<256x256xbf16>, vector<512x256xf32> -> vector<512x256xf32>
    %add3A_54 = vector.broadcast %get3A_4 : vector<512x1xf32> to vector<512x256xf32>
    %add3A_55 = arith.addf %dot_general3A_53, %add3A_54 : vector<512x256xf32>
    %swap3A_56 = arith.constant 3 : index
    %swap3A_57 = arith.constant 0 : index
    %swap3A_58 = arith.constant 0 : index
    %swap3A_59 = vector.load %arg4[%swap3A_56, %swap3A_57, %swap3A_58] : memref<20x512x256xf32, #tpu.memory_space<vmem>>, vector<1x512x256xf32>
    %swap3A_60 = vector.shape_cast %swap3A_59 : vector<1x512x256xf32> to vector<512x256xf32>
    %swap3A_61 = vector.shape_cast %add3A_55 : vector<512x256xf32> to vector<1x512x256xf32>
    tpu.vector_store %arg4[%swap3A_56, %swap3A_57, %swap3A_58], %swap3A_61 {strides = array<i32>} : memref<20x512x256xf32, #tpu.memory_space<vmem>>, vector<1x512x256xf32>,
    %get3A_62 = arith.constant 4 : index
    %get3A_63 = arith.constant 0 : index
    %get3A_64 = arith.constant 0 : index
    %get3A_65 = vector.load %arg1[%get3A_62, %get3A_63, %get3A_64] : memref<20x256x256xbf16, #tpu.memory_space<vmem>>, vector<1x256x256xbf16>
    %get3A_66 = vector.shape_cast %get3A_65 : vector<1x256x256xbf16> to vector<256x256xbf16>
    %dot_general3A_67 = arith.constant dense<0.000000e+00> : vector<512x256xf32>
    %dot_general3A_68 = tpu.matmul %convert_element_type3A, %get3A_66, %dot_general3A_67 {dimension_numbers = #tpu.dot_dimension_numbers<[1], [1], [0], [0], [0, 0, 1, 0], [], []>, transpose_lhs_hint = false} : vector<512x256xbf16>, vector<256x256xbf16>, vector<512x256xf32> -> vector<512x256xf32>
    %add3A_69 = vector.broadcast %get3A_4 : vector<512x1xf32> to vector<512x256xf32>
    %add3A_70 = arith.addf %dot_general3A_68, %add3A_69 : vector<512x256xf32>
    %swap3A_71 = arith.constant 4 : index
    %swap3A_72 = arith.constant 0 : index
    %swap3A_73 = arith.constant 0 : index
    %swap3A_74 = vector.load %arg4[%swap3A_71, %swap3A_72, %swap3A_73] : memref<20x512x256xf32, #tpu.memory_space<vmem>>, vector<1x512x256xf32>
    %swap3A_75 = vector.shape_cast %swap3A_74 : vector<1x512x256xf32> to vector<512x256xf32>
    %swap3A_76 = vector.shape_cast %add3A_70 : vector<512x256xf32> to vector<1x512x256xf32>
    tpu.vector_store %arg4[%swap3A_71, %swap3A_72, %swap3A_73], %swap3A_76 {strides = array<i32>} : memref<20x512x256xf32, #tpu.memory_space<vmem>>, vector<1x512x256xf32>,
    %get3A_77 = arith.constant 5 : index
    %get3A_78 = arith.constant 0 : index
    %get3A_79 = arith.constant 0 : index
    %get3A_80 = vector.load %arg1[%get3A_77, %get3A_78, %get3A_79] : memref<20x256x256xbf16, #tpu.memory_space<vmem>>, vector<1x256x256xbf16>
    %get3A_81 = vector.shape_cast %get3A_80 : vector<1x256x256xbf16> to vector<256x256xbf16>
    %dot_general3A_82 = arith.constant dense<0.000000e+00> : vector<512x256xf32>
    %dot_general3A_83 = tpu.matmul %convert_element_type3A, %get3A_81, %dot_general3A_82 {dimension_numbers = #tpu.dot_dimension_numbers<[1], [1], [0], [0], [0, 0, 1, 0], [], []>, transpose_lhs_hint = false} : vector<512x256xbf16>, vector<256x256xbf16>, vector<512x256xf32> -> vector<512x256xf32>
    %add3A_84 = vector.broadcast %get3A_4 : vector<512x1xf32> to vector<512x256xf32>
    %add3A_85 = arith.addf %dot_general3A_83, %add3A_84 : vector<512x256xf32>
    %swap3A_86 = arith.constant 5 : index
    %swap3A_87 = arith.constant 0 : index
    %swap3A_88 = arith.constant 0 : index
    %swap3A_89 = vector.load %arg4[%swap3A_86, %swap3A_87, %swap3A_88] : memref<20x512x256xf32, #tpu.memory_space<vmem>>, vector<1x512x256xf32>
    %swap3A_90 = vector.shape_cast %swap3A_89 : vector<1x512x256xf32> to vector<512x256xf32>
    %swap3A_91 = vector.shape_cast %add3A_85 : vector<512x256xf32> to vector<1x512x256xf32>
    tpu.vector_store %arg4[%swap3A_86, %swap3A_87, %swap3A_88], %swap3A_91 {strides = array<i32>} : memref<20x512x256xf32, #tpu.memory_space<vmem>>, vector<1x512x256xf32>,
    %get3A_92 = arith.constant 6 : index
    %get3A_93 = arith.constant 0 : index
    %get3A_94 = arith.constant 0 : index
    %get3A_95 = vector.load %arg1[%get3A_92, %get3A_93, %get3A_94] : memref<20x256x256xbf16, #tpu.memory_space<vmem>>, vector<1x256x256xbf16>
    %get3A_96 = vector.shape_cast %get3A_95 : vector<1x256x256xbf16> to vector<256x256xbf16>
    %dot_general3A_97 = arith.constant dense<0.000000e+00> : vector<512x256xf32>
    %dot_general3A_98 = tpu.matmul %convert_element_type3A, %get3A_96, %dot_general3A_97 {dimension_numbers = #tpu.dot_dimension_numbers<[1], [1], [0], [0], [0, 0, 1, 0], [], []>, transpose_lhs_hint = false} : vector<512x256xbf16>, vector<256x256xbf16>, vector<512x256xf32> -> vector<512x256xf32>
    %add3A_99 = vector.broadcast %get3A_4 : vector<512x1xf32> to vector<512x256xf32>
    %add3A_100 = arith.addf %dot_general3A_98, %add3A_99 : vector<512x256xf32>
    %swap3A_101 = arith.constant 6 : index
    %swap3A_102 = arith.constant 0 : index
    %swap3A_103 = arith.constant 0 : index
    %swap3A_104 = vector.load %arg4[%swap3A_101, %swap3A_102, %swap3A_103] : memref<20x512x256xf32, #tpu.memory_space<vmem>>, vector<1x512x256xf32>
    %swap3A_105 = vector.shape_cast %swap3A_104 : vector<1x512x256xf32> to vector<512x256xf32>
    %swap3A_106 = vector.shape_cast %add3A_100 : vector<512x256xf32> to vector<1x512x256xf32>
    tpu.vector_store %arg4[%swap3A_101, %swap3A_102, %swap3A_103], %swap3A_106 {strides = array<i32>} : memref<20x512x256xf32, #tpu.memory_space<vmem>>, vector<1x512x256xf32>,
    %get3A_107 = arith.constant 7 : index
    %get3A_108 = arith.constant 0 : index
    %get3A_109 = arith.constant 0 : index
    %get3A_110 = vector.load %arg1[%get3A_107, %get3A_108, %get3A_109] : memref<20x256x256xbf16, #tpu.memory_space<vmem>>, vector<1x256x256xbf16>
    %get3A_111 = vector.shape_cast %get3A_110 : vector<1x256x256xbf16> to vector<256x256xbf16>
    %dot_general3A_112 = arith.constant dense<0.000000e+00> : vector<512x256xf32>
    %dot_general3A_113 = tpu.matmul %convert_element_type3A, %get3A_111, %dot_general3A_112 {dimension_numbers = #tpu.dot_dimension_numbers<[1], [1], [0], [0], [0, 0, 1, 0], [], []>, transpose_lhs_hint = false} : vector<512x256xbf16>, vector<256x256xbf16>, vector<512x256xf32> -> vector<512x256xf32>
    %add3A_114 = vector.broadcast %get3A_4 : vector<512x1xf32> to vector<512x256xf32>
    %add3A_115 = arith.addf %dot_general3A_113, %add3A_114 : vector<512x256xf32>
    %swap3A_116 = arith.constant 7 : index
    %swap3A_117 = arith.constant 0 : index
    %swap3A_118 = arith.constant 0 : index
    %swap3A_119 = vector.load %arg4[%swap3A_116, %swap3A_117, %swap3A_118] : memref<20x512x256xf32, #tpu.memory_space<vmem>>, vector<1x512x256xf32>
    %swap3A_120 = vector.shape_cast %swap3A_119 : vector<1x512x256xf32> to vector<512x256xf32>
    %swap3A_121 = vector.shape_cast %add3A_115 : vector<512x256xf32> to vector<1x512x256xf32>
    tpu.vector_store %arg4[%swap3A_116, %swap3A_117, %swap3A_118], %swap3A_121 {strides = array<i32>} : memref<20x512x256xf32, #tpu.memory_space<vmem>>, vector<1x512x256xf32>,
    %get3A_122 = arith.constant 8 : index
    %get3A_123 = arith.constant 0 : index
    %get3A_124 = arith.constant 0 : index
    %get3A_125 = vector.load %arg1[%get3A_122, %get3A_123, %get3A_124] : memref<20x256x256xbf16, #tpu.memory_space<vmem>>, vector<1x256x256xbf16>
    %get3A_126 = vector.shape_cast %get3A_125 : vector<1x256x256xbf16> to vector<256x256xbf16>
    %dot_general3A_127 = arith.constant dense<0.000000e+00> : vector<512x256xf32>
    %dot_general3A_128 = tpu.matmul %convert_element_type3A, %get3A_126, %dot_general3A_127 {dimension_numbers = #tpu.dot_dimension_numbers<[1], [1], [0], [0], [0, 0, 1, 0], [], []>, transpose_lhs_hint = false} : vector<512x256xbf16>, vector<256x256xbf16>, vector<512x256xf32> -> vector<512x256xf32>
    %add3A_129 = vector.broadcast %get3A_4 : vector<512x1xf32> to vector<512x256xf32>
    %add3A_130 = arith.addf %dot_general3A_128, %add3A_129 : vector<512x256xf32>
    %swap3A_131 = arith.constant 8 : index
    %swap3A_132 = arith.constant 0 : index
    %swap3A_133 = arith.constant 0 : index
    %swap3A_134 = vector.load %arg4[%swap3A_131, %swap3A_132, %swap3A_133] : memref<20x512x256xf32, #tpu.memory_space<vmem>>, vector<1x512x256xf32>
    %swap3A_135 = vector.shape_cast %swap3A_134 : vector<1x512x256xf32> to vector<512x256xf32>
    %swap3A_136 = vector.shape_cast %add3A_130 : vector<512x256xf32> to vector<1x512x256xf32>
    tpu.vector_store %arg4[%swap3A_131, %swap3A_132, %swap3A_133], %swap3A_136 {strides = array<i32>} : memref<20x512x256xf32, #tpu.memory_space<vmem>>, vector<1x512x256xf32>,
    %get3A_137 = arith.constant 9 : index
    %get3A_138 = arith.constant 0 : index
    %get3A_139 = arith.constant 0 : index
    %get3A_140 = vector.load %arg1[%get3A_137, %get3A_138, %get3A_139] : memref<20x256x256xbf16, #tpu.memory_space<vmem>>, vector<1x256x256xbf16>
    %get3A_141 = vector.shape_cast %get3A_140 : vector<1x256x256xbf16> to vector<256x256xbf16>
    %dot_general3A_142 = arith.constant dense<0.000000e+00> : vector<512x256xf32>
    %dot_general3A_143 = tpu.matmul %convert_element_type3A, %get3A_141, %dot_general3A_142 {dimension_numbers = #tpu.dot_dimension_numbers<[1], [1], [0], [0], [0, 0, 1, 0], [], []>, transpose_lhs_hint = false} : vector<512x256xbf16>, vector<256x256xbf16>, vector<512x256xf32> -> vector<512x256xf32>
    %add3A_144 = vector.broadcast %get3A_4 : vector<512x1xf32> to vector<512x256xf32>
    %add3A_145 = arith.addf %dot_general3A_143, %add3A_144 : vector<512x256xf32>
    %swap3A_146 = arith.constant 9 : index
    %swap3A_147 = arith.constant 0 : index
    %swap3A_148 = arith.constant 0 : index
    %swap3A_149 = vector.load %arg4[%swap3A_146, %swap3A_147, %swap3A_148] : memref<20x512x256xf32, #tpu.memory_space<vmem>>, vector<1x512x256xf32>
    %swap3A_150 = vector.shape_cast %swap3A_149 : vector<1x512x256xf32> to vector<512x256xf32>
    %swap3A_151 = vector.shape_cast %add3A_145 : vector<512x256xf32> to vector<1x512x256xf32>
    tpu.vector_store %arg4[%swap3A_146, %swap3A_147, %swap3A_148], %swap3A_151 {strides = array<i32>} : memref<20x512x256xf32, #tpu.memory_space<vmem>>, vector<1x512x256xf32>,
    %get3A_152 = arith.constant 10 : index
    %get3A_153 = arith.constant 0 : index
    %get3A_154 = arith.constant 0 : index
    %get3A_155 = vector.load %arg1[%get3A_152, %get3A_153, %get3A_154] : memref<20x256x256xbf16, #tpu.memory_space<vmem>>, vector<1x256x256xbf16>
    %get3A_156 = vector.shape_cast %get3A_155 : vector<1x256x256xbf16> to vector<256x256xbf16>
    %dot_general3A_157 = arith.constant dense<0.000000e+00> : vector<512x256xf32>
    %dot_general3A_158 = tpu.matmul %convert_element_type3A, %get3A_156, %dot_general3A_157 {dimension_numbers = #tpu.dot_dimension_numbers<[1], [1], [0], [0], [0, 0, 1, 0], [], []>, transpose_lhs_hint = false} : vector<512x256xbf16>, vector<256x256xbf16>, vector<512x256xf32> -> vector<512x256xf32>
    %add3A_159 = vector.broadcast %get3A_4 : vector<512x1xf32> to vector<512x256xf32>
    %add3A_160 = arith.addf %dot_general3A_158, %add3A_159 : vector<512x256xf32>
    %swap3A_161 = arith.constant 10 : index
    %swap3A_162 = arith.constant 0 : index
    %swap3A_163 = arith.constant 0 : index
    %swap3A_164 = vector.load %arg4[%swap3A_161, %swap3A_162, %swap3A_163] : memref<20x512x256xf32, #tpu.memory_space<vmem>>, vector<1x512x256xf32>
    %swap3A_165 = vector.shape_cast %swap3A_164 : vector<1x512x256xf32> to vector<512x256xf32>
    %swap3A_166 = vector.shape_cast %add3A_160 : vector<512x256xf32> to vector<1x512x256xf32>
    tpu.vector_store %arg4[%swap3A_161, %swap3A_162, %swap3A_163], %swap3A_166 {strides = array<i32>} : memref<20x512x256xf32, #tpu.memory_space<vmem>>, vector<1x512x256xf32>,
    %get3A_167 = arith.constant 11 : index
    %get3A_168 = arith.constant 0 : index
    %get3A_169 = arith.constant 0 : index
    %get3A_170 = vector.load %arg1[%get3A_167, %get3A_168, %get3A_169] : memref<20x256x256xbf16, #tpu.memory_space<vmem>>, vector<1x256x256xbf16>
    %get3A_171 = vector.shape_cast %get3A_170 : vector<1x256x256xbf16> to vector<256x256xbf16>
    %dot_general3A_172 = arith.constant dense<0.000000e+00> : vector<512x256xf32>
    %dot_general3A_173 = tpu.matmul %convert_element_type3A, %get3A_171, %dot_general3A_172 {dimension_numbers = #tpu.dot_dimension_numbers<[1], [1], [0], [0], [0, 0, 1, 0], [], []>, transpose_lhs_hint = false} : vector<512x256xbf16>, vector<256x256xbf16>, vector<512x256xf32> -> vector<512x256xf32>
    %add3A_174 = vector.broadcast %get3A_4 : vector<512x1xf32> to vector<512x256xf32>
    %add3A_175 = arith.addf %dot_general3A_173, %add3A_174 : vector<512x256xf32>
    %swap3A_176 = arith.constant 11 : index
    %swap3A_177 = arith.constant 0 : index
    %swap3A_178 = arith.constant 0 : index
    %swap3A_179 = vector.load %arg4[%swap3A_176, %swap3A_177, %swap3A_178] : memref<20x512x256xf32, #tpu.memory_space<vmem>>, vector<1x512x256xf32>
    %swap3A_180 = vector.shape_cast %swap3A_179 : vector<1x512x256xf32> to vector<512x256xf32>
    %swap3A_181 = vector.shape_cast %add3A_175 : vector<512x256xf32> to vector<1x512x256xf32>
    tpu.vector_store %arg4[%swap3A_176, %swap3A_177, %swap3A_178], %swap3A_181 {strides = array<i32>} : memref<20x512x256xf32, #tpu.memory_space<vmem>>, vector<1x512x256xf32>,
    %get3A_182 = arith.constant 12 : index
    %get3A_183 = arith.constant 0 : index
    %get3A_184 = arith.constant 0 : index
    %get3A_185 = vector.load %arg1[%get3A_182, %get3A_183, %get3A_184] : memref<20x256x256xbf16, #tpu.memory_space<vmem>>, vector<1x256x256xbf16>
    %get3A_186 = vector.shape_cast %get3A_185 : vector<1x256x256xbf16> to vector<256x256xbf16>
    %dot_general3A_187 = arith.constant dense<0.000000e+00> : vector<512x256xf32>
    %dot_general3A_188 = tpu.matmul %convert_element_type3A, %get3A_186, %dot_general3A_187 {dimension_numbers = #tpu.dot_dimension_numbers<[1], [1], [0], [0], [0, 0, 1, 0], [], []>, transpose_lhs_hint = false} : vector<512x256xbf16>, vector<256x256xbf16>, vector<512x256xf32> -> vector<512x256xf32>
    %add3A_189 = vector.broadcast %get3A_4 : vector<512x1xf32> to vector<512x256xf32>
    %add3A_190 = arith.addf %dot_general3A_188, %add3A_189 : vector<512x256xf32>
    %swap3A_191 = arith.constant 12 : index
    %swap3A_192 = arith.constant 0 : index
    %swap3A_193 = arith.constant 0 : index
    %swap3A_194 = vector.load %arg4[%swap3A_191, %swap3A_192, %swap3A_193] : memref<20x512x256xf32, #tpu.memory_space<vmem>>, vector<1x512x256xf32>
    %swap3A_195 = vector.shape_cast %swap3A_194 : vector<1x512x256xf32> to vector<512x256xf32>
    %swap3A_196 = vector.shape_cast %add3A_190 : vector<512x256xf32> to vector<1x512x256xf32>
    tpu.vector_store %arg4[%swap3A_191, %swap3A_192, %swap3A_193], %swap3A_196 {strides = array<i32>} : memref<20x512x256xf32, #tpu.memory_space<vmem>>, vector<1x512x256xf32>,
    %get3A_197 = arith.constant 13 : index
    %get3A_198 = arith.constant 0 : index
    %get3A_199 = arith.constant 0 : index
    %get3A_200 = vector.load %arg1[%get3A_197, %get3A_198, %get3A_199] : memref<20x256x256xbf16, #tpu.memory_space<vmem>>, vector<1x256x256xbf16>
    %get3A_201 = vector.shape_cast %get3A_200 : vector<1x256x256xbf16> to vector<256x256xbf16>
    %dot_general3A_202 = arith.constant dense<0.000000e+00> : vector<512x256xf32>
    %dot_general3A_203 = tpu.matmul %convert_element_type3A, %get3A_201, %dot_general3A_202 {dimension_numbers = #tpu.dot_dimension_numbers<[1], [1], [0], [0], [0, 0, 1, 0], [], []>, transpose_lhs_hint = false} : vector<512x256xbf16>, vector<256x256xbf16>, vector<512x256xf32> -> vector<512x256xf32>
    %add3A_204 = vector.broadcast %get3A_4 : vector<512x1xf32> to vector<512x256xf32>
    %add3A_205 = arith.addf %dot_general3A_203, %add3A_204 : vector<512x256xf32>
    %swap3A_206 = arith.constant 13 : index
    %swap3A_207 = arith.constant 0 : index
    %swap3A_208 = arith.constant 0 : index
    %swap3A_209 = vector.load %arg4[%swap3A_206, %swap3A_207, %swap3A_208] : memref<20x512x256xf32, #tpu.memory_space<vmem>>, vector<1x512x256xf32>
    %swap3A_210 = vector.shape_cast %swap3A_209 : vector<1x512x256xf32> to vector<512x256xf32>
    %swap3A_211 = vector.shape_cast %add3A_205 : vector<512x256xf32> to vector<1x512x256xf32>
    tpu.vector_store %arg4[%swap3A_206, %swap3A_207, %swap3A_208], %swap3A_211 {strides = array<i32>} : memref<20x512x256xf32, #tpu.memory_space<vmem>>, vector<1x512x256xf32>,
    %get3A_212 = arith.constant 14 : index
    %get3A_213 = arith.constant 0 : index
    %get3A_214 = arith.constant 0 : index
    %get3A_215 = vector.load %arg1[%get3A_212, %get3A_213, %get3A_214] : memref<20x256x256xbf16, #tpu.memory_space<vmem>>, vector<1x256x256xbf16>
    %get3A_216 = vector.shape_cast %get3A_215 : vector<1x256x256xbf16> to vector<256x256xbf16>
    %dot_general3A_217 = arith.constant dense<0.000000e+00> : vector<512x256xf32>
    %dot_general3A_218 = tpu.matmul %convert_element_type3A, %get3A_216, %dot_general3A_217 {dimension_numbers = #tpu.dot_dimension_numbers<[1], [1], [0], [0], [0, 0, 1, 0], [], []>, transpose_lhs_hint = false} : vector<512x256xbf16>, vector<256x256xbf16>, vector<512x256xf32> -> vector<512x256xf32>
    %add3A_219 = vector.broadcast %get3A_4 : vector<512x1xf32> to vector<512x256xf32>
    %add3A_220 = arith.addf %dot_general3A_218, %add3A_219 : vector<512x256xf32>
    %swap3A_221 = arith.constant 14 : index
    %swap3A_222 = arith.constant 0 : index
    %swap3A_223 = arith.constant 0 : index
    %swap3A_224 = vector.load %arg4[%swap3A_221, %swap3A_222, %swap3A_223] : memref<20x512x256xf32, #tpu.memory_space<vmem>>, vector<1x512x256xf32>
    %swap3A_225 = vector.shape_cast %swap3A_224 : vector<1x512x256xf32> to vector<512x256xf32>
    %swap3A_226 = vector.shape_cast %add3A_220 : vector<512x256xf32> to vector<1x512x256xf32>
    tpu.vector_store %arg4[%swap3A_221, %swap3A_222, %swap3A_223], %swap3A_226 {strides = array<i32>} : memref<20x512x256xf32, #tpu.memory_space<vmem>>, vector<1x512x256xf32>,
    %get3A_227 = arith.constant 15 : index
    %get3A_228 = arith.constant 0 : index
    %get3A_229 = arith.constant 0 : index
    %get3A_230 = vector.load %arg1[%get3A_227, %get3A_228, %get3A_229] : memref<20x256x256xbf16, #tpu.memory_space<vmem>>, vector<1x256x256xbf16>
    %get3A_231 = vector.shape_cast %get3A_230 : vector<1x256x256xbf16> to vector<256x256xbf16>
    %dot_general3A_232 = arith.constant dense<0.000000e+00> : vector<512x256xf32>
    %dot_general3A_233 = tpu.matmul %convert_element_type3A, %get3A_231, %dot_general3A_232 {dimension_numbers = #tpu.dot_dimension_numbers<[1], [1], [0], [0], [0, 0, 1, 0], [], []>, transpose_lhs_hint = false} : vector<512x256xbf16>, vector<256x256xbf16>, vector<512x256xf32> -> vector<512x256xf32>
    %add3A_234 = vector.broadcast %get3A_4 : vector<512x1xf32> to vector<512x256xf32>
    %add3A_235 = arith.addf %dot_general3A_233, %add3A_234 : vector<512x256xf32>
    %swap3A_236 = arith.constant 15 : index
    %swap3A_237 = arith.constant 0 : index
    %swap3A_238 = arith.constant 0 : index
    %swap3A_239 = vector.load %arg4[%swap3A_236, %swap3A_237, %swap3A_238] : memref<20x512x256xf32, #tpu.memory_space<vmem>>, vector<1x512x256xf32>
    %swap3A_240 = vector.shape_cast %swap3A_239 : vector<1x512x256xf32> to vector<512x256xf32>
    %swap3A_241 = vector.shape_cast %add3A_235 : vector<512x256xf32> to vector<1x512x256xf32>
    tpu.vector_store %arg4[%swap3A_236, %swap3A_237, %swap3A_238], %swap3A_241 {strides = array<i32>} : memref<20x512x256xf32, #tpu.memory_space<vmem>>, vector<1x512x256xf32>,
    %get3A_242 = arith.constant 16 : index
    %get3A_243 = arith.constant 0 : index
    %get3A_244 = arith.constant 0 : index
    %get3A_245 = vector.load %arg1[%get3A_242, %get3A_243, %get3A_244] : memref<20x256x256xbf16, #tpu.memory_space<vmem>>, vector<1x256x256xbf16>
    %get3A_246 = vector.shape_cast %get3A_245 : vector<1x256x256xbf16> to vector<256x256xbf16>
    %dot_general3A_247 = arith.constant dense<0.000000e+00> : vector<512x256xf32>
    %dot_general3A_248 = tpu.matmul %convert_element_type3A, %get3A_246, %dot_general3A_247 {dimension_numbers = #tpu.dot_dimension_numbers<[1], [1], [0], [0], [0, 0, 1, 0], [], []>, transpose_lhs_hint = false} : vector<512x256xbf16>, vector<256x256xbf16>, vector<512x256xf32> -> vector<512x256xf32>
    %add3A_249 = vector.broadcast %get3A_4 : vector<512x1xf32> to vector<512x256xf32>
    %add3A_250 = arith.addf %dot_general3A_248, %add3A_249 : vector<512x256xf32>
    %swap3A_251 = arith.constant 16 : index
    %swap3A_252 = arith.constant 0 : index
    %swap3A_253 = arith.constant 0 : index
    %swap3A_254 = vector.load %arg4[%swap3A_251, %swap3A_252, %swap3A_253] : memref<20x512x256xf32, #tpu.memory_space<vmem>>, vector<1x512x256xf32>
    %swap3A_255 = vector.shape_cast %swap3A_254 : vector<1x512x256xf32> to vector<512x256xf32>
    %swap3A_256 = vector.shape_cast %add3A_250 : vector<512x256xf32> to vector<1x512x256xf32>
    tpu.vector_store %arg4[%swap3A_251, %swap3A_252, %swap3A_253], %swap3A_256 {strides = array<i32>} : memref<20x512x256xf32, #tpu.memory_space<vmem>>, vector<1x512x256xf32>,
    %get3A_257 = arith.constant 17 : index
    %get3A_258 = arith.constant 0 : index
    %get3A_259 = arith.constant 0 : index
    %get3A_260 = vector.load %arg1[%get3A_257, %get3A_258, %get3A_259] : memref<20x256x256xbf16, #tpu.memory_space<vmem>>, vector<1x256x256xbf16>
    %get3A_261 = vector.shape_cast %get3A_260 : vector<1x256x256xbf16> to vector<256x256xbf16>
    %dot_general3A_262 = arith.constant dense<0.000000e+00> : vector<512x256xf32>
    %dot_general3A_263 = tpu.matmul %convert_element_type3A, %get3A_261, %dot_general3A_262 {dimension_numbers = #tpu.dot_dimension_numbers<[1], [1], [0], [0], [0, 0, 1, 0], [], []>, transpose_lhs_hint = false} : vector<512x256xbf16>, vector<256x256xbf16>, vector<512x256xf32> -> vector<512x256xf32>
    %add3A_264 = vector.broadcast %get3A_4 : vector<512x1xf32> to vector<512x256xf32>
    %add3A_265 = arith.addf %dot_general3A_263, %add3A_264 : vector<512x256xf32>
    %swap3A_266 = arith.constant 17 : index
    %swap3A_267 = arith.constant 0 : index
    %swap3A_268 = arith.constant 0 : index
    %swap3A_269 = vector.load %arg4[%swap3A_266, %swap3A_267, %swap3A_268] : memref<20x512x256xf32, #tpu.memory_space<vmem>>, vector<1x512x256xf32>
    %swap3A_270 = vector.shape_cast %swap3A_269 : vector<1x512x256xf32> to vector<512x256xf32>
    %swap3A_271 = vector.shape_cast %add3A_265 : vector<512x256xf32> to vector<1x512x256xf32>
    tpu.vector_store %arg4[%swap3A_266, %swap3A_267, %swap3A_268], %swap3A_271 {strides = array<i32>} : memref<20x512x256xf32, #tpu.memory_space<vmem>>, vector<1x512x256xf32>,
    %get3A_272 = arith.constant 18 : index
    %get3A_273 = arith.constant 0 : index
    %get3A_274 = arith.constant 0 : index
    %get3A_275 = vector.load %arg1[%get3A_272, %get3A_273, %get3A_274] : memref<20x256x256xbf16, #tpu.memory_space<vmem>>, vector<1x256x256xbf16>
    %get3A_276 = vector.shape_cast %get3A_275 : vector<1x256x256xbf16> to vector<256x256xbf16>
    %dot_general3A_277 = arith.constant dense<0.000000e+00> : vector<512x256xf32>
    %dot_general3A_278 = tpu.matmul %convert_element_type3A, %get3A_276, %dot_general3A_277 {dimension_numbers = #tpu.dot_dimension_numbers<[1], [1], [0], [0], [0, 0, 1, 0], [], []>, transpose_lhs_hint = false} : vector<512x256xbf16>, vector<256x256xbf16>, vector<512x256xf32> -> vector<512x256xf32>
    %add3A_279 = vector.broadcast %get3A_4 : vector<512x1xf32> to vector<512x256xf32>
    %add3A_280 = arith.addf %dot_general3A_278, %add3A_279 : vector<512x256xf32>
    %swap3A_281 = arith.constant 18 : index
    %swap3A_282 = arith.constant 0 : index
    %swap3A_283 = arith.constant 0 : index
    %swap3A_284 = vector.load %arg4[%swap3A_281, %swap3A_282, %swap3A_283] : memref<20x512x256xf32, #tpu.memory_space<vmem>>, vector<1x512x256xf32>
    %swap3A_285 = vector.shape_cast %swap3A_284 : vector<1x512x256xf32> to vector<512x256xf32>
    %swap3A_286 = vector.shape_cast %add3A_280 : vector<512x256xf32> to vector<1x512x256xf32>
    tpu.vector_store %arg4[%swap3A_281, %swap3A_282, %swap3A_283], %swap3A_286 {strides = array<i32>} : memref<20x512x256xf32, #tpu.memory_space<vmem>>, vector<1x512x256xf32>,
    %get3A_287 = arith.constant 19 : index
    %get3A_288 = arith.constant 0 : index
    %get3A_289 = arith.constant 0 : index
    %get3A_290 = vector.load %arg1[%get3A_287, %get3A_288, %get3A_289] : memref<20x256x256xbf16, #tpu.memory_space<vmem>>, vector<1x256x256xbf16>
    %get3A_291 = vector.shape_cast %get3A_290 : vector<1x256x256xbf16> to vector<256x256xbf16>
    %dot_general3A_292 = arith.constant dense<0.000000e+00> : vector<512x256xf32>
    %dot_general3A_293 = tpu.matmul %convert_element_type3A, %get3A_291, %dot_general3A_292 {dimension_numbers = #tpu.dot_dimension_numbers<[1], [1], [0], [0], [0, 0, 1, 0], [], []>, transpose_lhs_hint = false} : vector<512x256xbf16>, vector<256x256xbf16>, vector<512x256xf32> -> vector<512x256xf32>
    %add3A_294 = vector.broadcast %get3A_4 : vector<512x1xf32> to vector<512x256xf32>
    %add3A_295 = arith.addf %dot_general3A_293, %add3A_294 : vector<512x256xf32>
    %swap3A_296 = arith.constant 19 : index
    %swap3A_297 = arith.constant 0 : index
    %swap3A_298 = arith.constant 0 : index
    %swap3A_299 = vector.load %arg4[%swap3A_296, %swap3A_297, %swap3A_298] : memref<20x512x256xf32, #tpu.memory_space<vmem>>, vector<1x512x256xf32>
    %swap3A_300 = vector.shape_cast %swap3A_299 : vector<1x512x256xf32> to vector<512x256xf32>
    %swap3A_301 = vector.shape_cast %add3A_295 : vector<512x256xf32> to vector<1x512x256xf32>
    tpu.vector_store %arg4[%swap3A_296, %swap3A_297, %swap3A_298], %swap3A_301 {strides = array<i32>} : memref<20x512x256xf32, #tpu.memory_space<vmem>>, vector<1x512x256xf32>,
    return
  }
  func.func @transform_0(%arg0: i32) -> (i32, i32, i32) {
    %c0_i32 = arith.constant 0 : i32
    %c0_i32_0 = arith.constant 0 : i32
    %c0_i32_1 = arith.constant 0 : i32
    %c0_i32_2 = arith.constant 0 : i32
    return %c0_i32, %c0_i32_0, %c0_i32_1 : i32, i32, i32
  }
  func.func @transform_1(%arg0: i32) -> (i32, i32) {
    %c0_i32 = arith.constant 0 : i32
    %c0_i32_0 = arith.constant 0 : i32
    return %arg0, %c0_i32 : i32, i32
  }
  func.func @transform_2(%arg0: i32) -> (i32, i32) {
    %c0_i32 = arith.constant 0 : i32
    %c0_i32_0 = arith.constant 0 : i32
    return %arg0, %c0_i32 : i32, i32
  }
  func.func @transform_3(%arg0: i32) -> (i32, i32, i32) {
    %c0_i32 = arith.constant 0 : i32
    %c0_i32_0 = arith.constant 0 : i32
    %c0_i32_1 = arith.constant 0 : i32
    return %c0_i32, %arg0, %c0_i32_0 : i32, i32, i32
  }
}

module attributes {stable_mosaic.version = 14 : i64} {
  func.func @_fuse_body(%arg0: memref<20x256x128xf32, #tpu.memory_space<vmem>>, %arg1: memref<256x128xf32, #tpu.memory_space<vmem>>, %arg2: memref<20x256xf32, #tpu.memory_space<vmem>>, %arg3: memref<20x256xf32, #tpu.memory_space<vmem>>, %arg4: memref<20x256xf32, #tpu.memory_space<vmem>>, %arg5: memref<256x128xf32, #tpu.memory_space<vmem>>, %arg6: memref<384x128xf32, #tpu.memory_space<vmem>>, %arg7: memref<384x128xf32, #tpu.memory_space<vmem>>, %arg8: memref<1x384xf32, #tpu.memory_space<vmem>>, %arg9: memref<1x384xf32, #tpu.memory_space<vmem>>, %arg10: memref<1x128xf32, #tpu.memory_space<vmem>>, %arg11: memref<1x128xf32, #tpu.memory_space<vmem>>, %arg12: memref<1x128xf32, #tpu.memory_space<vmem>>, %arg13: memref<20x256x256xbf16, #tpu.memory_space<vmem>>, %arg14: memref<20x256x128xf32, #tpu.memory_space<vmem>>, %arg15: memref<20x256x128xf32, #tpu.memory_space<vmem>>, %arg16: memref<20x256x384xf32, #tpu.memory_space<vmem>>) attributes {dimension_semantics = [], scalar_prefetch = 0 : i64, scratch_operands = 3 : i64, tpu.core_type = #tpu.core_type<tc>} {
    %get3A = arith.constant 0 : index
    %get3A_0 = arith.constant 0 : index
    %get3A_1 = arith.constant 0 : index
    %get3A_2 = vector.load %arg0[%get3A, %get3A_0, %get3A_1] : memref<20x256x128xf32, #tpu.memory_space<vmem>>, vector<20x256x128xf32>
    %reshape3A = vector.shape_cast %get3A_2 : vector<20x256x128xf32> to vector<5120x128xf32>
    %convert_element_type3A = arith.truncf %reshape3A : vector<5120x128xf32> to vector<5120x128xbf16>
    %get3A_3 = arith.constant 0 : index
    %get3A_4 = arith.constant 0 : index
    %get3A_5 = vector.load %arg6[%get3A_3, %get3A_4] : memref<384x128xf32, #tpu.memory_space<vmem>>, vector<384x128xf32>
    %convert_element_type3A_6 = arith.truncf %get3A_5 : vector<384x128xf32> to vector<384x128xbf16>
    %dot_general3A = arith.constant dense<0.000000e+00> : vector<5120x384xf32>
    %dot_general3A_7 = tpu.matmul %convert_element_type3A, %convert_element_type3A_6, %dot_general3A {dimension_numbers = #tpu.dot_dimension_numbers<[1], [1], [0], [0], [0, 0, 1, 0], [], []>, transpose_lhs_hint = false} : vector<5120x128xbf16>, vector<384x128xbf16>, vector<5120x384xf32> -> vector<5120x384xf32>
    %reshape3A_8 = vector.shape_cast %dot_general3A_7 : vector<5120x384xf32> to vector<20x256x384xf32>
    %get3A_9 = arith.constant 0 : index
    %get3A_10 = arith.constant 0 : index
    %get3A_11 = vector.load %arg8[%get3A_9, %get3A_10] : memref<1x384xf32, #tpu.memory_space<vmem>>, vector<1x384xf32>
    %broadcast_in_dim3A = vector.shape_cast %get3A_11 : vector<1x384xf32> to vector<1x1x384xf32>
    %add3A = vector.broadcast %broadcast_in_dim3A : vector<1x1x384xf32> to vector<20x256x384xf32>
    %add3A_12 = arith.addf %reshape3A_8, %add3A : vector<20x256x384xf32>
    %swap3A = arith.constant 0 : index
    %swap3A_13 = arith.constant 0 : index
    %swap3A_14 = arith.constant 0 : index
    %swap3A_15 = vector.load %arg16[%swap3A, %swap3A_13, %swap3A_14] : memref<20x256x384xf32, #tpu.memory_space<vmem>>, vector<20x256x384xf32>
    tpu.vector_store %arg16[%swap3A, %swap3A_13, %swap3A_14], %add3A_12 {strides = array<i32>} : memref<20x256x384xf32, #tpu.memory_space<vmem>>, vector<20x256x384xf32>,
    %get3A_16 = arith.constant 0 : index
    %get3A_17 = arith.constant 0 : index
    %get3A_18 = vector.load %arg7[%get3A_16, %get3A_17] : memref<384x128xf32, #tpu.memory_space<vmem>>, vector<384x128xf32>
    %convert_element_type3A_19 = arith.truncf %get3A_18 : vector<384x128xf32> to vector<384x128xbf16>
    %get3A_20 = arith.constant 0 : index
    %get3A_21 = arith.constant 0 : index
    %get3A_22 = vector.load %arg9[%get3A_20, %get3A_21] : memref<1x384xf32, #tpu.memory_space<vmem>>, vector<1x384xf32>
    %get3A_23 = arith.constant 0 : index
    %get3A_24 = arith.constant 0 : index
    %get3A_25 = vector.load %arg5[%get3A_23, %get3A_24] : memref<256x128xf32, #tpu.memory_space<vmem>>, vector<256x128xf32>
    %scan3A = arith.constant 0 : i32
    %get3A_26 = arith.index_cast %scan3A : i32 to index
    %get3A_27 = arith.constant 0 : index
    %get3A_28 = arith.constant 0 : index
    %get3A_29 = vector.load %arg16[%get3A_26, %get3A_27, %get3A_28] : memref<20x256x384xf32, #tpu.memory_space<vmem>>, vector<1x256x384xf32>
    %get3A_30 = vector.shape_cast %get3A_29 : vector<1x256x384xf32> to vector<256x384xf32>
    %convert_element_type3A_31 = arith.truncf %get3A_25 : vector<256x128xf32> to vector<256x128xbf16>
    %dot_general3A_32 = arith.constant dense<0.000000e+00> : vector<256x384xf32>
    %dot_general3A_33 = tpu.matmul %convert_element_type3A_31, %convert_element_type3A_19, %dot_general3A_32 {dimension_numbers = #tpu.dot_dimension_numbers<[1], [1], [0], [0], [0, 0, 1, 0], [], []>, transpose_lhs_hint = false} : vector<256x128xbf16>, vector<384x128xbf16>, vector<256x384xf32> -> vector<256x384xf32>
    %add3A_34 = vector.broadcast %get3A_22 : vector<1x384xf32> to vector<256x384xf32>
    %add3A_35 = arith.addf %dot_general3A_33, %add3A_34 : vector<256x384xf32>
    %slice3A = vector.extract_strided_slice %get3A_30 {offsets = [0, 0], sizes = [256, 128], strides = [1, 1]} : vector<256x384xf32> to vector<256x128xf32>
    %slice3A_36 = vector.extract_strided_slice %add3A_35 {offsets = [0, 0], sizes = [256, 128], strides = [1, 1]} : vector<256x384xf32> to vector<256x128xf32>
    %add3A_37 = arith.addf %slice3A, %slice3A_36 : vector<256x128xf32>
    %logistic3A = arith.negf %add3A_37 : vector<256x128xf32>
    %logistic3A_38 = math.exp %logistic3A : vector<256x128xf32>
    %logistic3A_39 = arith.constant 1.000000e+00 : f32
    %logistic3A_40 = vector.broadcast %logistic3A_39 : f32 to vector<256x128xf32>
    %logistic3A_41 = arith.addf %logistic3A_40, %logistic3A_38 : vector<256x128xf32>
    %logistic3A_42 = arith.divf %logistic3A_40, %logistic3A_41 : vector<256x128xf32>
    %slice3A_43 = vector.extract_strided_slice %get3A_30 {offsets = [0, 128], sizes = [256, 128], strides = [1, 1]} : vector<256x384xf32> to vector<256x128xf32>
    %slice3A_44 = vector.extract_strided_slice %add3A_35 {offsets = [0, 128], sizes = [256, 128], strides = [1, 1]} : vector<256x384xf32> to vector<256x128xf32>
    %add3A_45 = arith.addf %slice3A_43, %slice3A_44 : vector<256x128xf32>
    %logistic3A_46 = arith.negf %add3A_45 : vector<256x128xf32>
    %logistic3A_47 = math.exp %logistic3A_46 : vector<256x128xf32>
    %logistic3A_48 = arith.constant 1.000000e+00 : f32
    %logistic3A_49 = vector.broadcast %logistic3A_48 : f32 to vector<256x128xf32>
    %logistic3A_50 = arith.addf %logistic3A_49, %logistic3A_47 : vector<256x128xf32>
    %logistic3A_51 = arith.divf %logistic3A_49, %logistic3A_50 : vector<256x128xf32>
    %slice3A_52 = vector.extract_strided_slice %get3A_30 {offsets = [0, 256], sizes = [256, 128], strides = [1, 1]} : vector<256x384xf32> to vector<256x128xf32>
    %slice3A_53 = vector.extract_strided_slice %add3A_35 {offsets = [0, 256], sizes = [256, 128], strides = [1, 1]} : vector<256x384xf32> to vector<256x128xf32>
    %mul3A = arith.mulf %logistic3A_42, %slice3A_53 : vector<256x128xf32>
    %add3A_54 = arith.addf %slice3A_52, %mul3A : vector<256x128xf32>
    %tanh3A = math.tanh %add3A_54 : vector<256x128xf32>
    %sub3A = arith.constant 1.000000e+00 : f32
    %sub3A_55 = vector.broadcast %sub3A : f32 to vector<256x128xf32>
    %sub3A_56 = arith.subf %sub3A_55, %logistic3A_51 : vector<256x128xf32>
    %mul3A_57 = arith.mulf %sub3A_56, %tanh3A : vector<256x128xf32>
    %mul3A_58 = arith.mulf %logistic3A_51, %get3A_25 : vector<256x128xf32>
    %add3A_59 = arith.addf %mul3A_57, %mul3A_58 : vector<256x128xf32>
    %broadcast_in_dim3A_60 = vector.shape_cast %add3A_59 : vector<256x128xf32> to vector<1x256x128xf32>
    %swap3A_61 = arith.index_cast %scan3A : i32 to index
    %swap3A_62 = arith.constant 0 : index
    %swap3A_63 = arith.constant 0 : index
    %swap3A_64 = vector.load %arg14[%swap3A_61, %swap3A_62, %swap3A_63] : memref<20x256x128xf32, #tpu.memory_space<vmem>>, vector<1x256x128xf32>
    tpu.vector_store %arg14[%swap3A_61, %swap3A_62, %swap3A_63], %broadcast_in_dim3A_60 {strides = array<i32>} : memref<20x256x128xf32, #tpu.memory_space<vmem>>, vector<1x256x128xf32>,
    %scan3A_65 = arith.constant 1 : i32
    %get3A_66 = arith.index_cast %scan3A_65 : i32 to index
    %get3A_67 = arith.constant 0 : index
    %get3A_68 = arith.constant 0 : index
    %get3A_69 = vector.load %arg16[%get3A_66, %get3A_67, %get3A_68] : memref<20x256x384xf32, #tpu.memory_space<vmem>>, vector<1x256x384xf32>
    %get3A_70 = vector.shape_cast %get3A_69 : vector<1x256x384xf32> to vector<256x384xf32>
    %convert_element_type3A_71 = arith.truncf %add3A_59 : vector<256x128xf32> to vector<256x128xbf16>
    %dot_general3A_72 = arith.constant dense<0.000000e+00> : vector<256x384xf32>
    %dot_general3A_73 = tpu.matmul %convert_element_type3A_71, %convert_element_type3A_19, %dot_general3A_72 {dimension_numbers = #tpu.dot_dimension_numbers<[1], [1], [0], [0], [0, 0, 1, 0], [], []>, transpose_lhs_hint = false} : vector<256x128xbf16>, vector<384x128xbf16>, vector<256x384xf32> -> vector<256x384xf32>
    %add3A_74 = vector.broadcast %get3A_22 : vector<1x384xf32> to vector<256x384xf32>
    %add3A_75 = arith.addf %dot_general3A_73, %add3A_74 : vector<256x384xf32>
    %slice3A_76 = vector.extract_strided_slice %get3A_70 {offsets = [0, 0], sizes = [256, 128], strides = [1, 1]} : vector<256x384xf32> to vector<256x128xf32>
    %slice3A_77 = vector.extract_strided_slice %add3A_75 {offsets = [0, 0], sizes = [256, 128], strides = [1, 1]} : vector<256x384xf32> to vector<256x128xf32>
    %add3A_78 = arith.addf %slice3A_76, %slice3A_77 : vector<256x128xf32>
    %logistic3A_79 = arith.negf %add3A_78 : vector<256x128xf32>
    %logistic3A_80 = math.exp %logistic3A_79 : vector<256x128xf32>
    %logistic3A_81 = arith.constant 1.000000e+00 : f32
    %logistic3A_82 = vector.broadcast %logistic3A_81 : f32 to vector<256x128xf32>
    %logistic3A_83 = arith.addf %logistic3A_82, %logistic3A_80 : vector<256x128xf32>
    %logistic3A_84 = arith.divf %logistic3A_82, %logistic3A_83 : vector<256x128xf32>
    %slice3A_85 = vector.extract_strided_slice %get3A_70 {offsets = [0, 128], sizes = [256, 128], strides = [1, 1]} : vector<256x384xf32> to vector<256x128xf32>
    %slice3A_86 = vector.extract_strided_slice %add3A_75 {offsets = [0, 128], sizes = [256, 128], strides = [1, 1]} : vector<256x384xf32> to vector<256x128xf32>
    %add3A_87 = arith.addf %slice3A_85, %slice3A_86 : vector<256x128xf32>
    %logistic3A_88 = arith.negf %add3A_87 : vector<256x128xf32>
    %logistic3A_89 = math.exp %logistic3A_88 : vector<256x128xf32>
    %logistic3A_90 = arith.constant 1.000000e+00 : f32
    %logistic3A_91 = vector.broadcast %logistic3A_90 : f32 to vector<256x128xf32>
    %logistic3A_92 = arith.addf %logistic3A_91, %logistic3A_89 : vector<256x128xf32>
    %logistic3A_93 = arith.divf %logistic3A_91, %logistic3A_92 : vector<256x128xf32>
    %slice3A_94 = vector.extract_strided_slice %get3A_70 {offsets = [0, 256], sizes = [256, 128], strides = [1, 1]} : vector<256x384xf32> to vector<256x128xf32>
    %slice3A_95 = vector.extract_strided_slice %add3A_75 {offsets = [0, 256], sizes = [256, 128], strides = [1, 1]} : vector<256x384xf32> to vector<256x128xf32>
    %mul3A_96 = arith.mulf %logistic3A_84, %slice3A_95 : vector<256x128xf32>
    %add3A_97 = arith.addf %slice3A_94, %mul3A_96 : vector<256x128xf32>
    %tanh3A_98 = math.tanh %add3A_97 : vector<256x128xf32>
    %sub3A_99 = arith.constant 1.000000e+00 : f32
    %sub3A_100 = vector.broadcast %sub3A_99 : f32 to vector<256x128xf32>
    %sub3A_101 = arith.subf %sub3A_100, %logistic3A_93 : vector<256x128xf32>
    %mul3A_102 = arith.mulf %sub3A_101, %tanh3A_98 : vector<256x128xf32>
    %mul3A_103 = arith.mulf %logistic3A_93, %add3A_59 : vector<256x128xf32>
    %add3A_104 = arith.addf %mul3A_102, %mul3A_103 : vector<256x128xf32>
    %broadcast_in_dim3A_105 = vector.shape_cast %add3A_104 : vector<256x128xf32> to vector<1x256x128xf32>
    %swap3A_106 = arith.index_cast %scan3A_65 : i32 to index
    %swap3A_107 = arith.constant 0 : index
    %swap3A_108 = arith.constant 0 : index
    %swap3A_109 = vector.load %arg14[%swap3A_106, %swap3A_107, %swap3A_108] : memref<20x256x128xf32, #tpu.memory_space<vmem>>, vector<1x256x128xf32>
    tpu.vector_store %arg14[%swap3A_106, %swap3A_107, %swap3A_108], %broadcast_in_dim3A_105 {strides = array<i32>} : memref<20x256x128xf32, #tpu.memory_space<vmem>>, vector<1x256x128xf32>,
    %scan3A_110 = arith.constant 2 : i32
    %get3A_111 = arith.index_cast %scan3A_110 : i32 to index
    %get3A_112 = arith.constant 0 : index
    %get3A_113 = arith.constant 0 : index
    %get3A_114 = vector.load %arg16[%get3A_111, %get3A_112, %get3A_113] : memref<20x256x384xf32, #tpu.memory_space<vmem>>, vector<1x256x384xf32>
    %get3A_115 = vector.shape_cast %get3A_114 : vector<1x256x384xf32> to vector<256x384xf32>
    %convert_element_type3A_116 = arith.truncf %add3A_104 : vector<256x128xf32> to vector<256x128xbf16>
    %dot_general3A_117 = arith.constant dense<0.000000e+00> : vector<256x384xf32>
    %dot_general3A_118 = tpu.matmul %convert_element_type3A_116, %convert_element_type3A_19, %dot_general3A_117 {dimension_numbers = #tpu.dot_dimension_numbers<[1], [1], [0], [0], [0, 0, 1, 0], [], []>, transpose_lhs_hint = false} : vector<256x128xbf16>, vector<384x128xbf16>, vector<256x384xf32> -> vector<256x384xf32>
    %add3A_119 = vector.broadcast %get3A_22 : vector<1x384xf32> to vector<256x384xf32>
    %add3A_120 = arith.addf %dot_general3A_118, %add3A_119 : vector<256x384xf32>
    %slice3A_121 = vector.extract_strided_slice %get3A_115 {offsets = [0, 0], sizes = [256, 128], strides = [1, 1]} : vector<256x384xf32> to vector<256x128xf32>
    %slice3A_122 = vector.extract_strided_slice %add3A_120 {offsets = [0, 0], sizes = [256, 128], strides = [1, 1]} : vector<256x384xf32> to vector<256x128xf32>
    %add3A_123 = arith.addf %slice3A_121, %slice3A_122 : vector<256x128xf32>
    %logistic3A_124 = arith.negf %add3A_123 : vector<256x128xf32>
    %logistic3A_125 = math.exp %logistic3A_124 : vector<256x128xf32>
    %logistic3A_126 = arith.constant 1.000000e+00 : f32
    %logistic3A_127 = vector.broadcast %logistic3A_126 : f32 to vector<256x128xf32>
    %logistic3A_128 = arith.addf %logistic3A_127, %logistic3A_125 : vector<256x128xf32>
    %logistic3A_129 = arith.divf %logistic3A_127, %logistic3A_128 : vector<256x128xf32>
    %slice3A_130 = vector.extract_strided_slice %get3A_115 {offsets = [0, 128], sizes = [256, 128], strides = [1, 1]} : vector<256x384xf32> to vector<256x128xf32>
    %slice3A_131 = vector.extract_strided_slice %add3A_120 {offsets = [0, 128], sizes = [256, 128], strides = [1, 1]} : vector<256x384xf32> to vector<256x128xf32>
    %add3A_132 = arith.addf %slice3A_130, %slice3A_131 : vector<256x128xf32>
    %logistic3A_133 = arith.negf %add3A_132 : vector<256x128xf32>
    %logistic3A_134 = math.exp %logistic3A_133 : vector<256x128xf32>
    %logistic3A_135 = arith.constant 1.000000e+00 : f32
    %logistic3A_136 = vector.broadcast %logistic3A_135 : f32 to vector<256x128xf32>
    %logistic3A_137 = arith.addf %logistic3A_136, %logistic3A_134 : vector<256x128xf32>
    %logistic3A_138 = arith.divf %logistic3A_136, %logistic3A_137 : vector<256x128xf32>
    %slice3A_139 = vector.extract_strided_slice %get3A_115 {offsets = [0, 256], sizes = [256, 128], strides = [1, 1]} : vector<256x384xf32> to vector<256x128xf32>
    %slice3A_140 = vector.extract_strided_slice %add3A_120 {offsets = [0, 256], sizes = [256, 128], strides = [1, 1]} : vector<256x384xf32> to vector<256x128xf32>
    %mul3A_141 = arith.mulf %logistic3A_129, %slice3A_140 : vector<256x128xf32>
    %add3A_142 = arith.addf %slice3A_139, %mul3A_141 : vector<256x128xf32>
    %tanh3A_143 = math.tanh %add3A_142 : vector<256x128xf32>
    %sub3A_144 = arith.constant 1.000000e+00 : f32
    %sub3A_145 = vector.broadcast %sub3A_144 : f32 to vector<256x128xf32>
    %sub3A_146 = arith.subf %sub3A_145, %logistic3A_138 : vector<256x128xf32>
    %mul3A_147 = arith.mulf %sub3A_146, %tanh3A_143 : vector<256x128xf32>
    %mul3A_148 = arith.mulf %logistic3A_138, %add3A_104 : vector<256x128xf32>
    %add3A_149 = arith.addf %mul3A_147, %mul3A_148 : vector<256x128xf32>
    %broadcast_in_dim3A_150 = vector.shape_cast %add3A_149 : vector<256x128xf32> to vector<1x256x128xf32>
    %swap3A_151 = arith.index_cast %scan3A_110 : i32 to index
    %swap3A_152 = arith.constant 0 : index
    %swap3A_153 = arith.constant 0 : index
    %swap3A_154 = vector.load %arg14[%swap3A_151, %swap3A_152, %swap3A_153] : memref<20x256x128xf32, #tpu.memory_space<vmem>>, vector<1x256x128xf32>
    tpu.vector_store %arg14[%swap3A_151, %swap3A_152, %swap3A_153], %broadcast_in_dim3A_150 {strides = array<i32>} : memref<20x256x128xf32, #tpu.memory_space<vmem>>, vector<1x256x128xf32>,
    %scan3A_155 = arith.constant 3 : i32
    %get3A_156 = arith.index_cast %scan3A_155 : i32 to index
    %get3A_157 = arith.constant 0 : index
    %get3A_158 = arith.constant 0 : index
    %get3A_159 = vector.load %arg16[%get3A_156, %get3A_157, %get3A_158] : memref<20x256x384xf32, #tpu.memory_space<vmem>>, vector<1x256x384xf32>
    %get3A_160 = vector.shape_cast %get3A_159 : vector<1x256x384xf32> to vector<256x384xf32>
    %convert_element_type3A_161 = arith.truncf %add3A_149 : vector<256x128xf32> to vector<256x128xbf16>
    %dot_general3A_162 = arith.constant dense<0.000000e+00> : vector<256x384xf32>
    %dot_general3A_163 = tpu.matmul %convert_element_type3A_161, %convert_element_type3A_19, %dot_general3A_162 {dimension_numbers = #tpu.dot_dimension_numbers<[1], [1], [0], [0], [0, 0, 1, 0], [], []>, transpose_lhs_hint = false} : vector<256x128xbf16>, vector<384x128xbf16>, vector<256x384xf32> -> vector<256x384xf32>
    %add3A_164 = vector.broadcast %get3A_22 : vector<1x384xf32> to vector<256x384xf32>
    %add3A_165 = arith.addf %dot_general3A_163, %add3A_164 : vector<256x384xf32>
    %slice3A_166 = vector.extract_strided_slice %get3A_160 {offsets = [0, 0], sizes = [256, 128], strides = [1, 1]} : vector<256x384xf32> to vector<256x128xf32>
    %slice3A_167 = vector.extract_strided_slice %add3A_165 {offsets = [0, 0], sizes = [256, 128], strides = [1, 1]} : vector<256x384xf32> to vector<256x128xf32>
    %add3A_168 = arith.addf %slice3A_166, %slice3A_167 : vector<256x128xf32>
    %logistic3A_169 = arith.negf %add3A_168 : vector<256x128xf32>
    %logistic3A_170 = math.exp %logistic3A_169 : vector<256x128xf32>
    %logistic3A_171 = arith.constant 1.000000e+00 : f32
    %logistic3A_172 = vector.broadcast %logistic3A_171 : f32 to vector<256x128xf32>
    %logistic3A_173 = arith.addf %logistic3A_172, %logistic3A_170 : vector<256x128xf32>
    %logistic3A_174 = arith.divf %logistic3A_172, %logistic3A_173 : vector<256x128xf32>
    %slice3A_175 = vector.extract_strided_slice %get3A_160 {offsets = [0, 128], sizes = [256, 128], strides = [1, 1]} : vector<256x384xf32> to vector<256x128xf32>
    %slice3A_176 = vector.extract_strided_slice %add3A_165 {offsets = [0, 128], sizes = [256, 128], strides = [1, 1]} : vector<256x384xf32> to vector<256x128xf32>
    %add3A_177 = arith.addf %slice3A_175, %slice3A_176 : vector<256x128xf32>
    %logistic3A_178 = arith.negf %add3A_177 : vector<256x128xf32>
    %logistic3A_179 = math.exp %logistic3A_178 : vector<256x128xf32>
    %logistic3A_180 = arith.constant 1.000000e+00 : f32
    %logistic3A_181 = vector.broadcast %logistic3A_180 : f32 to vector<256x128xf32>
    %logistic3A_182 = arith.addf %logistic3A_181, %logistic3A_179 : vector<256x128xf32>
    %logistic3A_183 = arith.divf %logistic3A_181, %logistic3A_182 : vector<256x128xf32>
    %slice3A_184 = vector.extract_strided_slice %get3A_160 {offsets = [0, 256], sizes = [256, 128], strides = [1, 1]} : vector<256x384xf32> to vector<256x128xf32>
    %slice3A_185 = vector.extract_strided_slice %add3A_165 {offsets = [0, 256], sizes = [256, 128], strides = [1, 1]} : vector<256x384xf32> to vector<256x128xf32>
    %mul3A_186 = arith.mulf %logistic3A_174, %slice3A_185 : vector<256x128xf32>
    %add3A_187 = arith.addf %slice3A_184, %mul3A_186 : vector<256x128xf32>
    %tanh3A_188 = math.tanh %add3A_187 : vector<256x128xf32>
    %sub3A_189 = arith.constant 1.000000e+00 : f32
    %sub3A_190 = vector.broadcast %sub3A_189 : f32 to vector<256x128xf32>
    %sub3A_191 = arith.subf %sub3A_190, %logistic3A_183 : vector<256x128xf32>
    %mul3A_192 = arith.mulf %sub3A_191, %tanh3A_188 : vector<256x128xf32>
    %mul3A_193 = arith.mulf %logistic3A_183, %add3A_149 : vector<256x128xf32>
    %add3A_194 = arith.addf %mul3A_192, %mul3A_193 : vector<256x128xf32>
    %broadcast_in_dim3A_195 = vector.shape_cast %add3A_194 : vector<256x128xf32> to vector<1x256x128xf32>
    %swap3A_196 = arith.index_cast %scan3A_155 : i32 to index
    %swap3A_197 = arith.constant 0 : index
    %swap3A_198 = arith.constant 0 : index
    %swap3A_199 = vector.load %arg14[%swap3A_196, %swap3A_197, %swap3A_198] : memref<20x256x128xf32, #tpu.memory_space<vmem>>, vector<1x256x128xf32>
    tpu.vector_store %arg14[%swap3A_196, %swap3A_197, %swap3A_198], %broadcast_in_dim3A_195 {strides = array<i32>} : memref<20x256x128xf32, #tpu.memory_space<vmem>>, vector<1x256x128xf32>,
    %scan3A_200 = arith.constant 4 : i32
    %get3A_201 = arith.index_cast %scan3A_200 : i32 to index
    %get3A_202 = arith.constant 0 : index
    %get3A_203 = arith.constant 0 : index
    %get3A_204 = vector.load %arg16[%get3A_201, %get3A_202, %get3A_203] : memref<20x256x384xf32, #tpu.memory_space<vmem>>, vector<1x256x384xf32>
    %get3A_205 = vector.shape_cast %get3A_204 : vector<1x256x384xf32> to vector<256x384xf32>
    %convert_element_type3A_206 = arith.truncf %add3A_194 : vector<256x128xf32> to vector<256x128xbf16>
    %dot_general3A_207 = arith.constant dense<0.000000e+00> : vector<256x384xf32>
    %dot_general3A_208 = tpu.matmul %convert_element_type3A_206, %convert_element_type3A_19, %dot_general3A_207 {dimension_numbers = #tpu.dot_dimension_numbers<[1], [1], [0], [0], [0, 0, 1, 0], [], []>, transpose_lhs_hint = false} : vector<256x128xbf16>, vector<384x128xbf16>, vector<256x384xf32> -> vector<256x384xf32>
    %add3A_209 = vector.broadcast %get3A_22 : vector<1x384xf32> to vector<256x384xf32>
    %add3A_210 = arith.addf %dot_general3A_208, %add3A_209 : vector<256x384xf32>
    %slice3A_211 = vector.extract_strided_slice %get3A_205 {offsets = [0, 0], sizes = [256, 128], strides = [1, 1]} : vector<256x384xf32> to vector<256x128xf32>
    %slice3A_212 = vector.extract_strided_slice %add3A_210 {offsets = [0, 0], sizes = [256, 128], strides = [1, 1]} : vector<256x384xf32> to vector<256x128xf32>
    %add3A_213 = arith.addf %slice3A_211, %slice3A_212 : vector<256x128xf32>
    %logistic3A_214 = arith.negf %add3A_213 : vector<256x128xf32>
    %logistic3A_215 = math.exp %logistic3A_214 : vector<256x128xf32>
    %logistic3A_216 = arith.constant 1.000000e+00 : f32
    %logistic3A_217 = vector.broadcast %logistic3A_216 : f32 to vector<256x128xf32>
    %logistic3A_218 = arith.addf %logistic3A_217, %logistic3A_215 : vector<256x128xf32>
    %logistic3A_219 = arith.divf %logistic3A_217, %logistic3A_218 : vector<256x128xf32>
    %slice3A_220 = vector.extract_strided_slice %get3A_205 {offsets = [0, 128], sizes = [256, 128], strides = [1, 1]} : vector<256x384xf32> to vector<256x128xf32>
    %slice3A_221 = vector.extract_strided_slice %add3A_210 {offsets = [0, 128], sizes = [256, 128], strides = [1, 1]} : vector<256x384xf32> to vector<256x128xf32>
    %add3A_222 = arith.addf %slice3A_220, %slice3A_221 : vector<256x128xf32>
    %logistic3A_223 = arith.negf %add3A_222 : vector<256x128xf32>
    %logistic3A_224 = math.exp %logistic3A_223 : vector<256x128xf32>
    %logistic3A_225 = arith.constant 1.000000e+00 : f32
    %logistic3A_226 = vector.broadcast %logistic3A_225 : f32 to vector<256x128xf32>
    %logistic3A_227 = arith.addf %logistic3A_226, %logistic3A_224 : vector<256x128xf32>
    %logistic3A_228 = arith.divf %logistic3A_226, %logistic3A_227 : vector<256x128xf32>
    %slice3A_229 = vector.extract_strided_slice %get3A_205 {offsets = [0, 256], sizes = [256, 128], strides = [1, 1]} : vector<256x384xf32> to vector<256x128xf32>
    %slice3A_230 = vector.extract_strided_slice %add3A_210 {offsets = [0, 256], sizes = [256, 128], strides = [1, 1]} : vector<256x384xf32> to vector<256x128xf32>
    %mul3A_231 = arith.mulf %logistic3A_219, %slice3A_230 : vector<256x128xf32>
    %add3A_232 = arith.addf %slice3A_229, %mul3A_231 : vector<256x128xf32>
    %tanh3A_233 = math.tanh %add3A_232 : vector<256x128xf32>
    %sub3A_234 = arith.constant 1.000000e+00 : f32
    %sub3A_235 = vector.broadcast %sub3A_234 : f32 to vector<256x128xf32>
    %sub3A_236 = arith.subf %sub3A_235, %logistic3A_228 : vector<256x128xf32>
    %mul3A_237 = arith.mulf %sub3A_236, %tanh3A_233 : vector<256x128xf32>
    %mul3A_238 = arith.mulf %logistic3A_228, %add3A_194 : vector<256x128xf32>
    %add3A_239 = arith.addf %mul3A_237, %mul3A_238 : vector<256x128xf32>
    %broadcast_in_dim3A_240 = vector.shape_cast %add3A_239 : vector<256x128xf32> to vector<1x256x128xf32>
    %swap3A_241 = arith.index_cast %scan3A_200 : i32 to index
    %swap3A_242 = arith.constant 0 : index
    %swap3A_243 = arith.constant 0 : index
    %swap3A_244 = vector.load %arg14[%swap3A_241, %swap3A_242, %swap3A_243] : memref<20x256x128xf32, #tpu.memory_space<vmem>>, vector<1x256x128xf32>
    tpu.vector_store %arg14[%swap3A_241, %swap3A_242, %swap3A_243], %broadcast_in_dim3A_240 {strides = array<i32>} : memref<20x256x128xf32, #tpu.memory_space<vmem>>, vector<1x256x128xf32>,
    %scan3A_245 = arith.constant 5 : i32
    %get3A_246 = arith.index_cast %scan3A_245 : i32 to index
    %get3A_247 = arith.constant 0 : index
    %get3A_248 = arith.constant 0 : index
    %get3A_249 = vector.load %arg16[%get3A_246, %get3A_247, %get3A_248] : memref<20x256x384xf32, #tpu.memory_space<vmem>>, vector<1x256x384xf32>
    %get3A_250 = vector.shape_cast %get3A_249 : vector<1x256x384xf32> to vector<256x384xf32>
    %convert_element_type3A_251 = arith.truncf %add3A_239 : vector<256x128xf32> to vector<256x128xbf16>
    %dot_general3A_252 = arith.constant dense<0.000000e+00> : vector<256x384xf32>
    %dot_general3A_253 = tpu.matmul %convert_element_type3A_251, %convert_element_type3A_19, %dot_general3A_252 {dimension_numbers = #tpu.dot_dimension_numbers<[1], [1], [0], [0], [0, 0, 1, 0], [], []>, transpose_lhs_hint = false} : vector<256x128xbf16>, vector<384x128xbf16>, vector<256x384xf32> -> vector<256x384xf32>
    %add3A_254 = vector.broadcast %get3A_22 : vector<1x384xf32> to vector<256x384xf32>
    %add3A_255 = arith.addf %dot_general3A_253, %add3A_254 : vector<256x384xf32>
    %slice3A_256 = vector.extract_strided_slice %get3A_250 {offsets = [0, 0], sizes = [256, 128], strides = [1, 1]} : vector<256x384xf32> to vector<256x128xf32>
    %slice3A_257 = vector.extract_strided_slice %add3A_255 {offsets = [0, 0], sizes = [256, 128], strides = [1, 1]} : vector<256x384xf32> to vector<256x128xf32>
    %add3A_258 = arith.addf %slice3A_256, %slice3A_257 : vector<256x128xf32>
    %logistic3A_259 = arith.negf %add3A_258 : vector<256x128xf32>
    %logistic3A_260 = math.exp %logistic3A_259 : vector<256x128xf32>
    %logistic3A_261 = arith.constant 1.000000e+00 : f32
    %logistic3A_262 = vector.broadcast %logistic3A_261 : f32 to vector<256x128xf32>
    %logistic3A_263 = arith.addf %logistic3A_262, %logistic3A_260 : vector<256x128xf32>
    %logistic3A_264 = arith.divf %logistic3A_262, %logistic3A_263 : vector<256x128xf32>
    %slice3A_265 = vector.extract_strided_slice %get3A_250 {offsets = [0, 128], sizes = [256, 128], strides = [1, 1]} : vector<256x384xf32> to vector<256x128xf32>
    %slice3A_266 = vector.extract_strided_slice %add3A_255 {offsets = [0, 128], sizes = [256, 128], strides = [1, 1]} : vector<256x384xf32> to vector<256x128xf32>
    %add3A_267 = arith.addf %slice3A_265, %slice3A_266 : vector<256x128xf32>
    %logistic3A_268 = arith.negf %add3A_267 : vector<256x128xf32>
    %logistic3A_269 = math.exp %logistic3A_268 : vector<256x128xf32>
    %logistic3A_270 = arith.constant 1.000000e+00 : f32
    %logistic3A_271 = vector.broadcast %logistic3A_270 : f32 to vector<256x128xf32>
    %logistic3A_272 = arith.addf %logistic3A_271, %logistic3A_269 : vector<256x128xf32>
    %logistic3A_273 = arith.divf %logistic3A_271, %logistic3A_272 : vector<256x128xf32>
    %slice3A_274 = vector.extract_strided_slice %get3A_250 {offsets = [0, 256], sizes = [256, 128], strides = [1, 1]} : vector<256x384xf32> to vector<256x128xf32>
    %slice3A_275 = vector.extract_strided_slice %add3A_255 {offsets = [0, 256], sizes = [256, 128], strides = [1, 1]} : vector<256x384xf32> to vector<256x128xf32>
    %mul3A_276 = arith.mulf %logistic3A_264, %slice3A_275 : vector<256x128xf32>
    %add3A_277 = arith.addf %slice3A_274, %mul3A_276 : vector<256x128xf32>
    %tanh3A_278 = math.tanh %add3A_277 : vector<256x128xf32>
    %sub3A_279 = arith.constant 1.000000e+00 : f32
    %sub3A_280 = vector.broadcast %sub3A_279 : f32 to vector<256x128xf32>
    %sub3A_281 = arith.subf %sub3A_280, %logistic3A_273 : vector<256x128xf32>
    %mul3A_282 = arith.mulf %sub3A_281, %tanh3A_278 : vector<256x128xf32>
    %mul3A_283 = arith.mulf %logistic3A_273, %add3A_239 : vector<256x128xf32>
    %add3A_284 = arith.addf %mul3A_282, %mul3A_283 : vector<256x128xf32>
    %broadcast_in_dim3A_285 = vector.shape_cast %add3A_284 : vector<256x128xf32> to vector<1x256x128xf32>
    %swap3A_286 = arith.index_cast %scan3A_245 : i32 to index
    %swap3A_287 = arith.constant 0 : index
    %swap3A_288 = arith.constant 0 : index
    %swap3A_289 = vector.load %arg14[%swap3A_286, %swap3A_287, %swap3A_288] : memref<20x256x128xf32, #tpu.memory_space<vmem>>, vector<1x256x128xf32>
    tpu.vector_store %arg14[%swap3A_286, %swap3A_287, %swap3A_288], %broadcast_in_dim3A_285 {strides = array<i32>} : memref<20x256x128xf32, #tpu.memory_space<vmem>>, vector<1x256x128xf32>,
    %scan3A_290 = arith.constant 6 : i32
    %get3A_291 = arith.index_cast %scan3A_290 : i32 to index
    %get3A_292 = arith.constant 0 : index
    %get3A_293 = arith.constant 0 : index
    %get3A_294 = vector.load %arg16[%get3A_291, %get3A_292, %get3A_293] : memref<20x256x384xf32, #tpu.memory_space<vmem>>, vector<1x256x384xf32>
    %get3A_295 = vector.shape_cast %get3A_294 : vector<1x256x384xf32> to vector<256x384xf32>
    %convert_element_type3A_296 = arith.truncf %add3A_284 : vector<256x128xf32> to vector<256x128xbf16>
    %dot_general3A_297 = arith.constant dense<0.000000e+00> : vector<256x384xf32>
    %dot_general3A_298 = tpu.matmul %convert_element_type3A_296, %convert_element_type3A_19, %dot_general3A_297 {dimension_numbers = #tpu.dot_dimension_numbers<[1], [1], [0], [0], [0, 0, 1, 0], [], []>, transpose_lhs_hint = false} : vector<256x128xbf16>, vector<384x128xbf16>, vector<256x384xf32> -> vector<256x384xf32>
    %add3A_299 = vector.broadcast %get3A_22 : vector<1x384xf32> to vector<256x384xf32>
    %add3A_300 = arith.addf %dot_general3A_298, %add3A_299 : vector<256x384xf32>
    %slice3A_301 = vector.extract_strided_slice %get3A_295 {offsets = [0, 0], sizes = [256, 128], strides = [1, 1]} : vector<256x384xf32> to vector<256x128xf32>
    %slice3A_302 = vector.extract_strided_slice %add3A_300 {offsets = [0, 0], sizes = [256, 128], strides = [1, 1]} : vector<256x384xf32> to vector<256x128xf32>
    %add3A_303 = arith.addf %slice3A_301, %slice3A_302 : vector<256x128xf32>
    %logistic3A_304 = arith.negf %add3A_303 : vector<256x128xf32>
    %logistic3A_305 = math.exp %logistic3A_304 : vector<256x128xf32>
    %logistic3A_306 = arith.constant 1.000000e+00 : f32
    %logistic3A_307 = vector.broadcast %logistic3A_306 : f32 to vector<256x128xf32>
    %logistic3A_308 = arith.addf %logistic3A_307, %logistic3A_305 : vector<256x128xf32>
    %logistic3A_309 = arith.divf %logistic3A_307, %logistic3A_308 : vector<256x128xf32>
    %slice3A_310 = vector.extract_strided_slice %get3A_295 {offsets = [0, 128], sizes = [256, 128], strides = [1, 1]} : vector<256x384xf32> to vector<256x128xf32>
    %slice3A_311 = vector.extract_strided_slice %add3A_300 {offsets = [0, 128], sizes = [256, 128], strides = [1, 1]} : vector<256x384xf32> to vector<256x128xf32>
    %add3A_312 = arith.addf %slice3A_310, %slice3A_311 : vector<256x128xf32>
    %logistic3A_313 = arith.negf %add3A_312 : vector<256x128xf32>
    %logistic3A_314 = math.exp %logistic3A_313 : vector<256x128xf32>
    %logistic3A_315 = arith.constant 1.000000e+00 : f32
    %logistic3A_316 = vector.broadcast %logistic3A_315 : f32 to vector<256x128xf32>
    %logistic3A_317 = arith.addf %logistic3A_316, %logistic3A_314 : vector<256x128xf32>
    %logistic3A_318 = arith.divf %logistic3A_316, %logistic3A_317 : vector<256x128xf32>
    %slice3A_319 = vector.extract_strided_slice %get3A_295 {offsets = [0, 256], sizes = [256, 128], strides = [1, 1]} : vector<256x384xf32> to vector<256x128xf32>
    %slice3A_320 = vector.extract_strided_slice %add3A_300 {offsets = [0, 256], sizes = [256, 128], strides = [1, 1]} : vector<256x384xf32> to vector<256x128xf32>
    %mul3A_321 = arith.mulf %logistic3A_309, %slice3A_320 : vector<256x128xf32>
    %add3A_322 = arith.addf %slice3A_319, %mul3A_321 : vector<256x128xf32>
    %tanh3A_323 = math.tanh %add3A_322 : vector<256x128xf32>
    %sub3A_324 = arith.constant 1.000000e+00 : f32
    %sub3A_325 = vector.broadcast %sub3A_324 : f32 to vector<256x128xf32>
    %sub3A_326 = arith.subf %sub3A_325, %logistic3A_318 : vector<256x128xf32>
    %mul3A_327 = arith.mulf %sub3A_326, %tanh3A_323 : vector<256x128xf32>
    %mul3A_328 = arith.mulf %logistic3A_318, %add3A_284 : vector<256x128xf32>
    %add3A_329 = arith.addf %mul3A_327, %mul3A_328 : vector<256x128xf32>
    %broadcast_in_dim3A_330 = vector.shape_cast %add3A_329 : vector<256x128xf32> to vector<1x256x128xf32>
    %swap3A_331 = arith.index_cast %scan3A_290 : i32 to index
    %swap3A_332 = arith.constant 0 : index
    %swap3A_333 = arith.constant 0 : index
    %swap3A_334 = vector.load %arg14[%swap3A_331, %swap3A_332, %swap3A_333] : memref<20x256x128xf32, #tpu.memory_space<vmem>>, vector<1x256x128xf32>
    tpu.vector_store %arg14[%swap3A_331, %swap3A_332, %swap3A_333], %broadcast_in_dim3A_330 {strides = array<i32>} : memref<20x256x128xf32, #tpu.memory_space<vmem>>, vector<1x256x128xf32>,
    %scan3A_335 = arith.constant 7 : i32
    %get3A_336 = arith.index_cast %scan3A_335 : i32 to index
    %get3A_337 = arith.constant 0 : index
    %get3A_338 = arith.constant 0 : index
    %get3A_339 = vector.load %arg16[%get3A_336, %get3A_337, %get3A_338] : memref<20x256x384xf32, #tpu.memory_space<vmem>>, vector<1x256x384xf32>
    %get3A_340 = vector.shape_cast %get3A_339 : vector<1x256x384xf32> to vector<256x384xf32>
    %convert_element_type3A_341 = arith.truncf %add3A_329 : vector<256x128xf32> to vector<256x128xbf16>
    %dot_general3A_342 = arith.constant dense<0.000000e+00> : vector<256x384xf32>
    %dot_general3A_343 = tpu.matmul %convert_element_type3A_341, %convert_element_type3A_19, %dot_general3A_342 {dimension_numbers = #tpu.dot_dimension_numbers<[1], [1], [0], [0], [0, 0, 1, 0], [], []>, transpose_lhs_hint = false} : vector<256x128xbf16>, vector<384x128xbf16>, vector<256x384xf32> -> vector<256x384xf32>
    %add3A_344 = vector.broadcast %get3A_22 : vector<1x384xf32> to vector<256x384xf32>
    %add3A_345 = arith.addf %dot_general3A_343, %add3A_344 : vector<256x384xf32>
    %slice3A_346 = vector.extract_strided_slice %get3A_340 {offsets = [0, 0], sizes = [256, 128], strides = [1, 1]} : vector<256x384xf32> to vector<256x128xf32>
    %slice3A_347 = vector.extract_strided_slice %add3A_345 {offsets = [0, 0], sizes = [256, 128], strides = [1, 1]} : vector<256x384xf32> to vector<256x128xf32>
    %add3A_348 = arith.addf %slice3A_346, %slice3A_347 : vector<256x128xf32>
    %logistic3A_349 = arith.negf %add3A_348 : vector<256x128xf32>
    %logistic3A_350 = math.exp %logistic3A_349 : vector<256x128xf32>
    %logistic3A_351 = arith.constant 1.000000e+00 : f32
    %logistic3A_352 = vector.broadcast %logistic3A_351 : f32 to vector<256x128xf32>
    %logistic3A_353 = arith.addf %logistic3A_352, %logistic3A_350 : vector<256x128xf32>
    %logistic3A_354 = arith.divf %logistic3A_352, %logistic3A_353 : vector<256x128xf32>
    %slice3A_355 = vector.extract_strided_slice %get3A_340 {offsets = [0, 128], sizes = [256, 128], strides = [1, 1]} : vector<256x384xf32> to vector<256x128xf32>
    %slice3A_356 = vector.extract_strided_slice %add3A_345 {offsets = [0, 128], sizes = [256, 128], strides = [1, 1]} : vector<256x384xf32> to vector<256x128xf32>
    %add3A_357 = arith.addf %slice3A_355, %slice3A_356 : vector<256x128xf32>
    %logistic3A_358 = arith.negf %add3A_357 : vector<256x128xf32>
    %logistic3A_359 = math.exp %logistic3A_358 : vector<256x128xf32>
    %logistic3A_360 = arith.constant 1.000000e+00 : f32
    %logistic3A_361 = vector.broadcast %logistic3A_360 : f32 to vector<256x128xf32>
    %logistic3A_362 = arith.addf %logistic3A_361, %logistic3A_359 : vector<256x128xf32>
    %logistic3A_363 = arith.divf %logistic3A_361, %logistic3A_362 : vector<256x128xf32>
    %slice3A_364 = vector.extract_strided_slice %get3A_340 {offsets = [0, 256], sizes = [256, 128], strides = [1, 1]} : vector<256x384xf32> to vector<256x128xf32>
    %slice3A_365 = vector.extract_strided_slice %add3A_345 {offsets = [0, 256], sizes = [256, 128], strides = [1, 1]} : vector<256x384xf32> to vector<256x128xf32>
    %mul3A_366 = arith.mulf %logistic3A_354, %slice3A_365 : vector<256x128xf32>
    %add3A_367 = arith.addf %slice3A_364, %mul3A_366 : vector<256x128xf32>
    %tanh3A_368 = math.tanh %add3A_367 : vector<256x128xf32>
    %sub3A_369 = arith.constant 1.000000e+00 : f32
    %sub3A_370 = vector.broadcast %sub3A_369 : f32 to vector<256x128xf32>
    %sub3A_371 = arith.subf %sub3A_370, %logistic3A_363 : vector<256x128xf32>
    %mul3A_372 = arith.mulf %sub3A_371, %tanh3A_368 : vector<256x128xf32>
    %mul3A_373 = arith.mulf %logistic3A_363, %add3A_329 : vector<256x128xf32>
    %add3A_374 = arith.addf %mul3A_372, %mul3A_373 : vector<256x128xf32>
    %broadcast_in_dim3A_375 = vector.shape_cast %add3A_374 : vector<256x128xf32> to vector<1x256x128xf32>
    %swap3A_376 = arith.index_cast %scan3A_335 : i32 to index
    %swap3A_377 = arith.constant 0 : index
    %swap3A_378 = arith.constant 0 : index
    %swap3A_379 = vector.load %arg14[%swap3A_376, %swap3A_377, %swap3A_378] : memref<20x256x128xf32, #tpu.memory_space<vmem>>, vector<1x256x128xf32>
    tpu.vector_store %arg14[%swap3A_376, %swap3A_377, %swap3A_378], %broadcast_in_dim3A_375 {strides = array<i32>} : memref<20x256x128xf32, #tpu.memory_space<vmem>>, vector<1x256x128xf32>,
    %scan3A_380 = arith.constant 8 : i32
    %get3A_381 = arith.index_cast %scan3A_380 : i32 to index
    %get3A_382 = arith.constant 0 : index
    %get3A_383 = arith.constant 0 : index
    %get3A_384 = vector.load %arg16[%get3A_381, %get3A_382, %get3A_383] : memref<20x256x384xf32, #tpu.memory_space<vmem>>, vector<1x256x384xf32>
    %get3A_385 = vector.shape_cast %get3A_384 : vector<1x256x384xf32> to vector<256x384xf32>
    %convert_element_type3A_386 = arith.truncf %add3A_374 : vector<256x128xf32> to vector<256x128xbf16>
    %dot_general3A_387 = arith.constant dense<0.000000e+00> : vector<256x384xf32>
    %dot_general3A_388 = tpu.matmul %convert_element_type3A_386, %convert_element_type3A_19, %dot_general3A_387 {dimension_numbers = #tpu.dot_dimension_numbers<[1], [1], [0], [0], [0, 0, 1, 0], [], []>, transpose_lhs_hint = false} : vector<256x128xbf16>, vector<384x128xbf16>, vector<256x384xf32> -> vector<256x384xf32>
    %add3A_389 = vector.broadcast %get3A_22 : vector<1x384xf32> to vector<256x384xf32>
    %add3A_390 = arith.addf %dot_general3A_388, %add3A_389 : vector<256x384xf32>
    %slice3A_391 = vector.extract_strided_slice %get3A_385 {offsets = [0, 0], sizes = [256, 128], strides = [1, 1]} : vector<256x384xf32> to vector<256x128xf32>
    %slice3A_392 = vector.extract_strided_slice %add3A_390 {offsets = [0, 0], sizes = [256, 128], strides = [1, 1]} : vector<256x384xf32> to vector<256x128xf32>
    %add3A_393 = arith.addf %slice3A_391, %slice3A_392 : vector<256x128xf32>
    %logistic3A_394 = arith.negf %add3A_393 : vector<256x128xf32>
    %logistic3A_395 = math.exp %logistic3A_394 : vector<256x128xf32>
    %logistic3A_396 = arith.constant 1.000000e+00 : f32
    %logistic3A_397 = vector.broadcast %logistic3A_396 : f32 to vector<256x128xf32>
    %logistic3A_398 = arith.addf %logistic3A_397, %logistic3A_395 : vector<256x128xf32>
    %logistic3A_399 = arith.divf %logistic3A_397, %logistic3A_398 : vector<256x128xf32>
    %slice3A_400 = vector.extract_strided_slice %get3A_385 {offsets = [0, 128], sizes = [256, 128], strides = [1, 1]} : vector<256x384xf32> to vector<256x128xf32>
    %slice3A_401 = vector.extract_strided_slice %add3A_390 {offsets = [0, 128], sizes = [256, 128], strides = [1, 1]} : vector<256x384xf32> to vector<256x128xf32>
    %add3A_402 = arith.addf %slice3A_400, %slice3A_401 : vector<256x128xf32>
    %logistic3A_403 = arith.negf %add3A_402 : vector<256x128xf32>
    %logistic3A_404 = math.exp %logistic3A_403 : vector<256x128xf32>
    %logistic3A_405 = arith.constant 1.000000e+00 : f32
    %logistic3A_406 = vector.broadcast %logistic3A_405 : f32 to vector<256x128xf32>
    %logistic3A_407 = arith.addf %logistic3A_406, %logistic3A_404 : vector<256x128xf32>
    %logistic3A_408 = arith.divf %logistic3A_406, %logistic3A_407 : vector<256x128xf32>
    %slice3A_409 = vector.extract_strided_slice %get3A_385 {offsets = [0, 256], sizes = [256, 128], strides = [1, 1]} : vector<256x384xf32> to vector<256x128xf32>
    %slice3A_410 = vector.extract_strided_slice %add3A_390 {offsets = [0, 256], sizes = [256, 128], strides = [1, 1]} : vector<256x384xf32> to vector<256x128xf32>
    %mul3A_411 = arith.mulf %logistic3A_399, %slice3A_410 : vector<256x128xf32>
    %add3A_412 = arith.addf %slice3A_409, %mul3A_411 : vector<256x128xf32>
    %tanh3A_413 = math.tanh %add3A_412 : vector<256x128xf32>
    %sub3A_414 = arith.constant 1.000000e+00 : f32
    %sub3A_415 = vector.broadcast %sub3A_414 : f32 to vector<256x128xf32>
    %sub3A_416 = arith.subf %sub3A_415, %logistic3A_408 : vector<256x128xf32>
    %mul3A_417 = arith.mulf %sub3A_416, %tanh3A_413 : vector<256x128xf32>
    %mul3A_418 = arith.mulf %logistic3A_408, %add3A_374 : vector<256x128xf32>
    %add3A_419 = arith.addf %mul3A_417, %mul3A_418 : vector<256x128xf32>
    %broadcast_in_dim3A_420 = vector.shape_cast %add3A_419 : vector<256x128xf32> to vector<1x256x128xf32>
    %swap3A_421 = arith.index_cast %scan3A_380 : i32 to index
    %swap3A_422 = arith.constant 0 : index
    %swap3A_423 = arith.constant 0 : index
    %swap3A_424 = vector.load %arg14[%swap3A_421, %swap3A_422, %swap3A_423] : memref<20x256x128xf32, #tpu.memory_space<vmem>>, vector<1x256x128xf32>
    tpu.vector_store %arg14[%swap3A_421, %swap3A_422, %swap3A_423], %broadcast_in_dim3A_420 {strides = array<i32>} : memref<20x256x128xf32, #tpu.memory_space<vmem>>, vector<1x256x128xf32>,
    %scan3A_425 = arith.constant 9 : i32
    %get3A_426 = arith.index_cast %scan3A_425 : i32 to index
    %get3A_427 = arith.constant 0 : index
    %get3A_428 = arith.constant 0 : index
    %get3A_429 = vector.load %arg16[%get3A_426, %get3A_427, %get3A_428] : memref<20x256x384xf32, #tpu.memory_space<vmem>>, vector<1x256x384xf32>
    %get3A_430 = vector.shape_cast %get3A_429 : vector<1x256x384xf32> to vector<256x384xf32>
    %convert_element_type3A_431 = arith.truncf %add3A_419 : vector<256x128xf32> to vector<256x128xbf16>
    %dot_general3A_432 = arith.constant dense<0.000000e+00> : vector<256x384xf32>
    %dot_general3A_433 = tpu.matmul %convert_element_type3A_431, %convert_element_type3A_19, %dot_general3A_432 {dimension_numbers = #tpu.dot_dimension_numbers<[1], [1], [0], [0], [0, 0, 1, 0], [], []>, transpose_lhs_hint = false} : vector<256x128xbf16>, vector<384x128xbf16>, vector<256x384xf32> -> vector<256x384xf32>
    %add3A_434 = vector.broadcast %get3A_22 : vector<1x384xf32> to vector<256x384xf32>
    %add3A_435 = arith.addf %dot_general3A_433, %add3A_434 : vector<256x384xf32>
    %slice3A_436 = vector.extract_strided_slice %get3A_430 {offsets = [0, 0], sizes = [256, 128], strides = [1, 1]} : vector<256x384xf32> to vector<256x128xf32>
    %slice3A_437 = vector.extract_strided_slice %add3A_435 {offsets = [0, 0], sizes = [256, 128], strides = [1, 1]} : vector<256x384xf32> to vector<256x128xf32>
    %add3A_438 = arith.addf %slice3A_436, %slice3A_437 : vector<256x128xf32>
    %logistic3A_439 = arith.negf %add3A_438 : vector<256x128xf32>
    %logistic3A_440 = math.exp %logistic3A_439 : vector<256x128xf32>
    %logistic3A_441 = arith.constant 1.000000e+00 : f32
    %logistic3A_442 = vector.broadcast %logistic3A_441 : f32 to vector<256x128xf32>
    %logistic3A_443 = arith.addf %logistic3A_442, %logistic3A_440 : vector<256x128xf32>
    %logistic3A_444 = arith.divf %logistic3A_442, %logistic3A_443 : vector<256x128xf32>
    %slice3A_445 = vector.extract_strided_slice %get3A_430 {offsets = [0, 128], sizes = [256, 128], strides = [1, 1]} : vector<256x384xf32> to vector<256x128xf32>
    %slice3A_446 = vector.extract_strided_slice %add3A_435 {offsets = [0, 128], sizes = [256, 128], strides = [1, 1]} : vector<256x384xf32> to vector<256x128xf32>
    %add3A_447 = arith.addf %slice3A_445, %slice3A_446 : vector<256x128xf32>
    %logistic3A_448 = arith.negf %add3A_447 : vector<256x128xf32>
    %logistic3A_449 = math.exp %logistic3A_448 : vector<256x128xf32>
    %logistic3A_450 = arith.constant 1.000000e+00 : f32
    %logistic3A_451 = vector.broadcast %logistic3A_450 : f32 to vector<256x128xf32>
    %logistic3A_452 = arith.addf %logistic3A_451, %logistic3A_449 : vector<256x128xf32>
    %logistic3A_453 = arith.divf %logistic3A_451, %logistic3A_452 : vector<256x128xf32>
    %slice3A_454 = vector.extract_strided_slice %get3A_430 {offsets = [0, 256], sizes = [256, 128], strides = [1, 1]} : vector<256x384xf32> to vector<256x128xf32>
    %slice3A_455 = vector.extract_strided_slice %add3A_435 {offsets = [0, 256], sizes = [256, 128], strides = [1, 1]} : vector<256x384xf32> to vector<256x128xf32>
    %mul3A_456 = arith.mulf %logistic3A_444, %slice3A_455 : vector<256x128xf32>
    %add3A_457 = arith.addf %slice3A_454, %mul3A_456 : vector<256x128xf32>
    %tanh3A_458 = math.tanh %add3A_457 : vector<256x128xf32>
    %sub3A_459 = arith.constant 1.000000e+00 : f32
    %sub3A_460 = vector.broadcast %sub3A_459 : f32 to vector<256x128xf32>
    %sub3A_461 = arith.subf %sub3A_460, %logistic3A_453 : vector<256x128xf32>
    %mul3A_462 = arith.mulf %sub3A_461, %tanh3A_458 : vector<256x128xf32>
    %mul3A_463 = arith.mulf %logistic3A_453, %add3A_419 : vector<256x128xf32>
    %add3A_464 = arith.addf %mul3A_462, %mul3A_463 : vector<256x128xf32>
    %broadcast_in_dim3A_465 = vector.shape_cast %add3A_464 : vector<256x128xf32> to vector<1x256x128xf32>
    %swap3A_466 = arith.index_cast %scan3A_425 : i32 to index
    %swap3A_467 = arith.constant 0 : index
    %swap3A_468 = arith.constant 0 : index
    %swap3A_469 = vector.load %arg14[%swap3A_466, %swap3A_467, %swap3A_468] : memref<20x256x128xf32, #tpu.memory_space<vmem>>, vector<1x256x128xf32>
    tpu.vector_store %arg14[%swap3A_466, %swap3A_467, %swap3A_468], %broadcast_in_dim3A_465 {strides = array<i32>} : memref<20x256x128xf32, #tpu.memory_space<vmem>>, vector<1x256x128xf32>,
    %scan3A_470 = arith.constant 10 : i32
    %get3A_471 = arith.index_cast %scan3A_470 : i32 to index
    %get3A_472 = arith.constant 0 : index
    %get3A_473 = arith.constant 0 : index
    %get3A_474 = vector.load %arg16[%get3A_471, %get3A_472, %get3A_473] : memref<20x256x384xf32, #tpu.memory_space<vmem>>, vector<1x256x384xf32>
    %get3A_475 = vector.shape_cast %get3A_474 : vector<1x256x384xf32> to vector<256x384xf32>
    %convert_element_type3A_476 = arith.truncf %add3A_464 : vector<256x128xf32> to vector<256x128xbf16>
    %dot_general3A_477 = arith.constant dense<0.000000e+00> : vector<256x384xf32>
    %dot_general3A_478 = tpu.matmul %convert_element_type3A_476, %convert_element_type3A_19, %dot_general3A_477 {dimension_numbers = #tpu.dot_dimension_numbers<[1], [1], [0], [0], [0, 0, 1, 0], [], []>, transpose_lhs_hint = false} : vector<256x128xbf16>, vector<384x128xbf16>, vector<256x384xf32> -> vector<256x384xf32>
    %add3A_479 = vector.broadcast %get3A_22 : vector<1x384xf32> to vector<256x384xf32>
    %add3A_480 = arith.addf %dot_general3A_478, %add3A_479 : vector<256x384xf32>
    %slice3A_481 = vector.extract_strided_slice %get3A_475 {offsets = [0, 0], sizes = [256, 128], strides = [1, 1]} : vector<256x384xf32> to vector<256x128xf32>
    %slice3A_482 = vector.extract_strided_slice %add3A_480 {offsets = [0, 0], sizes = [256, 128], strides = [1, 1]} : vector<256x384xf32> to vector<256x128xf32>
    %add3A_483 = arith.addf %slice3A_481, %slice3A_482 : vector<256x128xf32>
    %logistic3A_484 = arith.negf %add3A_483 : vector<256x128xf32>
    %logistic3A_485 = math.exp %logistic3A_484 : vector<256x128xf32>
    %logistic3A_486 = arith.constant 1.000000e+00 : f32
    %logistic3A_487 = vector.broadcast %logistic3A_486 : f32 to vector<256x128xf32>
    %logistic3A_488 = arith.addf %logistic3A_487, %logistic3A_485 : vector<256x128xf32>
    %logistic3A_489 = arith.divf %logistic3A_487, %logistic3A_488 : vector<256x128xf32>
    %slice3A_490 = vector.extract_strided_slice %get3A_475 {offsets = [0, 128], sizes = [256, 128], strides = [1, 1]} : vector<256x384xf32> to vector<256x128xf32>
    %slice3A_491 = vector.extract_strided_slice %add3A_480 {offsets = [0, 128], sizes = [256, 128], strides = [1, 1]} : vector<256x384xf32> to vector<256x128xf32>
    %add3A_492 = arith.addf %slice3A_490, %slice3A_491 : vector<256x128xf32>
    %logistic3A_493 = arith.negf %add3A_492 : vector<256x128xf32>
    %logistic3A_494 = math.exp %logistic3A_493 : vector<256x128xf32>
    %logistic3A_495 = arith.constant 1.000000e+00 : f32
    %logistic3A_496 = vector.broadcast %logistic3A_495 : f32 to vector<256x128xf32>
    %logistic3A_497 = arith.addf %logistic3A_496, %logistic3A_494 : vector<256x128xf32>
    %logistic3A_498 = arith.divf %logistic3A_496, %logistic3A_497 : vector<256x128xf32>
    %slice3A_499 = vector.extract_strided_slice %get3A_475 {offsets = [0, 256], sizes = [256, 128], strides = [1, 1]} : vector<256x384xf32> to vector<256x128xf32>
    %slice3A_500 = vector.extract_strided_slice %add3A_480 {offsets = [0, 256], sizes = [256, 128], strides = [1, 1]} : vector<256x384xf32> to vector<256x128xf32>
    %mul3A_501 = arith.mulf %logistic3A_489, %slice3A_500 : vector<256x128xf32>
    %add3A_502 = arith.addf %slice3A_499, %mul3A_501 : vector<256x128xf32>
    %tanh3A_503 = math.tanh %add3A_502 : vector<256x128xf32>
    %sub3A_504 = arith.constant 1.000000e+00 : f32
    %sub3A_505 = vector.broadcast %sub3A_504 : f32 to vector<256x128xf32>
    %sub3A_506 = arith.subf %sub3A_505, %logistic3A_498 : vector<256x128xf32>
    %mul3A_507 = arith.mulf %sub3A_506, %tanh3A_503 : vector<256x128xf32>
    %mul3A_508 = arith.mulf %logistic3A_498, %add3A_464 : vector<256x128xf32>
    %add3A_509 = arith.addf %mul3A_507, %mul3A_508 : vector<256x128xf32>
    %broadcast_in_dim3A_510 = vector.shape_cast %add3A_509 : vector<256x128xf32> to vector<1x256x128xf32>
    %swap3A_511 = arith.index_cast %scan3A_470 : i32 to index
    %swap3A_512 = arith.constant 0 : index
    %swap3A_513 = arith.constant 0 : index
    %swap3A_514 = vector.load %arg14[%swap3A_511, %swap3A_512, %swap3A_513] : memref<20x256x128xf32, #tpu.memory_space<vmem>>, vector<1x256x128xf32>
    tpu.vector_store %arg14[%swap3A_511, %swap3A_512, %swap3A_513], %broadcast_in_dim3A_510 {strides = array<i32>} : memref<20x256x128xf32, #tpu.memory_space<vmem>>, vector<1x256x128xf32>,
    %scan3A_515 = arith.constant 11 : i32
    %get3A_516 = arith.index_cast %scan3A_515 : i32 to index
    %get3A_517 = arith.constant 0 : index
    %get3A_518 = arith.constant 0 : index
    %get3A_519 = vector.load %arg16[%get3A_516, %get3A_517, %get3A_518] : memref<20x256x384xf32, #tpu.memory_space<vmem>>, vector<1x256x384xf32>
    %get3A_520 = vector.shape_cast %get3A_519 : vector<1x256x384xf32> to vector<256x384xf32>
    %convert_element_type3A_521 = arith.truncf %add3A_509 : vector<256x128xf32> to vector<256x128xbf16>
    %dot_general3A_522 = arith.constant dense<0.000000e+00> : vector<256x384xf32>
    %dot_general3A_523 = tpu.matmul %convert_element_type3A_521, %convert_element_type3A_19, %dot_general3A_522 {dimension_numbers = #tpu.dot_dimension_numbers<[1], [1], [0], [0], [0, 0, 1, 0], [], []>, transpose_lhs_hint = false} : vector<256x128xbf16>, vector<384x128xbf16>, vector<256x384xf32> -> vector<256x384xf32>
    %add3A_524 = vector.broadcast %get3A_22 : vector<1x384xf32> to vector<256x384xf32>
    %add3A_525 = arith.addf %dot_general3A_523, %add3A_524 : vector<256x384xf32>
    %slice3A_526 = vector.extract_strided_slice %get3A_520 {offsets = [0, 0], sizes = [256, 128], strides = [1, 1]} : vector<256x384xf32> to vector<256x128xf32>
    %slice3A_527 = vector.extract_strided_slice %add3A_525 {offsets = [0, 0], sizes = [256, 128], strides = [1, 1]} : vector<256x384xf32> to vector<256x128xf32>
    %add3A_528 = arith.addf %slice3A_526, %slice3A_527 : vector<256x128xf32>
    %logistic3A_529 = arith.negf %add3A_528 : vector<256x128xf32>
    %logistic3A_530 = math.exp %logistic3A_529 : vector<256x128xf32>
    %logistic3A_531 = arith.constant 1.000000e+00 : f32
    %logistic3A_532 = vector.broadcast %logistic3A_531 : f32 to vector<256x128xf32>
    %logistic3A_533 = arith.addf %logistic3A_532, %logistic3A_530 : vector<256x128xf32>
    %logistic3A_534 = arith.divf %logistic3A_532, %logistic3A_533 : vector<256x128xf32>
    %slice3A_535 = vector.extract_strided_slice %get3A_520 {offsets = [0, 128], sizes = [256, 128], strides = [1, 1]} : vector<256x384xf32> to vector<256x128xf32>
    %slice3A_536 = vector.extract_strided_slice %add3A_525 {offsets = [0, 128], sizes = [256, 128], strides = [1, 1]} : vector<256x384xf32> to vector<256x128xf32>
    %add3A_537 = arith.addf %slice3A_535, %slice3A_536 : vector<256x128xf32>
    %logistic3A_538 = arith.negf %add3A_537 : vector<256x128xf32>
    %logistic3A_539 = math.exp %logistic3A_538 : vector<256x128xf32>
    %logistic3A_540 = arith.constant 1.000000e+00 : f32
    %logistic3A_541 = vector.broadcast %logistic3A_540 : f32 to vector<256x128xf32>
    %logistic3A_542 = arith.addf %logistic3A_541, %logistic3A_539 : vector<256x128xf32>
    %logistic3A_543 = arith.divf %logistic3A_541, %logistic3A_542 : vector<256x128xf32>
    %slice3A_544 = vector.extract_strided_slice %get3A_520 {offsets = [0, 256], sizes = [256, 128], strides = [1, 1]} : vector<256x384xf32> to vector<256x128xf32>
    %slice3A_545 = vector.extract_strided_slice %add3A_525 {offsets = [0, 256], sizes = [256, 128], strides = [1, 1]} : vector<256x384xf32> to vector<256x128xf32>
    %mul3A_546 = arith.mulf %logistic3A_534, %slice3A_545 : vector<256x128xf32>
    %add3A_547 = arith.addf %slice3A_544, %mul3A_546 : vector<256x128xf32>
    %tanh3A_548 = math.tanh %add3A_547 : vector<256x128xf32>
    %sub3A_549 = arith.constant 1.000000e+00 : f32
    %sub3A_550 = vector.broadcast %sub3A_549 : f32 to vector<256x128xf32>
    %sub3A_551 = arith.subf %sub3A_550, %logistic3A_543 : vector<256x128xf32>
    %mul3A_552 = arith.mulf %sub3A_551, %tanh3A_548 : vector<256x128xf32>
    %mul3A_553 = arith.mulf %logistic3A_543, %add3A_509 : vector<256x128xf32>
    %add3A_554 = arith.addf %mul3A_552, %mul3A_553 : vector<256x128xf32>
    %broadcast_in_dim3A_555 = vector.shape_cast %add3A_554 : vector<256x128xf32> to vector<1x256x128xf32>
    %swap3A_556 = arith.index_cast %scan3A_515 : i32 to index
    %swap3A_557 = arith.constant 0 : index
    %swap3A_558 = arith.constant 0 : index
    %swap3A_559 = vector.load %arg14[%swap3A_556, %swap3A_557, %swap3A_558] : memref<20x256x128xf32, #tpu.memory_space<vmem>>, vector<1x256x128xf32>
    tpu.vector_store %arg14[%swap3A_556, %swap3A_557, %swap3A_558], %broadcast_in_dim3A_555 {strides = array<i32>} : memref<20x256x128xf32, #tpu.memory_space<vmem>>, vector<1x256x128xf32>,
    %scan3A_560 = arith.constant 12 : i32
    %get3A_561 = arith.index_cast %scan3A_560 : i32 to index
    %get3A_562 = arith.constant 0 : index
    %get3A_563 = arith.constant 0 : index
    %get3A_564 = vector.load %arg16[%get3A_561, %get3A_562, %get3A_563] : memref<20x256x384xf32, #tpu.memory_space<vmem>>, vector<1x256x384xf32>
    %get3A_565 = vector.shape_cast %get3A_564 : vector<1x256x384xf32> to vector<256x384xf32>
    %convert_element_type3A_566 = arith.truncf %add3A_554 : vector<256x128xf32> to vector<256x128xbf16>
    %dot_general3A_567 = arith.constant dense<0.000000e+00> : vector<256x384xf32>
    %dot_general3A_568 = tpu.matmul %convert_element_type3A_566, %convert_element_type3A_19, %dot_general3A_567 {dimension_numbers = #tpu.dot_dimension_numbers<[1], [1], [0], [0], [0, 0, 1, 0], [], []>, transpose_lhs_hint = false} : vector<256x128xbf16>, vector<384x128xbf16>, vector<256x384xf32> -> vector<256x384xf32>
    %add3A_569 = vector.broadcast %get3A_22 : vector<1x384xf32> to vector<256x384xf32>
    %add3A_570 = arith.addf %dot_general3A_568, %add3A_569 : vector<256x384xf32>
    %slice3A_571 = vector.extract_strided_slice %get3A_565 {offsets = [0, 0], sizes = [256, 128], strides = [1, 1]} : vector<256x384xf32> to vector<256x128xf32>
    %slice3A_572 = vector.extract_strided_slice %add3A_570 {offsets = [0, 0], sizes = [256, 128], strides = [1, 1]} : vector<256x384xf32> to vector<256x128xf32>
    %add3A_573 = arith.addf %slice3A_571, %slice3A_572 : vector<256x128xf32>
    %logistic3A_574 = arith.negf %add3A_573 : vector<256x128xf32>
    %logistic3A_575 = math.exp %logistic3A_574 : vector<256x128xf32>
    %logistic3A_576 = arith.constant 1.000000e+00 : f32
    %logistic3A_577 = vector.broadcast %logistic3A_576 : f32 to vector<256x128xf32>
    %logistic3A_578 = arith.addf %logistic3A_577, %logistic3A_575 : vector<256x128xf32>
    %logistic3A_579 = arith.divf %logistic3A_577, %logistic3A_578 : vector<256x128xf32>
    %slice3A_580 = vector.extract_strided_slice %get3A_565 {offsets = [0, 128], sizes = [256, 128], strides = [1, 1]} : vector<256x384xf32> to vector<256x128xf32>
    %slice3A_581 = vector.extract_strided_slice %add3A_570 {offsets = [0, 128], sizes = [256, 128], strides = [1, 1]} : vector<256x384xf32> to vector<256x128xf32>
    %add3A_582 = arith.addf %slice3A_580, %slice3A_581 : vector<256x128xf32>
    %logistic3A_583 = arith.negf %add3A_582 : vector<256x128xf32>
    %logistic3A_584 = math.exp %logistic3A_583 : vector<256x128xf32>
    %logistic3A_585 = arith.constant 1.000000e+00 : f32
    %logistic3A_586 = vector.broadcast %logistic3A_585 : f32 to vector<256x128xf32>
    %logistic3A_587 = arith.addf %logistic3A_586, %logistic3A_584 : vector<256x128xf32>
    %logistic3A_588 = arith.divf %logistic3A_586, %logistic3A_587 : vector<256x128xf32>
    %slice3A_589 = vector.extract_strided_slice %get3A_565 {offsets = [0, 256], sizes = [256, 128], strides = [1, 1]} : vector<256x384xf32> to vector<256x128xf32>
    %slice3A_590 = vector.extract_strided_slice %add3A_570 {offsets = [0, 256], sizes = [256, 128], strides = [1, 1]} : vector<256x384xf32> to vector<256x128xf32>
    %mul3A_591 = arith.mulf %logistic3A_579, %slice3A_590 : vector<256x128xf32>
    %add3A_592 = arith.addf %slice3A_589, %mul3A_591 : vector<256x128xf32>
    %tanh3A_593 = math.tanh %add3A_592 : vector<256x128xf32>
    %sub3A_594 = arith.constant 1.000000e+00 : f32
    %sub3A_595 = vector.broadcast %sub3A_594 : f32 to vector<256x128xf32>
    %sub3A_596 = arith.subf %sub3A_595, %logistic3A_588 : vector<256x128xf32>
    %mul3A_597 = arith.mulf %sub3A_596, %tanh3A_593 : vector<256x128xf32>
    %mul3A_598 = arith.mulf %logistic3A_588, %add3A_554 : vector<256x128xf32>
    %add3A_599 = arith.addf %mul3A_597, %mul3A_598 : vector<256x128xf32>
    %broadcast_in_dim3A_600 = vector.shape_cast %add3A_599 : vector<256x128xf32> to vector<1x256x128xf32>
    %swap3A_601 = arith.index_cast %scan3A_560 : i32 to index
    %swap3A_602 = arith.constant 0 : index
    %swap3A_603 = arith.constant 0 : index
    %swap3A_604 = vector.load %arg14[%swap3A_601, %swap3A_602, %swap3A_603] : memref<20x256x128xf32, #tpu.memory_space<vmem>>, vector<1x256x128xf32>
    tpu.vector_store %arg14[%swap3A_601, %swap3A_602, %swap3A_603], %broadcast_in_dim3A_600 {strides = array<i32>} : memref<20x256x128xf32, #tpu.memory_space<vmem>>, vector<1x256x128xf32>,
    %scan3A_605 = arith.constant 13 : i32
    %get3A_606 = arith.index_cast %scan3A_605 : i32 to index
    %get3A_607 = arith.constant 0 : index
    %get3A_608 = arith.constant 0 : index
    %get3A_609 = vector.load %arg16[%get3A_606, %get3A_607, %get3A_608] : memref<20x256x384xf32, #tpu.memory_space<vmem>>, vector<1x256x384xf32>
    %get3A_610 = vector.shape_cast %get3A_609 : vector<1x256x384xf32> to vector<256x384xf32>
    %convert_element_type3A_611 = arith.truncf %add3A_599 : vector<256x128xf32> to vector<256x128xbf16>
    %dot_general3A_612 = arith.constant dense<0.000000e+00> : vector<256x384xf32>
    %dot_general3A_613 = tpu.matmul %convert_element_type3A_611, %convert_element_type3A_19, %dot_general3A_612 {dimension_numbers = #tpu.dot_dimension_numbers<[1], [1], [0], [0], [0, 0, 1, 0], [], []>, transpose_lhs_hint = false} : vector<256x128xbf16>, vector<384x128xbf16>, vector<256x384xf32> -> vector<256x384xf32>
    %add3A_614 = vector.broadcast %get3A_22 : vector<1x384xf32> to vector<256x384xf32>
    %add3A_615 = arith.addf %dot_general3A_613, %add3A_614 : vector<256x384xf32>
    %slice3A_616 = vector.extract_strided_slice %get3A_610 {offsets = [0, 0], sizes = [256, 128], strides = [1, 1]} : vector<256x384xf32> to vector<256x128xf32>
    %slice3A_617 = vector.extract_strided_slice %add3A_615 {offsets = [0, 0], sizes = [256, 128], strides = [1, 1]} : vector<256x384xf32> to vector<256x128xf32>
    %add3A_618 = arith.addf %slice3A_616, %slice3A_617 : vector<256x128xf32>
    %logistic3A_619 = arith.negf %add3A_618 : vector<256x128xf32>
    %logistic3A_620 = math.exp %logistic3A_619 : vector<256x128xf32>
    %logistic3A_621 = arith.constant 1.000000e+00 : f32
    %logistic3A_622 = vector.broadcast %logistic3A_621 : f32 to vector<256x128xf32>
    %logistic3A_623 = arith.addf %logistic3A_622, %logistic3A_620 : vector<256x128xf32>
    %logistic3A_624 = arith.divf %logistic3A_622, %logistic3A_623 : vector<256x128xf32>
    %slice3A_625 = vector.extract_strided_slice %get3A_610 {offsets = [0, 128], sizes = [256, 128], strides = [1, 1]} : vector<256x384xf32> to vector<256x128xf32>
    %slice3A_626 = vector.extract_strided_slice %add3A_615 {offsets = [0, 128], sizes = [256, 128], strides = [1, 1]} : vector<256x384xf32> to vector<256x128xf32>
    %add3A_627 = arith.addf %slice3A_625, %slice3A_626 : vector<256x128xf32>
    %logistic3A_628 = arith.negf %add3A_627 : vector<256x128xf32>
    %logistic3A_629 = math.exp %logistic3A_628 : vector<256x128xf32>
    %logistic3A_630 = arith.constant 1.000000e+00 : f32
    %logistic3A_631 = vector.broadcast %logistic3A_630 : f32 to vector<256x128xf32>
    %logistic3A_632 = arith.addf %logistic3A_631, %logistic3A_629 : vector<256x128xf32>
    %logistic3A_633 = arith.divf %logistic3A_631, %logistic3A_632 : vector<256x128xf32>
    %slice3A_634 = vector.extract_strided_slice %get3A_610 {offsets = [0, 256], sizes = [256, 128], strides = [1, 1]} : vector<256x384xf32> to vector<256x128xf32>
    %slice3A_635 = vector.extract_strided_slice %add3A_615 {offsets = [0, 256], sizes = [256, 128], strides = [1, 1]} : vector<256x384xf32> to vector<256x128xf32>
    %mul3A_636 = arith.mulf %logistic3A_624, %slice3A_635 : vector<256x128xf32>
    %add3A_637 = arith.addf %slice3A_634, %mul3A_636 : vector<256x128xf32>
    %tanh3A_638 = math.tanh %add3A_637 : vector<256x128xf32>
    %sub3A_639 = arith.constant 1.000000e+00 : f32
    %sub3A_640 = vector.broadcast %sub3A_639 : f32 to vector<256x128xf32>
    %sub3A_641 = arith.subf %sub3A_640, %logistic3A_633 : vector<256x128xf32>
    %mul3A_642 = arith.mulf %sub3A_641, %tanh3A_638 : vector<256x128xf32>
    %mul3A_643 = arith.mulf %logistic3A_633, %add3A_599 : vector<256x128xf32>
    %add3A_644 = arith.addf %mul3A_642, %mul3A_643 : vector<256x128xf32>
    %broadcast_in_dim3A_645 = vector.shape_cast %add3A_644 : vector<256x128xf32> to vector<1x256x128xf32>
    %swap3A_646 = arith.index_cast %scan3A_605 : i32 to index
    %swap3A_647 = arith.constant 0 : index
    %swap3A_648 = arith.constant 0 : index
    %swap3A_649 = vector.load %arg14[%swap3A_646, %swap3A_647, %swap3A_648] : memref<20x256x128xf32, #tpu.memory_space<vmem>>, vector<1x256x128xf32>
    tpu.vector_store %arg14[%swap3A_646, %swap3A_647, %swap3A_648], %broadcast_in_dim3A_645 {strides = array<i32>} : memref<20x256x128xf32, #tpu.memory_space<vmem>>, vector<1x256x128xf32>,
    %scan3A_650 = arith.constant 14 : i32
    %get3A_651 = arith.index_cast %scan3A_650 : i32 to index
    %get3A_652 = arith.constant 0 : index
    %get3A_653 = arith.constant 0 : index
    %get3A_654 = vector.load %arg16[%get3A_651, %get3A_652, %get3A_653] : memref<20x256x384xf32, #tpu.memory_space<vmem>>, vector<1x256x384xf32>
    %get3A_655 = vector.shape_cast %get3A_654 : vector<1x256x384xf32> to vector<256x384xf32>
    %convert_element_type3A_656 = arith.truncf %add3A_644 : vector<256x128xf32> to vector<256x128xbf16>
    %dot_general3A_657 = arith.constant dense<0.000000e+00> : vector<256x384xf32>
    %dot_general3A_658 = tpu.matmul %convert_element_type3A_656, %convert_element_type3A_19, %dot_general3A_657 {dimension_numbers = #tpu.dot_dimension_numbers<[1], [1], [0], [0], [0, 0, 1, 0], [], []>, transpose_lhs_hint = false} : vector<256x128xbf16>, vector<384x128xbf16>, vector<256x384xf32> -> vector<256x384xf32>
    %add3A_659 = vector.broadcast %get3A_22 : vector<1x384xf32> to vector<256x384xf32>
    %add3A_660 = arith.addf %dot_general3A_658, %add3A_659 : vector<256x384xf32>
    %slice3A_661 = vector.extract_strided_slice %get3A_655 {offsets = [0, 0], sizes = [256, 128], strides = [1, 1]} : vector<256x384xf32> to vector<256x128xf32>
    %slice3A_662 = vector.extract_strided_slice %add3A_660 {offsets = [0, 0], sizes = [256, 128], strides = [1, 1]} : vector<256x384xf32> to vector<256x128xf32>
    %add3A_663 = arith.addf %slice3A_661, %slice3A_662 : vector<256x128xf32>
    %logistic3A_664 = arith.negf %add3A_663 : vector<256x128xf32>
    %logistic3A_665 = math.exp %logistic3A_664 : vector<256x128xf32>
    %logistic3A_666 = arith.constant 1.000000e+00 : f32
    %logistic3A_667 = vector.broadcast %logistic3A_666 : f32 to vector<256x128xf32>
    %logistic3A_668 = arith.addf %logistic3A_667, %logistic3A_665 : vector<256x128xf32>
    %logistic3A_669 = arith.divf %logistic3A_667, %logistic3A_668 : vector<256x128xf32>
    %slice3A_670 = vector.extract_strided_slice %get3A_655 {offsets = [0, 128], sizes = [256, 128], strides = [1, 1]} : vector<256x384xf32> to vector<256x128xf32>
    %slice3A_671 = vector.extract_strided_slice %add3A_660 {offsets = [0, 128], sizes = [256, 128], strides = [1, 1]} : vector<256x384xf32> to vector<256x128xf32>
    %add3A_672 = arith.addf %slice3A_670, %slice3A_671 : vector<256x128xf32>
    %logistic3A_673 = arith.negf %add3A_672 : vector<256x128xf32>
    %logistic3A_674 = math.exp %logistic3A_673 : vector<256x128xf32>
    %logistic3A_675 = arith.constant 1.000000e+00 : f32
    %logistic3A_676 = vector.broadcast %logistic3A_675 : f32 to vector<256x128xf32>
    %logistic3A_677 = arith.addf %logistic3A_676, %logistic3A_674 : vector<256x128xf32>
    %logistic3A_678 = arith.divf %logistic3A_676, %logistic3A_677 : vector<256x128xf32>
    %slice3A_679 = vector.extract_strided_slice %get3A_655 {offsets = [0, 256], sizes = [256, 128], strides = [1, 1]} : vector<256x384xf32> to vector<256x128xf32>
    %slice3A_680 = vector.extract_strided_slice %add3A_660 {offsets = [0, 256], sizes = [256, 128], strides = [1, 1]} : vector<256x384xf32> to vector<256x128xf32>
    %mul3A_681 = arith.mulf %logistic3A_669, %slice3A_680 : vector<256x128xf32>
    %add3A_682 = arith.addf %slice3A_679, %mul3A_681 : vector<256x128xf32>
    %tanh3A_683 = math.tanh %add3A_682 : vector<256x128xf32>
    %sub3A_684 = arith.constant 1.000000e+00 : f32
    %sub3A_685 = vector.broadcast %sub3A_684 : f32 to vector<256x128xf32>
    %sub3A_686 = arith.subf %sub3A_685, %logistic3A_678 : vector<256x128xf32>
    %mul3A_687 = arith.mulf %sub3A_686, %tanh3A_683 : vector<256x128xf32>
    %mul3A_688 = arith.mulf %logistic3A_678, %add3A_644 : vector<256x128xf32>
    %add3A_689 = arith.addf %mul3A_687, %mul3A_688 : vector<256x128xf32>
    %broadcast_in_dim3A_690 = vector.shape_cast %add3A_689 : vector<256x128xf32> to vector<1x256x128xf32>
    %swap3A_691 = arith.index_cast %scan3A_650 : i32 to index
    %swap3A_692 = arith.constant 0 : index
    %swap3A_693 = arith.constant 0 : index
    %swap3A_694 = vector.load %arg14[%swap3A_691, %swap3A_692, %swap3A_693] : memref<20x256x128xf32, #tpu.memory_space<vmem>>, vector<1x256x128xf32>
    tpu.vector_store %arg14[%swap3A_691, %swap3A_692, %swap3A_693], %broadcast_in_dim3A_690 {strides = array<i32>} : memref<20x256x128xf32, #tpu.memory_space<vmem>>, vector<1x256x128xf32>,
    %scan3A_695 = arith.constant 15 : i32
    %get3A_696 = arith.index_cast %scan3A_695 : i32 to index
    %get3A_697 = arith.constant 0 : index
    %get3A_698 = arith.constant 0 : index
    %get3A_699 = vector.load %arg16[%get3A_696, %get3A_697, %get3A_698] : memref<20x256x384xf32, #tpu.memory_space<vmem>>, vector<1x256x384xf32>
    %get3A_700 = vector.shape_cast %get3A_699 : vector<1x256x384xf32> to vector<256x384xf32>
    %convert_element_type3A_701 = arith.truncf %add3A_689 : vector<256x128xf32> to vector<256x128xbf16>
    %dot_general3A_702 = arith.constant dense<0.000000e+00> : vector<256x384xf32>
    %dot_general3A_703 = tpu.matmul %convert_element_type3A_701, %convert_element_type3A_19, %dot_general3A_702 {dimension_numbers = #tpu.dot_dimension_numbers<[1], [1], [0], [0], [0, 0, 1, 0], [], []>, transpose_lhs_hint = false} : vector<256x128xbf16>, vector<384x128xbf16>, vector<256x384xf32> -> vector<256x384xf32>
    %add3A_704 = vector.broadcast %get3A_22 : vector<1x384xf32> to vector<256x384xf32>
    %add3A_705 = arith.addf %dot_general3A_703, %add3A_704 : vector<256x384xf32>
    %slice3A_706 = vector.extract_strided_slice %get3A_700 {offsets = [0, 0], sizes = [256, 128], strides = [1, 1]} : vector<256x384xf32> to vector<256x128xf32>
    %slice3A_707 = vector.extract_strided_slice %add3A_705 {offsets = [0, 0], sizes = [256, 128], strides = [1, 1]} : vector<256x384xf32> to vector<256x128xf32>
    %add3A_708 = arith.addf %slice3A_706, %slice3A_707 : vector<256x128xf32>
    %logistic3A_709 = arith.negf %add3A_708 : vector<256x128xf32>
    %logistic3A_710 = math.exp %logistic3A_709 : vector<256x128xf32>
    %logistic3A_711 = arith.constant 1.000000e+00 : f32
    %logistic3A_712 = vector.broadcast %logistic3A_711 : f32 to vector<256x128xf32>
    %logistic3A_713 = arith.addf %logistic3A_712, %logistic3A_710 : vector<256x128xf32>
    %logistic3A_714 = arith.divf %logistic3A_712, %logistic3A_713 : vector<256x128xf32>
    %slice3A_715 = vector.extract_strided_slice %get3A_700 {offsets = [0, 128], sizes = [256, 128], strides = [1, 1]} : vector<256x384xf32> to vector<256x128xf32>
    %slice3A_716 = vector.extract_strided_slice %add3A_705 {offsets = [0, 128], sizes = [256, 128], strides = [1, 1]} : vector<256x384xf32> to vector<256x128xf32>
    %add3A_717 = arith.addf %slice3A_715, %slice3A_716 : vector<256x128xf32>
    %logistic3A_718 = arith.negf %add3A_717 : vector<256x128xf32>
    %logistic3A_719 = math.exp %logistic3A_718 : vector<256x128xf32>
    %logistic3A_720 = arith.constant 1.000000e+00 : f32
    %logistic3A_721 = vector.broadcast %logistic3A_720 : f32 to vector<256x128xf32>
    %logistic3A_722 = arith.addf %logistic3A_721, %logistic3A_719 : vector<256x128xf32>
    %logistic3A_723 = arith.divf %logistic3A_721, %logistic3A_722 : vector<256x128xf32>
    %slice3A_724 = vector.extract_strided_slice %get3A_700 {offsets = [0, 256], sizes = [256, 128], strides = [1, 1]} : vector<256x384xf32> to vector<256x128xf32>
    %slice3A_725 = vector.extract_strided_slice %add3A_705 {offsets = [0, 256], sizes = [256, 128], strides = [1, 1]} : vector<256x384xf32> to vector<256x128xf32>
    %mul3A_726 = arith.mulf %logistic3A_714, %slice3A_725 : vector<256x128xf32>
    %add3A_727 = arith.addf %slice3A_724, %mul3A_726 : vector<256x128xf32>
    %tanh3A_728 = math.tanh %add3A_727 : vector<256x128xf32>
    %sub3A_729 = arith.constant 1.000000e+00 : f32
    %sub3A_730 = vector.broadcast %sub3A_729 : f32 to vector<256x128xf32>
    %sub3A_731 = arith.subf %sub3A_730, %logistic3A_723 : vector<256x128xf32>
    %mul3A_732 = arith.mulf %sub3A_731, %tanh3A_728 : vector<256x128xf32>
    %mul3A_733 = arith.mulf %logistic3A_723, %add3A_689 : vector<256x128xf32>
    %add3A_734 = arith.addf %mul3A_732, %mul3A_733 : vector<256x128xf32>
    %broadcast_in_dim3A_735 = vector.shape_cast %add3A_734 : vector<256x128xf32> to vector<1x256x128xf32>
    %swap3A_736 = arith.index_cast %scan3A_695 : i32 to index
    %swap3A_737 = arith.constant 0 : index
    %swap3A_738 = arith.constant 0 : index
    %swap3A_739 = vector.load %arg14[%swap3A_736, %swap3A_737, %swap3A_738] : memref<20x256x128xf32, #tpu.memory_space<vmem>>, vector<1x256x128xf32>
    tpu.vector_store %arg14[%swap3A_736, %swap3A_737, %swap3A_738], %broadcast_in_dim3A_735 {strides = array<i32>} : memref<20x256x128xf32, #tpu.memory_space<vmem>>, vector<1x256x128xf32>,
    %scan3A_740 = arith.constant 16 : i32
    %get3A_741 = arith.index_cast %scan3A_740 : i32 to index
    %get3A_742 = arith.constant 0 : index
    %get3A_743 = arith.constant 0 : index
    %get3A_744 = vector.load %arg16[%get3A_741, %get3A_742, %get3A_743] : memref<20x256x384xf32, #tpu.memory_space<vmem>>, vector<1x256x384xf32>
    %get3A_745 = vector.shape_cast %get3A_744 : vector<1x256x384xf32> to vector<256x384xf32>
    %convert_element_type3A_746 = arith.truncf %add3A_734 : vector<256x128xf32> to vector<256x128xbf16>
    %dot_general3A_747 = arith.constant dense<0.000000e+00> : vector<256x384xf32>
    %dot_general3A_748 = tpu.matmul %convert_element_type3A_746, %convert_element_type3A_19, %dot_general3A_747 {dimension_numbers = #tpu.dot_dimension_numbers<[1], [1], [0], [0], [0, 0, 1, 0], [], []>, transpose_lhs_hint = false} : vector<256x128xbf16>, vector<384x128xbf16>, vector<256x384xf32> -> vector<256x384xf32>
    %add3A_749 = vector.broadcast %get3A_22 : vector<1x384xf32> to vector<256x384xf32>
    %add3A_750 = arith.addf %dot_general3A_748, %add3A_749 : vector<256x384xf32>
    %slice3A_751 = vector.extract_strided_slice %get3A_745 {offsets = [0, 0], sizes = [256, 128], strides = [1, 1]} : vector<256x384xf32> to vector<256x128xf32>
    %slice3A_752 = vector.extract_strided_slice %add3A_750 {offsets = [0, 0], sizes = [256, 128], strides = [1, 1]} : vector<256x384xf32> to vector<256x128xf32>
    %add3A_753 = arith.addf %slice3A_751, %slice3A_752 : vector<256x128xf32>
    %logistic3A_754 = arith.negf %add3A_753 : vector<256x128xf32>
    %logistic3A_755 = math.exp %logistic3A_754 : vector<256x128xf32>
    %logistic3A_756 = arith.constant 1.000000e+00 : f32
    %logistic3A_757 = vector.broadcast %logistic3A_756 : f32 to vector<256x128xf32>
    %logistic3A_758 = arith.addf %logistic3A_757, %logistic3A_755 : vector<256x128xf32>
    %logistic3A_759 = arith.divf %logistic3A_757, %logistic3A_758 : vector<256x128xf32>
    %slice3A_760 = vector.extract_strided_slice %get3A_745 {offsets = [0, 128], sizes = [256, 128], strides = [1, 1]} : vector<256x384xf32> to vector<256x128xf32>
    %slice3A_761 = vector.extract_strided_slice %add3A_750 {offsets = [0, 128], sizes = [256, 128], strides = [1, 1]} : vector<256x384xf32> to vector<256x128xf32>
    %add3A_762 = arith.addf %slice3A_760, %slice3A_761 : vector<256x128xf32>
    %logistic3A_763 = arith.negf %add3A_762 : vector<256x128xf32>
    %logistic3A_764 = math.exp %logistic3A_763 : vector<256x128xf32>
    %logistic3A_765 = arith.constant 1.000000e+00 : f32
    %logistic3A_766 = vector.broadcast %logistic3A_765 : f32 to vector<256x128xf32>
    %logistic3A_767 = arith.addf %logistic3A_766, %logistic3A_764 : vector<256x128xf32>
    %logistic3A_768 = arith.divf %logistic3A_766, %logistic3A_767 : vector<256x128xf32>
    %slice3A_769 = vector.extract_strided_slice %get3A_745 {offsets = [0, 256], sizes = [256, 128], strides = [1, 1]} : vector<256x384xf32> to vector<256x128xf32>
    %slice3A_770 = vector.extract_strided_slice %add3A_750 {offsets = [0, 256], sizes = [256, 128], strides = [1, 1]} : vector<256x384xf32> to vector<256x128xf32>
    %mul3A_771 = arith.mulf %logistic3A_759, %slice3A_770 : vector<256x128xf32>
    %add3A_772 = arith.addf %slice3A_769, %mul3A_771 : vector<256x128xf32>
    %tanh3A_773 = math.tanh %add3A_772 : vector<256x128xf32>
    %sub3A_774 = arith.constant 1.000000e+00 : f32
    %sub3A_775 = vector.broadcast %sub3A_774 : f32 to vector<256x128xf32>
    %sub3A_776 = arith.subf %sub3A_775, %logistic3A_768 : vector<256x128xf32>
    %mul3A_777 = arith.mulf %sub3A_776, %tanh3A_773 : vector<256x128xf32>
    %mul3A_778 = arith.mulf %logistic3A_768, %add3A_734 : vector<256x128xf32>
    %add3A_779 = arith.addf %mul3A_777, %mul3A_778 : vector<256x128xf32>
    %broadcast_in_dim3A_780 = vector.shape_cast %add3A_779 : vector<256x128xf32> to vector<1x256x128xf32>
    %swap3A_781 = arith.index_cast %scan3A_740 : i32 to index
    %swap3A_782 = arith.constant 0 : index
    %swap3A_783 = arith.constant 0 : index
    %swap3A_784 = vector.load %arg14[%swap3A_781, %swap3A_782, %swap3A_783] : memref<20x256x128xf32, #tpu.memory_space<vmem>>, vector<1x256x128xf32>
    tpu.vector_store %arg14[%swap3A_781, %swap3A_782, %swap3A_783], %broadcast_in_dim3A_780 {strides = array<i32>} : memref<20x256x128xf32, #tpu.memory_space<vmem>>, vector<1x256x128xf32>,
    %scan3A_785 = arith.constant 17 : i32
    %get3A_786 = arith.index_cast %scan3A_785 : i32 to index
    %get3A_787 = arith.constant 0 : index
    %get3A_788 = arith.constant 0 : index
    %get3A_789 = vector.load %arg16[%get3A_786, %get3A_787, %get3A_788] : memref<20x256x384xf32, #tpu.memory_space<vmem>>, vector<1x256x384xf32>
    %get3A_790 = vector.shape_cast %get3A_789 : vector<1x256x384xf32> to vector<256x384xf32>
    %convert_element_type3A_791 = arith.truncf %add3A_779 : vector<256x128xf32> to vector<256x128xbf16>
    %dot_general3A_792 = arith.constant dense<0.000000e+00> : vector<256x384xf32>
    %dot_general3A_793 = tpu.matmul %convert_element_type3A_791, %convert_element_type3A_19, %dot_general3A_792 {dimension_numbers = #tpu.dot_dimension_numbers<[1], [1], [0], [0], [0, 0, 1, 0], [], []>, transpose_lhs_hint = false} : vector<256x128xbf16>, vector<384x128xbf16>, vector<256x384xf32> -> vector<256x384xf32>
    %add3A_794 = vector.broadcast %get3A_22 : vector<1x384xf32> to vector<256x384xf32>
    %add3A_795 = arith.addf %dot_general3A_793, %add3A_794 : vector<256x384xf32>
    %slice3A_796 = vector.extract_strided_slice %get3A_790 {offsets = [0, 0], sizes = [256, 128], strides = [1, 1]} : vector<256x384xf32> to vector<256x128xf32>
    %slice3A_797 = vector.extract_strided_slice %add3A_795 {offsets = [0, 0], sizes = [256, 128], strides = [1, 1]} : vector<256x384xf32> to vector<256x128xf32>
    %add3A_798 = arith.addf %slice3A_796, %slice3A_797 : vector<256x128xf32>
    %logistic3A_799 = arith.negf %add3A_798 : vector<256x128xf32>
    %logistic3A_800 = math.exp %logistic3A_799 : vector<256x128xf32>
    %logistic3A_801 = arith.constant 1.000000e+00 : f32
    %logistic3A_802 = vector.broadcast %logistic3A_801 : f32 to vector<256x128xf32>
    %logistic3A_803 = arith.addf %logistic3A_802, %logistic3A_800 : vector<256x128xf32>
    %logistic3A_804 = arith.divf %logistic3A_802, %logistic3A_803 : vector<256x128xf32>
    %slice3A_805 = vector.extract_strided_slice %get3A_790 {offsets = [0, 128], sizes = [256, 128], strides = [1, 1]} : vector<256x384xf32> to vector<256x128xf32>
    %slice3A_806 = vector.extract_strided_slice %add3A_795 {offsets = [0, 128], sizes = [256, 128], strides = [1, 1]} : vector<256x384xf32> to vector<256x128xf32>
    %add3A_807 = arith.addf %slice3A_805, %slice3A_806 : vector<256x128xf32>
    %logistic3A_808 = arith.negf %add3A_807 : vector<256x128xf32>
    %logistic3A_809 = math.exp %logistic3A_808 : vector<256x128xf32>
    %logistic3A_810 = arith.constant 1.000000e+00 : f32
    %logistic3A_811 = vector.broadcast %logistic3A_810 : f32 to vector<256x128xf32>
    %logistic3A_812 = arith.addf %logistic3A_811, %logistic3A_809 : vector<256x128xf32>
    %logistic3A_813 = arith.divf %logistic3A_811, %logistic3A_812 : vector<256x128xf32>
    %slice3A_814 = vector.extract_strided_slice %get3A_790 {offsets = [0, 256], sizes = [256, 128], strides = [1, 1]} : vector<256x384xf32> to vector<256x128xf32>
    %slice3A_815 = vector.extract_strided_slice %add3A_795 {offsets = [0, 256], sizes = [256, 128], strides = [1, 1]} : vector<256x384xf32> to vector<256x128xf32>
    %mul3A_816 = arith.mulf %logistic3A_804, %slice3A_815 : vector<256x128xf32>
    %add3A_817 = arith.addf %slice3A_814, %mul3A_816 : vector<256x128xf32>
    %tanh3A_818 = math.tanh %add3A_817 : vector<256x128xf32>
    %sub3A_819 = arith.constant 1.000000e+00 : f32
    %sub3A_820 = vector.broadcast %sub3A_819 : f32 to vector<256x128xf32>
    %sub3A_821 = arith.subf %sub3A_820, %logistic3A_813 : vector<256x128xf32>
    %mul3A_822 = arith.mulf %sub3A_821, %tanh3A_818 : vector<256x128xf32>
    %mul3A_823 = arith.mulf %logistic3A_813, %add3A_779 : vector<256x128xf32>
    %add3A_824 = arith.addf %mul3A_822, %mul3A_823 : vector<256x128xf32>
    %broadcast_in_dim3A_825 = vector.shape_cast %add3A_824 : vector<256x128xf32> to vector<1x256x128xf32>
    %swap3A_826 = arith.index_cast %scan3A_785 : i32 to index
    %swap3A_827 = arith.constant 0 : index
    %swap3A_828 = arith.constant 0 : index
    %swap3A_829 = vector.load %arg14[%swap3A_826, %swap3A_827, %swap3A_828] : memref<20x256x128xf32, #tpu.memory_space<vmem>>, vector<1x256x128xf32>
    tpu.vector_store %arg14[%swap3A_826, %swap3A_827, %swap3A_828], %broadcast_in_dim3A_825 {strides = array<i32>} : memref<20x256x128xf32, #tpu.memory_space<vmem>>, vector<1x256x128xf32>,
    %scan3A_830 = arith.constant 18 : i32
    %get3A_831 = arith.index_cast %scan3A_830 : i32 to index
    %get3A_832 = arith.constant 0 : index
    %get3A_833 = arith.constant 0 : index
    %get3A_834 = vector.load %arg16[%get3A_831, %get3A_832, %get3A_833] : memref<20x256x384xf32, #tpu.memory_space<vmem>>, vector<1x256x384xf32>
    %get3A_835 = vector.shape_cast %get3A_834 : vector<1x256x384xf32> to vector<256x384xf32>
    %convert_element_type3A_836 = arith.truncf %add3A_824 : vector<256x128xf32> to vector<256x128xbf16>
    %dot_general3A_837 = arith.constant dense<0.000000e+00> : vector<256x384xf32>
    %dot_general3A_838 = tpu.matmul %convert_element_type3A_836, %convert_element_type3A_19, %dot_general3A_837 {dimension_numbers = #tpu.dot_dimension_numbers<[1], [1], [0], [0], [0, 0, 1, 0], [], []>, transpose_lhs_hint = false} : vector<256x128xbf16>, vector<384x128xbf16>, vector<256x384xf32> -> vector<256x384xf32>
    %add3A_839 = vector.broadcast %get3A_22 : vector<1x384xf32> to vector<256x384xf32>
    %add3A_840 = arith.addf %dot_general3A_838, %add3A_839 : vector<256x384xf32>
    %slice3A_841 = vector.extract_strided_slice %get3A_835 {offsets = [0, 0], sizes = [256, 128], strides = [1, 1]} : vector<256x384xf32> to vector<256x128xf32>
    %slice3A_842 = vector.extract_strided_slice %add3A_840 {offsets = [0, 0], sizes = [256, 128], strides = [1, 1]} : vector<256x384xf32> to vector<256x128xf32>
    %add3A_843 = arith.addf %slice3A_841, %slice3A_842 : vector<256x128xf32>
    %logistic3A_844 = arith.negf %add3A_843 : vector<256x128xf32>
    %logistic3A_845 = math.exp %logistic3A_844 : vector<256x128xf32>
    %logistic3A_846 = arith.constant 1.000000e+00 : f32
    %logistic3A_847 = vector.broadcast %logistic3A_846 : f32 to vector<256x128xf32>
    %logistic3A_848 = arith.addf %logistic3A_847, %logistic3A_845 : vector<256x128xf32>
    %logistic3A_849 = arith.divf %logistic3A_847, %logistic3A_848 : vector<256x128xf32>
    %slice3A_850 = vector.extract_strided_slice %get3A_835 {offsets = [0, 128], sizes = [256, 128], strides = [1, 1]} : vector<256x384xf32> to vector<256x128xf32>
    %slice3A_851 = vector.extract_strided_slice %add3A_840 {offsets = [0, 128], sizes = [256, 128], strides = [1, 1]} : vector<256x384xf32> to vector<256x128xf32>
    %add3A_852 = arith.addf %slice3A_850, %slice3A_851 : vector<256x128xf32>
    %logistic3A_853 = arith.negf %add3A_852 : vector<256x128xf32>
    %logistic3A_854 = math.exp %logistic3A_853 : vector<256x128xf32>
    %logistic3A_855 = arith.constant 1.000000e+00 : f32
    %logistic3A_856 = vector.broadcast %logistic3A_855 : f32 to vector<256x128xf32>
    %logistic3A_857 = arith.addf %logistic3A_856, %logistic3A_854 : vector<256x128xf32>
    %logistic3A_858 = arith.divf %logistic3A_856, %logistic3A_857 : vector<256x128xf32>
    %slice3A_859 = vector.extract_strided_slice %get3A_835 {offsets = [0, 256], sizes = [256, 128], strides = [1, 1]} : vector<256x384xf32> to vector<256x128xf32>
    %slice3A_860 = vector.extract_strided_slice %add3A_840 {offsets = [0, 256], sizes = [256, 128], strides = [1, 1]} : vector<256x384xf32> to vector<256x128xf32>
    %mul3A_861 = arith.mulf %logistic3A_849, %slice3A_860 : vector<256x128xf32>
    %add3A_862 = arith.addf %slice3A_859, %mul3A_861 : vector<256x128xf32>
    %tanh3A_863 = math.tanh %add3A_862 : vector<256x128xf32>
    %sub3A_864 = arith.constant 1.000000e+00 : f32
    %sub3A_865 = vector.broadcast %sub3A_864 : f32 to vector<256x128xf32>
    %sub3A_866 = arith.subf %sub3A_865, %logistic3A_858 : vector<256x128xf32>
    %mul3A_867 = arith.mulf %sub3A_866, %tanh3A_863 : vector<256x128xf32>
    %mul3A_868 = arith.mulf %logistic3A_858, %add3A_824 : vector<256x128xf32>
    %add3A_869 = arith.addf %mul3A_867, %mul3A_868 : vector<256x128xf32>
    %broadcast_in_dim3A_870 = vector.shape_cast %add3A_869 : vector<256x128xf32> to vector<1x256x128xf32>
    %swap3A_871 = arith.index_cast %scan3A_830 : i32 to index
    %swap3A_872 = arith.constant 0 : index
    %swap3A_873 = arith.constant 0 : index
    %swap3A_874 = vector.load %arg14[%swap3A_871, %swap3A_872, %swap3A_873] : memref<20x256x128xf32, #tpu.memory_space<vmem>>, vector<1x256x128xf32>
    tpu.vector_store %arg14[%swap3A_871, %swap3A_872, %swap3A_873], %broadcast_in_dim3A_870 {strides = array<i32>} : memref<20x256x128xf32, #tpu.memory_space<vmem>>, vector<1x256x128xf32>,
    %scan3A_875 = arith.constant 19 : i32
    %get3A_876 = arith.index_cast %scan3A_875 : i32 to index
    %get3A_877 = arith.constant 0 : index
    %get3A_878 = arith.constant 0 : index
    %get3A_879 = vector.load %arg16[%get3A_876, %get3A_877, %get3A_878] : memref<20x256x384xf32, #tpu.memory_space<vmem>>, vector<1x256x384xf32>
    %get3A_880 = vector.shape_cast %get3A_879 : vector<1x256x384xf32> to vector<256x384xf32>
    %convert_element_type3A_881 = arith.truncf %add3A_869 : vector<256x128xf32> to vector<256x128xbf16>
    %dot_general3A_882 = arith.constant dense<0.000000e+00> : vector<256x384xf32>
    %dot_general3A_883 = tpu.matmul %convert_element_type3A_881, %convert_element_type3A_19, %dot_general3A_882 {dimension_numbers = #tpu.dot_dimension_numbers<[1], [1], [0], [0], [0, 0, 1, 0], [], []>, transpose_lhs_hint = false} : vector<256x128xbf16>, vector<384x128xbf16>, vector<256x384xf32> -> vector<256x384xf32>
    %add3A_884 = vector.broadcast %get3A_22 : vector<1x384xf32> to vector<256x384xf32>
    %add3A_885 = arith.addf %dot_general3A_883, %add3A_884 : vector<256x384xf32>
    %slice3A_886 = vector.extract_strided_slice %get3A_880 {offsets = [0, 0], sizes = [256, 128], strides = [1, 1]} : vector<256x384xf32> to vector<256x128xf32>
    %slice3A_887 = vector.extract_strided_slice %add3A_885 {offsets = [0, 0], sizes = [256, 128], strides = [1, 1]} : vector<256x384xf32> to vector<256x128xf32>
    %add3A_888 = arith.addf %slice3A_886, %slice3A_887 : vector<256x128xf32>
    %logistic3A_889 = arith.negf %add3A_888 : vector<256x128xf32>
    %logistic3A_890 = math.exp %logistic3A_889 : vector<256x128xf32>
    %logistic3A_891 = arith.constant 1.000000e+00 : f32
    %logistic3A_892 = vector.broadcast %logistic3A_891 : f32 to vector<256x128xf32>
    %logistic3A_893 = arith.addf %logistic3A_892, %logistic3A_890 : vector<256x128xf32>
    %logistic3A_894 = arith.divf %logistic3A_892, %logistic3A_893 : vector<256x128xf32>
    %slice3A_895 = vector.extract_strided_slice %get3A_880 {offsets = [0, 128], sizes = [256, 128], strides = [1, 1]} : vector<256x384xf32> to vector<256x128xf32>
    %slice3A_896 = vector.extract_strided_slice %add3A_885 {offsets = [0, 128], sizes = [256, 128], strides = [1, 1]} : vector<256x384xf32> to vector<256x128xf32>
    %add3A_897 = arith.addf %slice3A_895, %slice3A_896 : vector<256x128xf32>
    %logistic3A_898 = arith.negf %add3A_897 : vector<256x128xf32>
    %logistic3A_899 = math.exp %logistic3A_898 : vector<256x128xf32>
    %logistic3A_900 = arith.constant 1.000000e+00 : f32
    %logistic3A_901 = vector.broadcast %logistic3A_900 : f32 to vector<256x128xf32>
    %logistic3A_902 = arith.addf %logistic3A_901, %logistic3A_899 : vector<256x128xf32>
    %logistic3A_903 = arith.divf %logistic3A_901, %logistic3A_902 : vector<256x128xf32>
    %slice3A_904 = vector.extract_strided_slice %get3A_880 {offsets = [0, 256], sizes = [256, 128], strides = [1, 1]} : vector<256x384xf32> to vector<256x128xf32>
    %slice3A_905 = vector.extract_strided_slice %add3A_885 {offsets = [0, 256], sizes = [256, 128], strides = [1, 1]} : vector<256x384xf32> to vector<256x128xf32>
    %mul3A_906 = arith.mulf %logistic3A_894, %slice3A_905 : vector<256x128xf32>
    %add3A_907 = arith.addf %slice3A_904, %mul3A_906 : vector<256x128xf32>
    %tanh3A_908 = math.tanh %add3A_907 : vector<256x128xf32>
    %sub3A_909 = arith.constant 1.000000e+00 : f32
    %sub3A_910 = vector.broadcast %sub3A_909 : f32 to vector<256x128xf32>
    %sub3A_911 = arith.subf %sub3A_910, %logistic3A_903 : vector<256x128xf32>
    %mul3A_912 = arith.mulf %sub3A_911, %tanh3A_908 : vector<256x128xf32>
    %mul3A_913 = arith.mulf %logistic3A_903, %add3A_869 : vector<256x128xf32>
    %add3A_914 = arith.addf %mul3A_912, %mul3A_913 : vector<256x128xf32>
    %broadcast_in_dim3A_915 = vector.shape_cast %add3A_914 : vector<256x128xf32> to vector<1x256x128xf32>
    %swap3A_916 = arith.index_cast %scan3A_875 : i32 to index
    %swap3A_917 = arith.constant 0 : index
    %swap3A_918 = arith.constant 0 : index
    %swap3A_919 = vector.load %arg14[%swap3A_916, %swap3A_917, %swap3A_918] : memref<20x256x128xf32, #tpu.memory_space<vmem>>, vector<1x256x128xf32>
    tpu.vector_store %arg14[%swap3A_916, %swap3A_917, %swap3A_918], %broadcast_in_dim3A_915 {strides = array<i32>} : memref<20x256x128xf32, #tpu.memory_space<vmem>>, vector<1x256x128xf32>,
    %scan3A_920 = arith.constant 20 : i32
    %get3A_921 = arith.constant 0 : index
    %get3A_922 = arith.constant 0 : index
    %get3A_923 = vector.load %arg2[%get3A_921, %get3A_922] : memref<20x256xf32, #tpu.memory_space<vmem>>, vector<20x256xf32>
    %broadcast_in_dim3A_924 = vector.shape_cast %get3A_923 : vector<20x256xf32> to vector<20x256x1xf32>
    %get3A_925 = arith.constant 0 : index
    %get3A_926 = arith.constant 0 : index
    %get3A_927 = vector.load %arg10[%get3A_925, %get3A_926] : memref<1x128xf32, #tpu.memory_space<vmem>>, vector<1x128xf32>
    %squeeze3A = vector.shape_cast %get3A_927 : vector<1x128xf32> to vector<128xf32>
    %broadcast_in_dim3A_928 = vector.shape_cast %squeeze3A : vector<128xf32> to vector<1x1x128xf32>
    %mul3A_929 = vector.broadcast %broadcast_in_dim3A_924 : vector<20x256x1xf32> to vector<20x256x128xf32>
    %mul3A_930 = vector.broadcast %broadcast_in_dim3A_928 : vector<1x1x128xf32> to vector<20x256x128xf32>
    %mul3A_931 = arith.mulf %mul3A_929, %mul3A_930 : vector<20x256x128xf32>
    %get3A_932 = arith.constant 0 : index
    %get3A_933 = arith.constant 0 : index
    %get3A_934 = vector.load %arg11[%get3A_932, %get3A_933] : memref<1x128xf32, #tpu.memory_space<vmem>>, vector<1x128xf32>
    %squeeze3A_935 = vector.shape_cast %get3A_934 : vector<1x128xf32> to vector<128xf32>
    %broadcast_in_dim3A_936 = vector.shape_cast %squeeze3A_935 : vector<128xf32> to vector<1x1x128xf32>
    %add3A_937 = vector.broadcast %broadcast_in_dim3A_936 : vector<1x1x128xf32> to vector<20x256x128xf32>
    %add3A_938 = arith.addf %mul3A_931, %add3A_937 : vector<20x256x128xf32>
    %mul3A_939 = arith.constant 0.318309873 : f32
    %mul3A_940 = vector.broadcast %mul3A_939 : f32 to vector<20x256x128xf32>
    %mul3A_941 = arith.mulf %add3A_938, %mul3A_940 : vector<20x256x128xf32>
    %round3A = math.roundeven %mul3A_941 : vector<20x256x128xf32>
    %mul3A_942 = arith.constant 3.140625 : f32
    %mul3A_943 = vector.broadcast %mul3A_942 : f32 to vector<20x256x128xf32>
    %mul3A_944 = arith.mulf %round3A, %mul3A_943 : vector<20x256x128xf32>
    %sub3A_945 = arith.subf %add3A_938, %mul3A_944 : vector<20x256x128xf32>
    %mul3A_946 = arith.constant 9.67653584E-4 : f32
    %mul3A_947 = vector.broadcast %mul3A_946 : f32 to vector<20x256x128xf32>
    %mul3A_948 = arith.mulf %round3A, %mul3A_947 : vector<20x256x128xf32>
    %sub3A_949 = arith.subf %sub3A_945, %mul3A_948 : vector<20x256x128xf32>
    %mul3A_950 = arith.constant 5.000000e-01 : f32
    %mul3A_951 = vector.broadcast %mul3A_950 : f32 to vector<20x256x128xf32>
    %mul3A_952 = arith.mulf %round3A, %mul3A_951 : vector<20x256x128xf32>
    %floor3A = math.floor %mul3A_952 : vector<20x256x128xf32>
    %sub3A_953 = arith.subf %mul3A_952, %floor3A : vector<20x256x128xf32>
    %mul3A_954 = arith.constant 4.000000e+00 : f32
    %mul3A_955 = vector.broadcast %mul3A_954 : f32 to vector<20x256x128xf32>
    %mul3A_956 = arith.mulf %mul3A_955, %sub3A_953 : vector<20x256x128xf32>
    %sub3A_957 = arith.constant 1.000000e+00 : f32
    %sub3A_958 = vector.broadcast %sub3A_957 : f32 to vector<20x256x128xf32>
    %sub3A_959 = arith.subf %sub3A_958, %mul3A_956 : vector<20x256x128xf32>
    %mul3A_960 = arith.mulf %sub3A_949, %sub3A_949 : vector<20x256x128xf32>
    %mul3A_961 = arith.constant 2.590430e-06 : f32
    %mul3A_962 = vector.broadcast %mul3A_961 : f32 to vector<20x256x128xf32>
    %mul3A_963 = arith.mulf %mul3A_960, %mul3A_962 : vector<20x256x128xf32>
    %add3A_964 = arith.constant -1.98008653E-4 : f32
    %add3A_965 = vector.broadcast %add3A_964 : f32 to vector<20x256x128xf32>
    %add3A_966 = arith.addf %add3A_965, %mul3A_963 : vector<20x256x128xf32>
    %mul3A_967 = arith.mulf %mul3A_960, %add3A_966 : vector<20x256x128xf32>
    %add3A_968 = arith.constant 0.00833289884 : f32
    %add3A_969 = vector.broadcast %add3A_968 : f32 to vector<20x256x128xf32>
    %add3A_970 = arith.addf %add3A_969, %mul3A_967 : vector<20x256x128xf32>
    %mul3A_971 = arith.mulf %mul3A_960, %add3A_970 : vector<20x256x128xf32>
    %add3A_972 = arith.constant -0.166666478 : f32
    %add3A_973 = vector.broadcast %add3A_972 : f32 to vector<20x256x128xf32>
    %add3A_974 = arith.addf %add3A_973, %mul3A_971 : vector<20x256x128xf32>
    %mul3A_975 = arith.mulf %mul3A_960, %add3A_974 : vector<20x256x128xf32>
    %add3A_976 = arith.constant 1.000000e+00 : f32
    %add3A_977 = vector.broadcast %add3A_976 : f32 to vector<20x256x128xf32>
    %add3A_978 = arith.addf %add3A_977, %mul3A_975 : vector<20x256x128xf32>
    %mul3A_979 = arith.mulf %sub3A_949, %add3A_978 : vector<20x256x128xf32>
    %mul3A_980 = arith.mulf %sub3A_959, %mul3A_979 : vector<20x256x128xf32>
    %get3A_981 = arith.constant 0 : index
    %get3A_982 = arith.constant 0 : index
    %get3A_983 = vector.load %arg12[%get3A_981, %get3A_982] : memref<1x128xf32, #tpu.memory_space<vmem>>, vector<1x128xf32>
    %broadcast_in_dim3A_984 = vector.shape_cast %get3A_983 : vector<1x128xf32> to vector<1x1x128xf32>
    %sub3A_985 = arith.subf %add3A_938, %mul3A_980 : vector<20x256x128xf32>
    %mul3A_986 = vector.broadcast %broadcast_in_dim3A_984 : vector<1x1x128xf32> to vector<20x256x128xf32>
    %mul3A_987 = arith.mulf %mul3A_986, %sub3A_985 : vector<20x256x128xf32>
    %add3A_988 = arith.addf %mul3A_980, %mul3A_987 : vector<20x256x128xf32>
    %swap3A_989 = arith.constant 0 : index
    %swap3A_990 = arith.constant 0 : index
    %swap3A_991 = arith.constant 0 : index
    %swap3A_992 = vector.load %arg15[%swap3A_989, %swap3A_990, %swap3A_991] : memref<20x256x128xf32, #tpu.memory_space<vmem>>, vector<20x256x128xf32>
    tpu.vector_store %arg15[%swap3A_989, %swap3A_990, %swap3A_991], %add3A_988 {strides = array<i32>} : memref<20x256x128xf32, #tpu.memory_space<vmem>>, vector<20x256x128xf32>,
    %get3A_993 = arith.constant 0 : index
    %get3A_994 = arith.constant 0 : index
    %get3A_995 = arith.constant 0 : index
    %get3A_996 = vector.load %arg15[%get3A_993, %get3A_994, %get3A_995] : memref<20x256x128xf32, #tpu.memory_space<vmem>>, vector<1x256x128xf32>
    %get3A_997 = vector.shape_cast %get3A_996 : vector<1x256x128xf32> to vector<256x128xf32>
    %get3A_998 = arith.constant 0 : index
    %get3A_999 = arith.constant 0 : index
    %get3A_1000 = vector.load %arg3[%get3A_998, %get3A_999] : memref<20x256xf32, #tpu.memory_space<vmem>>, vector<1x256xf32>
    %get3A_1001 = arith.constant 0 : index
    %get3A_1002 = arith.constant 0 : index
    %get3A_1003 = vector.load %arg4[%get3A_1001, %get3A_1002] : memref<20x256xf32, #tpu.memory_space<vmem>>, vector<1x256xf32>
    %broadcast_in_dim3A_1004 = arith.constant 0.000000e+00 : f32
    %broadcast_in_dim3A_1005 = vector.broadcast %broadcast_in_dim3A_1004 : f32 to vector<256x128xf32>
    %broadcast_in_dim3A_1006 = arith.constant 0.000000e+00 : f32
    %broadcast_in_dim3A_1007 = vector.broadcast %broadcast_in_dim3A_1006 : f32 to vector<256xf32>
    %scan3A_1008 = arith.constant 0 : i32
    %get3A_1009 = arith.index_cast %scan3A_1008 : i32 to index
    %get3A_1010 = arith.constant 0 : index
    %get3A_1011 = arith.constant 0 : index
    %get3A_1012 = vector.load %arg15[%get3A_1009, %get3A_1010, %get3A_1011] : memref<20x256x128xf32, #tpu.memory_space<vmem>>, vector<1x256x128xf32>
    %get3A_1013 = vector.shape_cast %get3A_1012 : vector<1x256x128xf32> to vector<256x128xf32>
    %sub3A_1014 = arith.subf %get3A_1013, %get3A_997 : vector<256x128xf32>
    %mul3A_1015 = arith.mulf %sub3A_1014, %sub3A_1014 : vector<256x128xf32>
    %reduce_sum3A = arith.constant dense<0.000000e+00> : vector<256xf32>
    %reduce_sum3A_1016 = vector.multi_reduction <add>, %mul3A_1015, %reduce_sum3A [1] : vector<256x128xf32> to vector<256xf32>
    %get3A_1017 = arith.index_cast %scan3A_1008 : i32 to index
    %get3A_1018 = arith.constant 0 : index
    %get3A_1019 = vector.load %arg3[%get3A_1017, %get3A_1018] : memref<20x256xf32, #tpu.memory_space<vmem>>, vector<1x256xf32>
    %sub3A_1020 = arith.subf %get3A_1019, %get3A_1000 : vector<1x256xf32>
    %get3A_1021 = arith.index_cast %scan3A_1008 : i32 to index
    %get3A_1022 = arith.constant 0 : index
    %get3A_1023 = vector.load %arg4[%get3A_1021, %get3A_1022] : memref<20x256xf32, #tpu.memory_space<vmem>>, vector<1x256xf32>
    %sub3A_1024 = arith.subf %get3A_1023, %get3A_1003 : vector<1x256xf32>
    %mul3A_1025 = arith.mulf %sub3A_1020, %sub3A_1020 : vector<1x256xf32>
    %mul3A_1026 = arith.mulf %sub3A_1024, %sub3A_1024 : vector<1x256xf32>
    %add3A_1027 = arith.addf %mul3A_1025, %mul3A_1026 : vector<1x256xf32>
    %add3A_1028 = arith.constant 9.99999996E-13 : f32
    %add3A_1029 = vector.broadcast %add3A_1028 : f32 to vector<1x256xf32>
    %add3A_1030 = arith.addf %add3A_1027, %add3A_1029 : vector<1x256xf32>
    %sqrt3A = math.sqrt %add3A_1030 : vector<1x256xf32>
    %squeeze3A_1031 = vector.shape_cast %sqrt3A : vector<1x256xf32> to vector<256xf32>
    %mul3A_1032 = arith.constant 1.000000e-01 : f32
    %mul3A_1033 = vector.broadcast %mul3A_1032 : f32 to vector<256xf32>
    %mul3A_1034 = arith.mulf %mul3A_1033, %squeeze3A_1031 : vector<256xf32>
    %add3A_1035 = arith.addf %reduce_sum3A_1016, %mul3A_1034 : vector<256xf32>
    %neg3A = arith.constant 0.000000e+00 : f32
    %neg3A_1036 = vector.broadcast %neg3A : f32 to vector<256xf32>
    %neg3A_1037 = arith.subf %neg3A_1036, %add3A_1035 : vector<256xf32>
    %exp3A = math.exp %neg3A_1037 : vector<256xf32>
    %add3A_1038 = arith.constant 1.000000e-10 : f32
    %add3A_1039 = vector.broadcast %add3A_1038 : f32 to vector<256xf32>
    %add3A_1040 = arith.addf %exp3A, %add3A_1039 : vector<256xf32>
    %broadcast_in_dim3A_1041 = vector.shape_cast %add3A_1040 : vector<256xf32> to vector<256x1xf32>
    %get3A_1042 = arith.index_cast %scan3A_1008 : i32 to index
    %get3A_1043 = arith.constant 0 : index
    %get3A_1044 = arith.constant 0 : index
    %get3A_1045 = vector.load %arg14[%get3A_1042, %get3A_1043, %get3A_1044] : memref<20x256x128xf32, #tpu.memory_space<vmem>>, vector<1x256x128xf32>
    %get3A_1046 = vector.shape_cast %get3A_1045 : vector<1x256x128xf32> to vector<256x128xf32>
    %mul3A_1047 = vector.broadcast %broadcast_in_dim3A_1041 : vector<256x1xf32> to vector<256x128xf32>
    %mul3A_1048 = arith.mulf %mul3A_1047, %get3A_1046 : vector<256x128xf32>
    %add3A_1049 = arith.addf %broadcast_in_dim3A_1005, %mul3A_1048 : vector<256x128xf32>
    %add3A_1050 = arith.addf %broadcast_in_dim3A_1007, %add3A_1040 : vector<256xf32>
    %scan3A_1051 = arith.constant 1 : i32
    %broadcast_in_dim3A_1052 = vector.shape_cast %add3A_1050 : vector<256xf32> to vector<256x1xf32>
    %div3A = vector.broadcast %broadcast_in_dim3A_1052 : vector<256x1xf32> to vector<256x128xf32>
    %div3A_1053 = arith.divf %add3A_1049, %div3A : vector<256x128xf32>
    %convert_element_type3A_1054 = arith.truncf %div3A_1053 : vector<256x128xf32> to vector<256x128xbf16>
    %broadcast_in_dim3A_1055 = vector.shape_cast %convert_element_type3A_1054 : vector<256x128xbf16> to vector<1x256x128xbf16>
    %swap3A_1056 = arith.constant 0 : index
    %swap3A_1057 = arith.constant 0 : index
    %swap3A_1058 = arith.constant 0 : index
    %swap3A_1059 = vector.load %arg13[%swap3A_1056, %swap3A_1057, %swap3A_1058] : memref<20x256x256xbf16, #tpu.memory_space<vmem>>, vector<1x256x128xbf16>
    tpu.vector_store %arg13[%swap3A_1056, %swap3A_1057, %swap3A_1058], %broadcast_in_dim3A_1055 {strides = array<i32>} : memref<20x256x256xbf16, #tpu.memory_space<vmem>>, vector<1x256x128xbf16>,
    %get3A_1060 = arith.constant 1 : index
    %get3A_1061 = arith.constant 0 : index
    %get3A_1062 = arith.constant 0 : index
    %get3A_1063 = vector.load %arg15[%get3A_1060, %get3A_1061, %get3A_1062] : memref<20x256x128xf32, #tpu.memory_space<vmem>>, vector<1x256x128xf32>
    %get3A_1064 = vector.shape_cast %get3A_1063 : vector<1x256x128xf32> to vector<256x128xf32>
    %get3A_1065 = arith.constant 1 : index
    %get3A_1066 = arith.constant 0 : index
    %get3A_1067 = vector.load %arg3[%get3A_1065, %get3A_1066] : memref<20x256xf32, #tpu.memory_space<vmem>>, vector<1x256xf32>
    %get3A_1068 = arith.constant 1 : index
    %get3A_1069 = arith.constant 0 : index
    %get3A_1070 = vector.load %arg4[%get3A_1068, %get3A_1069] : memref<20x256xf32, #tpu.memory_space<vmem>>, vector<1x256xf32>
    %broadcast_in_dim3A_1071 = arith.constant 0.000000e+00 : f32
    %broadcast_in_dim3A_1072 = vector.broadcast %broadcast_in_dim3A_1071 : f32 to vector<256x128xf32>
    %broadcast_in_dim3A_1073 = arith.constant 0.000000e+00 : f32
    %broadcast_in_dim3A_1074 = vector.broadcast %broadcast_in_dim3A_1073 : f32 to vector<256xf32>
    %scan3A_1075 = arith.constant 0 : i32
    %scan3A_1076 = arith.constant 2 : i32
    %scan3A_1077 = arith.addi %scan3A_1075, %scan3A_1076 : i32
    %scan3A_1078 = arith.constant 1 : i32
    %scan3A_1079:2 = scf.for %scan3A_1641 = %scan3A_1075 to %scan3A_1077 step %scan3A_1078 iter_args(%scan3A_1642 = %broadcast_in_dim3A_1072, %scan3A_1643 = %broadcast_in_dim3A_1074) -> (vector<256x128xf32>, vector<256xf32>)  : i32 {
      %get3A_1644 = arith.index_cast %scan3A_1641 : i32 to index
      %get3A_1645 = arith.constant 0 : index
      %get3A_1646 = arith.constant 0 : index
      %get3A_1647 = vector.load %arg15[%get3A_1644, %get3A_1645, %get3A_1646] : memref<20x256x128xf32, #tpu.memory_space<vmem>>, vector<1x256x128xf32>
      %get3A_1648 = vector.shape_cast %get3A_1647 : vector<1x256x128xf32> to vector<256x128xf32>
      %sub3A_1649 = arith.subf %get3A_1648, %get3A_1064 : vector<256x128xf32>
      %mul3A_1650 = arith.mulf %sub3A_1649, %sub3A_1649 : vector<256x128xf32>
      %reduce_sum3A_1651 = arith.constant dense<0.000000e+00> : vector<256xf32>
      %reduce_sum3A_1652 = vector.multi_reduction <add>, %mul3A_1650, %reduce_sum3A_1651 [1] : vector<256x128xf32> to vector<256xf32>
      %get3A_1653 = arith.index_cast %scan3A_1641 : i32 to index
      %get3A_1654 = arith.constant 0 : index
      %get3A_1655 = vector.load %arg3[%get3A_1653, %get3A_1654] : memref<20x256xf32, #tpu.memory_space<vmem>>, vector<1x256xf32>
      %sub3A_1656 = arith.subf %get3A_1655, %get3A_1067 : vector<1x256xf32>
      %get3A_1657 = arith.index_cast %scan3A_1641 : i32 to index
      %get3A_1658 = arith.constant 0 : index
      %get3A_1659 = vector.load %arg4[%get3A_1657, %get3A_1658] : memref<20x256xf32, #tpu.memory_space<vmem>>, vector<1x256xf32>
      %sub3A_1660 = arith.subf %get3A_1659, %get3A_1070 : vector<1x256xf32>
      %mul3A_1661 = arith.mulf %sub3A_1656, %sub3A_1656 : vector<1x256xf32>
      %mul3A_1662 = arith.mulf %sub3A_1660, %sub3A_1660 : vector<1x256xf32>
      %add3A_1663 = arith.addf %mul3A_1661, %mul3A_1662 : vector<1x256xf32>
      %add3A_1664 = arith.constant 9.99999996E-13 : f32
      %add3A_1665 = vector.broadcast %add3A_1664 : f32 to vector<1x256xf32>
      %add3A_1666 = arith.addf %add3A_1663, %add3A_1665 : vector<1x256xf32>
      %sqrt3A_1667 = math.sqrt %add3A_1666 : vector<1x256xf32>
      %squeeze3A_1668 = vector.shape_cast %sqrt3A_1667 : vector<1x256xf32> to vector<256xf32>
      %mul3A_1669 = arith.constant 1.000000e-01 : f32
      %mul3A_1670 = vector.broadcast %mul3A_1669 : f32 to vector<256xf32>
      %mul3A_1671 = arith.mulf %mul3A_1670, %squeeze3A_1668 : vector<256xf32>
      %add3A_1672 = arith.addf %reduce_sum3A_1652, %mul3A_1671 : vector<256xf32>
      %neg3A_1673 = arith.constant 0.000000e+00 : f32
      %neg3A_1674 = vector.broadcast %neg3A_1673 : f32 to vector<256xf32>
      %neg3A_1675 = arith.subf %neg3A_1674, %add3A_1672 : vector<256xf32>
      %exp3A_1676 = math.exp %neg3A_1675 : vector<256xf32>
      %add3A_1677 = arith.constant 1.000000e-10 : f32
      %add3A_1678 = vector.broadcast %add3A_1677 : f32 to vector<256xf32>
      %add3A_1679 = arith.addf %exp3A_1676, %add3A_1678 : vector<256xf32>
      %broadcast_in_dim3A_1680 = vector.shape_cast %add3A_1679 : vector<256xf32> to vector<256x1xf32>
      %get3A_1681 = arith.index_cast %scan3A_1641 : i32 to index
      %get3A_1682 = arith.constant 0 : index
      %get3A_1683 = arith.constant 0 : index
      %get3A_1684 = vector.load %arg14[%get3A_1681, %get3A_1682, %get3A_1683] : memref<20x256x128xf32, #tpu.memory_space<vmem>>, vector<1x256x128xf32>
      %get3A_1685 = vector.shape_cast %get3A_1684 : vector<1x256x128xf32> to vector<256x128xf32>
      %mul3A_1686 = vector.broadcast %broadcast_in_dim3A_1680 : vector<256x1xf32> to vector<256x128xf32>
      %mul3A_1687 = arith.mulf %mul3A_1686, %get3A_1685 : vector<256x128xf32>
      %add3A_1688 = arith.addf %scan3A_1642, %mul3A_1687 : vector<256x128xf32>
      %add3A_1689 = arith.addf %scan3A_1643, %add3A_1679 : vector<256xf32>
      scf.yield %add3A_1688, %add3A_1689 : vector<256x128xf32>, vector<256xf32>
    }
    %scan3A_1080 = arith.constant 2 : i32
    %broadcast_in_dim3A_1081 = vector.shape_cast %scan3A_1079#1 : vector<256xf32> to vector<256x1xf32>
    %div3A_1082 = vector.broadcast %broadcast_in_dim3A_1081 : vector<256x1xf32> to vector<256x128xf32>
    %div3A_1083 = arith.divf %scan3A_1079#0, %div3A_1082 : vector<256x128xf32>
    %convert_element_type3A_1084 = arith.truncf %div3A_1083 : vector<256x128xf32> to vector<256x128xbf16>
    %broadcast_in_dim3A_1085 = vector.shape_cast %convert_element_type3A_1084 : vector<256x128xbf16> to vector<1x256x128xbf16>
    %swap3A_1086 = arith.constant 1 : index
    %swap3A_1087 = arith.constant 0 : index
    %swap3A_1088 = arith.constant 0 : index
    %swap3A_1089 = vector.load %arg13[%swap3A_1086, %swap3A_1087, %swap3A_1088] : memref<20x256x256xbf16, #tpu.memory_space<vmem>>, vector<1x256x128xbf16>
    tpu.vector_store %arg13[%swap3A_1086, %swap3A_1087, %swap3A_1088], %broadcast_in_dim3A_1085 {strides = array<i32>} : memref<20x256x256xbf16, #tpu.memory_space<vmem>>, vector<1x256x128xbf16>,
    %get3A_1090 = arith.constant 2 : index
    %get3A_1091 = arith.constant 0 : index
    %get3A_1092 = arith.constant 0 : index
    %get3A_1093 = vector.load %arg15[%get3A_1090, %get3A_1091, %get3A_1092] : memref<20x256x128xf32, #tpu.memory_space<vmem>>, vector<1x256x128xf32>
    %get3A_1094 = vector.shape_cast %get3A_1093 : vector<1x256x128xf32> to vector<256x128xf32>
    %get3A_1095 = arith.constant 2 : index
    %get3A_1096 = arith.constant 0 : index
    %get3A_1097 = vector.load %arg3[%get3A_1095, %get3A_1096] : memref<20x256xf32, #tpu.memory_space<vmem>>, vector<1x256xf32>
    %get3A_1098 = arith.constant 2 : index
    %get3A_1099 = arith.constant 0 : index
    %get3A_1100 = vector.load %arg4[%get3A_1098, %get3A_1099] : memref<20x256xf32, #tpu.memory_space<vmem>>, vector<1x256xf32>
    %broadcast_in_dim3A_1101 = arith.constant 0.000000e+00 : f32
    %broadcast_in_dim3A_1102 = vector.broadcast %broadcast_in_dim3A_1101 : f32 to vector<256x128xf32>
    %broadcast_in_dim3A_1103 = arith.constant 0.000000e+00 : f32
    %broadcast_in_dim3A_1104 = vector.broadcast %broadcast_in_dim3A_1103 : f32 to vector<256xf32>
    %scan3A_1105 = arith.constant 0 : i32
    %scan3A_1106 = arith.constant 3 : i32
    %scan3A_1107 = arith.addi %scan3A_1105, %scan3A_1106 : i32
    %scan3A_1108 = arith.constant 1 : i32
    %scan3A_1109:2 = scf.for %scan3A_1641 = %scan3A_1105 to %scan3A_1107 step %scan3A_1108 iter_args(%scan3A_1642 = %broadcast_in_dim3A_1102, %scan3A_1643 = %broadcast_in_dim3A_1104) -> (vector<256x128xf32>, vector<256xf32>)  : i32 {
      %get3A_1644 = arith.index_cast %scan3A_1641 : i32 to index
      %get3A_1645 = arith.constant 0 : index
      %get3A_1646 = arith.constant 0 : index
      %get3A_1647 = vector.load %arg15[%get3A_1644, %get3A_1645, %get3A_1646] : memref<20x256x128xf32, #tpu.memory_space<vmem>>, vector<1x256x128xf32>
      %get3A_1648 = vector.shape_cast %get3A_1647 : vector<1x256x128xf32> to vector<256x128xf32>
      %sub3A_1649 = arith.subf %get3A_1648, %get3A_1094 : vector<256x128xf32>
      %mul3A_1650 = arith.mulf %sub3A_1649, %sub3A_1649 : vector<256x128xf32>
      %reduce_sum3A_1651 = arith.constant dense<0.000000e+00> : vector<256xf32>
      %reduce_sum3A_1652 = vector.multi_reduction <add>, %mul3A_1650, %reduce_sum3A_1651 [1] : vector<256x128xf32> to vector<256xf32>
      %get3A_1653 = arith.index_cast %scan3A_1641 : i32 to index
      %get3A_1654 = arith.constant 0 : index
      %get3A_1655 = vector.load %arg3[%get3A_1653, %get3A_1654] : memref<20x256xf32, #tpu.memory_space<vmem>>, vector<1x256xf32>
      %sub3A_1656 = arith.subf %get3A_1655, %get3A_1097 : vector<1x256xf32>
      %get3A_1657 = arith.index_cast %scan3A_1641 : i32 to index
      %get3A_1658 = arith.constant 0 : index
      %get3A_1659 = vector.load %arg4[%get3A_1657, %get3A_1658] : memref<20x256xf32, #tpu.memory_space<vmem>>, vector<1x256xf32>
      %sub3A_1660 = arith.subf %get3A_1659, %get3A_1100 : vector<1x256xf32>
      %mul3A_1661 = arith.mulf %sub3A_1656, %sub3A_1656 : vector<1x256xf32>
      %mul3A_1662 = arith.mulf %sub3A_1660, %sub3A_1660 : vector<1x256xf32>
      %add3A_1663 = arith.addf %mul3A_1661, %mul3A_1662 : vector<1x256xf32>
      %add3A_1664 = arith.constant 9.99999996E-13 : f32
      %add3A_1665 = vector.broadcast %add3A_1664 : f32 to vector<1x256xf32>
      %add3A_1666 = arith.addf %add3A_1663, %add3A_1665 : vector<1x256xf32>
      %sqrt3A_1667 = math.sqrt %add3A_1666 : vector<1x256xf32>
      %squeeze3A_1668 = vector.shape_cast %sqrt3A_1667 : vector<1x256xf32> to vector<256xf32>
      %mul3A_1669 = arith.constant 1.000000e-01 : f32
      %mul3A_1670 = vector.broadcast %mul3A_1669 : f32 to vector<256xf32>
      %mul3A_1671 = arith.mulf %mul3A_1670, %squeeze3A_1668 : vector<256xf32>
      %add3A_1672 = arith.addf %reduce_sum3A_1652, %mul3A_1671 : vector<256xf32>
      %neg3A_1673 = arith.constant 0.000000e+00 : f32
      %neg3A_1674 = vector.broadcast %neg3A_1673 : f32 to vector<256xf32>
      %neg3A_1675 = arith.subf %neg3A_1674, %add3A_1672 : vector<256xf32>
      %exp3A_1676 = math.exp %neg3A_1675 : vector<256xf32>
      %add3A_1677 = arith.constant 1.000000e-10 : f32
      %add3A_1678 = vector.broadcast %add3A_1677 : f32 to vector<256xf32>
      %add3A_1679 = arith.addf %exp3A_1676, %add3A_1678 : vector<256xf32>
      %broadcast_in_dim3A_1680 = vector.shape_cast %add3A_1679 : vector<256xf32> to vector<256x1xf32>
      %get3A_1681 = arith.index_cast %scan3A_1641 : i32 to index
      %get3A_1682 = arith.constant 0 : index
      %get3A_1683 = arith.constant 0 : index
      %get3A_1684 = vector.load %arg14[%get3A_1681, %get3A_1682, %get3A_1683] : memref<20x256x128xf32, #tpu.memory_space<vmem>>, vector<1x256x128xf32>
      %get3A_1685 = vector.shape_cast %get3A_1684 : vector<1x256x128xf32> to vector<256x128xf32>
      %mul3A_1686 = vector.broadcast %broadcast_in_dim3A_1680 : vector<256x1xf32> to vector<256x128xf32>
      %mul3A_1687 = arith.mulf %mul3A_1686, %get3A_1685 : vector<256x128xf32>
      %add3A_1688 = arith.addf %scan3A_1642, %mul3A_1687 : vector<256x128xf32>
      %add3A_1689 = arith.addf %scan3A_1643, %add3A_1679 : vector<256xf32>
      scf.yield %add3A_1688, %add3A_1689 : vector<256x128xf32>, vector<256xf32>
    }
    %scan3A_1110 = arith.constant 3 : i32
    %broadcast_in_dim3A_1111 = vector.shape_cast %scan3A_1109#1 : vector<256xf32> to vector<256x1xf32>
    %div3A_1112 = vector.broadcast %broadcast_in_dim3A_1111 : vector<256x1xf32> to vector<256x128xf32>
    %div3A_1113 = arith.divf %scan3A_1109#0, %div3A_1112 : vector<256x128xf32>
    %convert_element_type3A_1114 = arith.truncf %div3A_1113 : vector<256x128xf32> to vector<256x128xbf16>
    %broadcast_in_dim3A_1115 = vector.shape_cast %convert_element_type3A_1114 : vector<256x128xbf16> to vector<1x256x128xbf16>
    %swap3A_1116 = arith.constant 2 : index
    %swap3A_1117 = arith.constant 0 : index
    %swap3A_1118 = arith.constant 0 : index
    %swap3A_1119 = vector.load %arg13[%swap3A_1116, %swap3A_1117, %swap3A_1118] : memref<20x256x256xbf16, #tpu.memory_space<vmem>>, vector<1x256x128xbf16>
    tpu.vector_store %arg13[%swap3A_1116, %swap3A_1117, %swap3A_1118], %broadcast_in_dim3A_1115 {strides = array<i32>} : memref<20x256x256xbf16, #tpu.memory_space<vmem>>, vector<1x256x128xbf16>,
    %get3A_1120 = arith.constant 3 : index
    %get3A_1121 = arith.constant 0 : index
    %get3A_1122 = arith.constant 0 : index
    %get3A_1123 = vector.load %arg15[%get3A_1120, %get3A_1121, %get3A_1122] : memref<20x256x128xf32, #tpu.memory_space<vmem>>, vector<1x256x128xf32>
    %get3A_1124 = vector.shape_cast %get3A_1123 : vector<1x256x128xf32> to vector<256x128xf32>
    %get3A_1125 = arith.constant 3 : index
    %get3A_1126 = arith.constant 0 : index
    %get3A_1127 = vector.load %arg3[%get3A_1125, %get3A_1126] : memref<20x256xf32, #tpu.memory_space<vmem>>, vector<1x256xf32>
    %get3A_1128 = arith.constant 3 : index
    %get3A_1129 = arith.constant 0 : index
    %get3A_1130 = vector.load %arg4[%get3A_1128, %get3A_1129] : memref<20x256xf32, #tpu.memory_space<vmem>>, vector<1x256xf32>
    %broadcast_in_dim3A_1131 = arith.constant 0.000000e+00 : f32
    %broadcast_in_dim3A_1132 = vector.broadcast %broadcast_in_dim3A_1131 : f32 to vector<256x128xf32>
    %broadcast_in_dim3A_1133 = arith.constant 0.000000e+00 : f32
    %broadcast_in_dim3A_1134 = vector.broadcast %broadcast_in_dim3A_1133 : f32 to vector<256xf32>
    %scan3A_1135 = arith.constant 0 : i32
    %scan3A_1136 = arith.constant 4 : i32
    %scan3A_1137 = arith.addi %scan3A_1135, %scan3A_1136 : i32
    %scan3A_1138 = arith.constant 1 : i32
    %scan3A_1139:2 = scf.for %scan3A_1641 = %scan3A_1135 to %scan3A_1137 step %scan3A_1138 iter_args(%scan3A_1642 = %broadcast_in_dim3A_1132, %scan3A_1643 = %broadcast_in_dim3A_1134) -> (vector<256x128xf32>, vector<256xf32>)  : i32 {
      %get3A_1644 = arith.index_cast %scan3A_1641 : i32 to index
      %get3A_1645 = arith.constant 0 : index
      %get3A_1646 = arith.constant 0 : index
      %get3A_1647 = vector.load %arg15[%get3A_1644, %get3A_1645, %get3A_1646] : memref<20x256x128xf32, #tpu.memory_space<vmem>>, vector<1x256x128xf32>
      %get3A_1648 = vector.shape_cast %get3A_1647 : vector<1x256x128xf32> to vector<256x128xf32>
      %sub3A_1649 = arith.subf %get3A_1648, %get3A_1124 : vector<256x128xf32>
      %mul3A_1650 = arith.mulf %sub3A_1649, %sub3A_1649 : vector<256x128xf32>
      %reduce_sum3A_1651 = arith.constant dense<0.000000e+00> : vector<256xf32>
      %reduce_sum3A_1652 = vector.multi_reduction <add>, %mul3A_1650, %reduce_sum3A_1651 [1] : vector<256x128xf32> to vector<256xf32>
      %get3A_1653 = arith.index_cast %scan3A_1641 : i32 to index
      %get3A_1654 = arith.constant 0 : index
      %get3A_1655 = vector.load %arg3[%get3A_1653, %get3A_1654] : memref<20x256xf32, #tpu.memory_space<vmem>>, vector<1x256xf32>
      %sub3A_1656 = arith.subf %get3A_1655, %get3A_1127 : vector<1x256xf32>
      %get3A_1657 = arith.index_cast %scan3A_1641 : i32 to index
      %get3A_1658 = arith.constant 0 : index
      %get3A_1659 = vector.load %arg4[%get3A_1657, %get3A_1658] : memref<20x256xf32, #tpu.memory_space<vmem>>, vector<1x256xf32>
      %sub3A_1660 = arith.subf %get3A_1659, %get3A_1130 : vector<1x256xf32>
      %mul3A_1661 = arith.mulf %sub3A_1656, %sub3A_1656 : vector<1x256xf32>
      %mul3A_1662 = arith.mulf %sub3A_1660, %sub3A_1660 : vector<1x256xf32>
      %add3A_1663 = arith.addf %mul3A_1661, %mul3A_1662 : vector<1x256xf32>
      %add3A_1664 = arith.constant 9.99999996E-13 : f32
      %add3A_1665 = vector.broadcast %add3A_1664 : f32 to vector<1x256xf32>
      %add3A_1666 = arith.addf %add3A_1663, %add3A_1665 : vector<1x256xf32>
      %sqrt3A_1667 = math.sqrt %add3A_1666 : vector<1x256xf32>
      %squeeze3A_1668 = vector.shape_cast %sqrt3A_1667 : vector<1x256xf32> to vector<256xf32>
      %mul3A_1669 = arith.constant 1.000000e-01 : f32
      %mul3A_1670 = vector.broadcast %mul3A_1669 : f32 to vector<256xf32>
      %mul3A_1671 = arith.mulf %mul3A_1670, %squeeze3A_1668 : vector<256xf32>
      %add3A_1672 = arith.addf %reduce_sum3A_1652, %mul3A_1671 : vector<256xf32>
      %neg3A_1673 = arith.constant 0.000000e+00 : f32
      %neg3A_1674 = vector.broadcast %neg3A_1673 : f32 to vector<256xf32>
      %neg3A_1675 = arith.subf %neg3A_1674, %add3A_1672 : vector<256xf32>
      %exp3A_1676 = math.exp %neg3A_1675 : vector<256xf32>
      %add3A_1677 = arith.constant 1.000000e-10 : f32
      %add3A_1678 = vector.broadcast %add3A_1677 : f32 to vector<256xf32>
      %add3A_1679 = arith.addf %exp3A_1676, %add3A_1678 : vector<256xf32>
      %broadcast_in_dim3A_1680 = vector.shape_cast %add3A_1679 : vector<256xf32> to vector<256x1xf32>
      %get3A_1681 = arith.index_cast %scan3A_1641 : i32 to index
      %get3A_1682 = arith.constant 0 : index
      %get3A_1683 = arith.constant 0 : index
      %get3A_1684 = vector.load %arg14[%get3A_1681, %get3A_1682, %get3A_1683] : memref<20x256x128xf32, #tpu.memory_space<vmem>>, vector<1x256x128xf32>
      %get3A_1685 = vector.shape_cast %get3A_1684 : vector<1x256x128xf32> to vector<256x128xf32>
      %mul3A_1686 = vector.broadcast %broadcast_in_dim3A_1680 : vector<256x1xf32> to vector<256x128xf32>
      %mul3A_1687 = arith.mulf %mul3A_1686, %get3A_1685 : vector<256x128xf32>
      %add3A_1688 = arith.addf %scan3A_1642, %mul3A_1687 : vector<256x128xf32>
      %add3A_1689 = arith.addf %scan3A_1643, %add3A_1679 : vector<256xf32>
      scf.yield %add3A_1688, %add3A_1689 : vector<256x128xf32>, vector<256xf32>
    }
    %scan3A_1140 = arith.constant 4 : i32
    %broadcast_in_dim3A_1141 = vector.shape_cast %scan3A_1139#1 : vector<256xf32> to vector<256x1xf32>
    %div3A_1142 = vector.broadcast %broadcast_in_dim3A_1141 : vector<256x1xf32> to vector<256x128xf32>
    %div3A_1143 = arith.divf %scan3A_1139#0, %div3A_1142 : vector<256x128xf32>
    %convert_element_type3A_1144 = arith.truncf %div3A_1143 : vector<256x128xf32> to vector<256x128xbf16>
    %broadcast_in_dim3A_1145 = vector.shape_cast %convert_element_type3A_1144 : vector<256x128xbf16> to vector<1x256x128xbf16>
    %swap3A_1146 = arith.constant 3 : index
    %swap3A_1147 = arith.constant 0 : index
    %swap3A_1148 = arith.constant 0 : index
    %swap3A_1149 = vector.load %arg13[%swap3A_1146, %swap3A_1147, %swap3A_1148] : memref<20x256x256xbf16, #tpu.memory_space<vmem>>, vector<1x256x128xbf16>
    tpu.vector_store %arg13[%swap3A_1146, %swap3A_1147, %swap3A_1148], %broadcast_in_dim3A_1145 {strides = array<i32>} : memref<20x256x256xbf16, #tpu.memory_space<vmem>>, vector<1x256x128xbf16>,
    %get3A_1150 = arith.constant 4 : index
    %get3A_1151 = arith.constant 0 : index
    %get3A_1152 = arith.constant 0 : index
    %get3A_1153 = vector.load %arg15[%get3A_1150, %get3A_1151, %get3A_1152] : memref<20x256x128xf32, #tpu.memory_space<vmem>>, vector<1x256x128xf32>
    %get3A_1154 = vector.shape_cast %get3A_1153 : vector<1x256x128xf32> to vector<256x128xf32>
    %get3A_1155 = arith.constant 4 : index
    %get3A_1156 = arith.constant 0 : index
    %get3A_1157 = vector.load %arg3[%get3A_1155, %get3A_1156] : memref<20x256xf32, #tpu.memory_space<vmem>>, vector<1x256xf32>
    %get3A_1158 = arith.constant 4 : index
    %get3A_1159 = arith.constant 0 : index
    %get3A_1160 = vector.load %arg4[%get3A_1158, %get3A_1159] : memref<20x256xf32, #tpu.memory_space<vmem>>, vector<1x256xf32>
    %broadcast_in_dim3A_1161 = arith.constant 0.000000e+00 : f32
    %broadcast_in_dim3A_1162 = vector.broadcast %broadcast_in_dim3A_1161 : f32 to vector<256x128xf32>
    %broadcast_in_dim3A_1163 = arith.constant 0.000000e+00 : f32
    %broadcast_in_dim3A_1164 = vector.broadcast %broadcast_in_dim3A_1163 : f32 to vector<256xf32>
    %scan3A_1165 = arith.constant 0 : i32
    %scan3A_1166 = arith.constant 5 : i32
    %scan3A_1167 = arith.addi %scan3A_1165, %scan3A_1166 : i32
    %scan3A_1168 = arith.constant 1 : i32
    %scan3A_1169:2 = scf.for %scan3A_1641 = %scan3A_1165 to %scan3A_1167 step %scan3A_1168 iter_args(%scan3A_1642 = %broadcast_in_dim3A_1162, %scan3A_1643 = %broadcast_in_dim3A_1164) -> (vector<256x128xf32>, vector<256xf32>)  : i32 {
      %get3A_1644 = arith.index_cast %scan3A_1641 : i32 to index
      %get3A_1645 = arith.constant 0 : index
      %get3A_1646 = arith.constant 0 : index
      %get3A_1647 = vector.load %arg15[%get3A_1644, %get3A_1645, %get3A_1646] : memref<20x256x128xf32, #tpu.memory_space<vmem>>, vector<1x256x128xf32>
      %get3A_1648 = vector.shape_cast %get3A_1647 : vector<1x256x128xf32> to vector<256x128xf32>
      %sub3A_1649 = arith.subf %get3A_1648, %get3A_1154 : vector<256x128xf32>
      %mul3A_1650 = arith.mulf %sub3A_1649, %sub3A_1649 : vector<256x128xf32>
      %reduce_sum3A_1651 = arith.constant dense<0.000000e+00> : vector<256xf32>
      %reduce_sum3A_1652 = vector.multi_reduction <add>, %mul3A_1650, %reduce_sum3A_1651 [1] : vector<256x128xf32> to vector<256xf32>
      %get3A_1653 = arith.index_cast %scan3A_1641 : i32 to index
      %get3A_1654 = arith.constant 0 : index
      %get3A_1655 = vector.load %arg3[%get3A_1653, %get3A_1654] : memref<20x256xf32, #tpu.memory_space<vmem>>, vector<1x256xf32>
      %sub3A_1656 = arith.subf %get3A_1655, %get3A_1157 : vector<1x256xf32>
      %get3A_1657 = arith.index_cast %scan3A_1641 : i32 to index
      %get3A_1658 = arith.constant 0 : index
      %get3A_1659 = vector.load %arg4[%get3A_1657, %get3A_1658] : memref<20x256xf32, #tpu.memory_space<vmem>>, vector<1x256xf32>
      %sub3A_1660 = arith.subf %get3A_1659, %get3A_1160 : vector<1x256xf32>
      %mul3A_1661 = arith.mulf %sub3A_1656, %sub3A_1656 : vector<1x256xf32>
      %mul3A_1662 = arith.mulf %sub3A_1660, %sub3A_1660 : vector<1x256xf32>
      %add3A_1663 = arith.addf %mul3A_1661, %mul3A_1662 : vector<1x256xf32>
      %add3A_1664 = arith.constant 9.99999996E-13 : f32
      %add3A_1665 = vector.broadcast %add3A_1664 : f32 to vector<1x256xf32>
      %add3A_1666 = arith.addf %add3A_1663, %add3A_1665 : vector<1x256xf32>
      %sqrt3A_1667 = math.sqrt %add3A_1666 : vector<1x256xf32>
      %squeeze3A_1668 = vector.shape_cast %sqrt3A_1667 : vector<1x256xf32> to vector<256xf32>
      %mul3A_1669 = arith.constant 1.000000e-01 : f32
      %mul3A_1670 = vector.broadcast %mul3A_1669 : f32 to vector<256xf32>
      %mul3A_1671 = arith.mulf %mul3A_1670, %squeeze3A_1668 : vector<256xf32>
      %add3A_1672 = arith.addf %reduce_sum3A_1652, %mul3A_1671 : vector<256xf32>
      %neg3A_1673 = arith.constant 0.000000e+00 : f32
      %neg3A_1674 = vector.broadcast %neg3A_1673 : f32 to vector<256xf32>
      %neg3A_1675 = arith.subf %neg3A_1674, %add3A_1672 : vector<256xf32>
      %exp3A_1676 = math.exp %neg3A_1675 : vector<256xf32>
      %add3A_1677 = arith.constant 1.000000e-10 : f32
      %add3A_1678 = vector.broadcast %add3A_1677 : f32 to vector<256xf32>
      %add3A_1679 = arith.addf %exp3A_1676, %add3A_1678 : vector<256xf32>
      %broadcast_in_dim3A_1680 = vector.shape_cast %add3A_1679 : vector<256xf32> to vector<256x1xf32>
      %get3A_1681 = arith.index_cast %scan3A_1641 : i32 to index
      %get3A_1682 = arith.constant 0 : index
      %get3A_1683 = arith.constant 0 : index
      %get3A_1684 = vector.load %arg14[%get3A_1681, %get3A_1682, %get3A_1683] : memref<20x256x128xf32, #tpu.memory_space<vmem>>, vector<1x256x128xf32>
      %get3A_1685 = vector.shape_cast %get3A_1684 : vector<1x256x128xf32> to vector<256x128xf32>
      %mul3A_1686 = vector.broadcast %broadcast_in_dim3A_1680 : vector<256x1xf32> to vector<256x128xf32>
      %mul3A_1687 = arith.mulf %mul3A_1686, %get3A_1685 : vector<256x128xf32>
      %add3A_1688 = arith.addf %scan3A_1642, %mul3A_1687 : vector<256x128xf32>
      %add3A_1689 = arith.addf %scan3A_1643, %add3A_1679 : vector<256xf32>
      scf.yield %add3A_1688, %add3A_1689 : vector<256x128xf32>, vector<256xf32>
    }
    %scan3A_1170 = arith.constant 5 : i32
    %broadcast_in_dim3A_1171 = vector.shape_cast %scan3A_1169#1 : vector<256xf32> to vector<256x1xf32>
    %div3A_1172 = vector.broadcast %broadcast_in_dim3A_1171 : vector<256x1xf32> to vector<256x128xf32>
    %div3A_1173 = arith.divf %scan3A_1169#0, %div3A_1172 : vector<256x128xf32>
    %convert_element_type3A_1174 = arith.truncf %div3A_1173 : vector<256x128xf32> to vector<256x128xbf16>
    %broadcast_in_dim3A_1175 = vector.shape_cast %convert_element_type3A_1174 : vector<256x128xbf16> to vector<1x256x128xbf16>
    %swap3A_1176 = arith.constant 4 : index
    %swap3A_1177 = arith.constant 0 : index
    %swap3A_1178 = arith.constant 0 : index
    %swap3A_1179 = vector.load %arg13[%swap3A_1176, %swap3A_1177, %swap3A_1178] : memref<20x256x256xbf16, #tpu.memory_space<vmem>>, vector<1x256x128xbf16>
    tpu.vector_store %arg13[%swap3A_1176, %swap3A_1177, %swap3A_1178], %broadcast_in_dim3A_1175 {strides = array<i32>} : memref<20x256x256xbf16, #tpu.memory_space<vmem>>, vector<1x256x128xbf16>,
    %get3A_1180 = arith.constant 5 : index
    %get3A_1181 = arith.constant 0 : index
    %get3A_1182 = arith.constant 0 : index
    %get3A_1183 = vector.load %arg15[%get3A_1180, %get3A_1181, %get3A_1182] : memref<20x256x128xf32, #tpu.memory_space<vmem>>, vector<1x256x128xf32>
    %get3A_1184 = vector.shape_cast %get3A_1183 : vector<1x256x128xf32> to vector<256x128xf32>
    %get3A_1185 = arith.constant 5 : index
    %get3A_1186 = arith.constant 0 : index
    %get3A_1187 = vector.load %arg3[%get3A_1185, %get3A_1186] : memref<20x256xf32, #tpu.memory_space<vmem>>, vector<1x256xf32>
    %get3A_1188 = arith.constant 5 : index
    %get3A_1189 = arith.constant 0 : index
    %get3A_1190 = vector.load %arg4[%get3A_1188, %get3A_1189] : memref<20x256xf32, #tpu.memory_space<vmem>>, vector<1x256xf32>
    %broadcast_in_dim3A_1191 = arith.constant 0.000000e+00 : f32
    %broadcast_in_dim3A_1192 = vector.broadcast %broadcast_in_dim3A_1191 : f32 to vector<256x128xf32>
    %broadcast_in_dim3A_1193 = arith.constant 0.000000e+00 : f32
    %broadcast_in_dim3A_1194 = vector.broadcast %broadcast_in_dim3A_1193 : f32 to vector<256xf32>
    %scan3A_1195 = arith.constant 0 : i32
    %scan3A_1196 = arith.constant 6 : i32
    %scan3A_1197 = arith.addi %scan3A_1195, %scan3A_1196 : i32
    %scan3A_1198 = arith.constant 1 : i32
    %scan3A_1199:2 = scf.for %scan3A_1641 = %scan3A_1195 to %scan3A_1197 step %scan3A_1198 iter_args(%scan3A_1642 = %broadcast_in_dim3A_1192, %scan3A_1643 = %broadcast_in_dim3A_1194) -> (vector<256x128xf32>, vector<256xf32>)  : i32 {
      %get3A_1644 = arith.index_cast %scan3A_1641 : i32 to index
      %get3A_1645 = arith.constant 0 : index
      %get3A_1646 = arith.constant 0 : index
      %get3A_1647 = vector.load %arg15[%get3A_1644, %get3A_1645, %get3A_1646] : memref<20x256x128xf32, #tpu.memory_space<vmem>>, vector<1x256x128xf32>
      %get3A_1648 = vector.shape_cast %get3A_1647 : vector<1x256x128xf32> to vector<256x128xf32>
      %sub3A_1649 = arith.subf %get3A_1648, %get3A_1184 : vector<256x128xf32>
      %mul3A_1650 = arith.mulf %sub3A_1649, %sub3A_1649 : vector<256x128xf32>
      %reduce_sum3A_1651 = arith.constant dense<0.000000e+00> : vector<256xf32>
      %reduce_sum3A_1652 = vector.multi_reduction <add>, %mul3A_1650, %reduce_sum3A_1651 [1] : vector<256x128xf32> to vector<256xf32>
      %get3A_1653 = arith.index_cast %scan3A_1641 : i32 to index
      %get3A_1654 = arith.constant 0 : index
      %get3A_1655 = vector.load %arg3[%get3A_1653, %get3A_1654] : memref<20x256xf32, #tpu.memory_space<vmem>>, vector<1x256xf32>
      %sub3A_1656 = arith.subf %get3A_1655, %get3A_1187 : vector<1x256xf32>
      %get3A_1657 = arith.index_cast %scan3A_1641 : i32 to index
      %get3A_1658 = arith.constant 0 : index
      %get3A_1659 = vector.load %arg4[%get3A_1657, %get3A_1658] : memref<20x256xf32, #tpu.memory_space<vmem>>, vector<1x256xf32>
      %sub3A_1660 = arith.subf %get3A_1659, %get3A_1190 : vector<1x256xf32>
      %mul3A_1661 = arith.mulf %sub3A_1656, %sub3A_1656 : vector<1x256xf32>
      %mul3A_1662 = arith.mulf %sub3A_1660, %sub3A_1660 : vector<1x256xf32>
      %add3A_1663 = arith.addf %mul3A_1661, %mul3A_1662 : vector<1x256xf32>
      %add3A_1664 = arith.constant 9.99999996E-13 : f32
      %add3A_1665 = vector.broadcast %add3A_1664 : f32 to vector<1x256xf32>
      %add3A_1666 = arith.addf %add3A_1663, %add3A_1665 : vector<1x256xf32>
      %sqrt3A_1667 = math.sqrt %add3A_1666 : vector<1x256xf32>
      %squeeze3A_1668 = vector.shape_cast %sqrt3A_1667 : vector<1x256xf32> to vector<256xf32>
      %mul3A_1669 = arith.constant 1.000000e-01 : f32
      %mul3A_1670 = vector.broadcast %mul3A_1669 : f32 to vector<256xf32>
      %mul3A_1671 = arith.mulf %mul3A_1670, %squeeze3A_1668 : vector<256xf32>
      %add3A_1672 = arith.addf %reduce_sum3A_1652, %mul3A_1671 : vector<256xf32>
      %neg3A_1673 = arith.constant 0.000000e+00 : f32
      %neg3A_1674 = vector.broadcast %neg3A_1673 : f32 to vector<256xf32>
      %neg3A_1675 = arith.subf %neg3A_1674, %add3A_1672 : vector<256xf32>
      %exp3A_1676 = math.exp %neg3A_1675 : vector<256xf32>
      %add3A_1677 = arith.constant 1.000000e-10 : f32
      %add3A_1678 = vector.broadcast %add3A_1677 : f32 to vector<256xf32>
      %add3A_1679 = arith.addf %exp3A_1676, %add3A_1678 : vector<256xf32>
      %broadcast_in_dim3A_1680 = vector.shape_cast %add3A_1679 : vector<256xf32> to vector<256x1xf32>
      %get3A_1681 = arith.index_cast %scan3A_1641 : i32 to index
      %get3A_1682 = arith.constant 0 : index
      %get3A_1683 = arith.constant 0 : index
      %get3A_1684 = vector.load %arg14[%get3A_1681, %get3A_1682, %get3A_1683] : memref<20x256x128xf32, #tpu.memory_space<vmem>>, vector<1x256x128xf32>
      %get3A_1685 = vector.shape_cast %get3A_1684 : vector<1x256x128xf32> to vector<256x128xf32>
      %mul3A_1686 = vector.broadcast %broadcast_in_dim3A_1680 : vector<256x1xf32> to vector<256x128xf32>
      %mul3A_1687 = arith.mulf %mul3A_1686, %get3A_1685 : vector<256x128xf32>
      %add3A_1688 = arith.addf %scan3A_1642, %mul3A_1687 : vector<256x128xf32>
      %add3A_1689 = arith.addf %scan3A_1643, %add3A_1679 : vector<256xf32>
      scf.yield %add3A_1688, %add3A_1689 : vector<256x128xf32>, vector<256xf32>
    }
    %scan3A_1200 = arith.constant 6 : i32
    %broadcast_in_dim3A_1201 = vector.shape_cast %scan3A_1199#1 : vector<256xf32> to vector<256x1xf32>
    %div3A_1202 = vector.broadcast %broadcast_in_dim3A_1201 : vector<256x1xf32> to vector<256x128xf32>
    %div3A_1203 = arith.divf %scan3A_1199#0, %div3A_1202 : vector<256x128xf32>
    %convert_element_type3A_1204 = arith.truncf %div3A_1203 : vector<256x128xf32> to vector<256x128xbf16>
    %broadcast_in_dim3A_1205 = vector.shape_cast %convert_element_type3A_1204 : vector<256x128xbf16> to vector<1x256x128xbf16>
    %swap3A_1206 = arith.constant 5 : index
    %swap3A_1207 = arith.constant 0 : index
    %swap3A_1208 = arith.constant 0 : index
    %swap3A_1209 = vector.load %arg13[%swap3A_1206, %swap3A_1207, %swap3A_1208] : memref<20x256x256xbf16, #tpu.memory_space<vmem>>, vector<1x256x128xbf16>
    tpu.vector_store %arg13[%swap3A_1206, %swap3A_1207, %swap3A_1208], %broadcast_in_dim3A_1205 {strides = array<i32>} : memref<20x256x256xbf16, #tpu.memory_space<vmem>>, vector<1x256x128xbf16>,
    %get3A_1210 = arith.constant 6 : index
    %get3A_1211 = arith.constant 0 : index
    %get3A_1212 = arith.constant 0 : index
    %get3A_1213 = vector.load %arg15[%get3A_1210, %get3A_1211, %get3A_1212] : memref<20x256x128xf32, #tpu.memory_space<vmem>>, vector<1x256x128xf32>
    %get3A_1214 = vector.shape_cast %get3A_1213 : vector<1x256x128xf32> to vector<256x128xf32>
    %get3A_1215 = arith.constant 6 : index
    %get3A_1216 = arith.constant 0 : index
    %get3A_1217 = vector.load %arg3[%get3A_1215, %get3A_1216] : memref<20x256xf32, #tpu.memory_space<vmem>>, vector<1x256xf32>
    %get3A_1218 = arith.constant 6 : index
    %get3A_1219 = arith.constant 0 : index
    %get3A_1220 = vector.load %arg4[%get3A_1218, %get3A_1219] : memref<20x256xf32, #tpu.memory_space<vmem>>, vector<1x256xf32>
    %broadcast_in_dim3A_1221 = arith.constant 0.000000e+00 : f32
    %broadcast_in_dim3A_1222 = vector.broadcast %broadcast_in_dim3A_1221 : f32 to vector<256x128xf32>
    %broadcast_in_dim3A_1223 = arith.constant 0.000000e+00 : f32
    %broadcast_in_dim3A_1224 = vector.broadcast %broadcast_in_dim3A_1223 : f32 to vector<256xf32>
    %scan3A_1225 = arith.constant 0 : i32
    %scan3A_1226 = arith.constant 7 : i32
    %scan3A_1227 = arith.addi %scan3A_1225, %scan3A_1226 : i32
    %scan3A_1228 = arith.constant 1 : i32
    %scan3A_1229:2 = scf.for %scan3A_1641 = %scan3A_1225 to %scan3A_1227 step %scan3A_1228 iter_args(%scan3A_1642 = %broadcast_in_dim3A_1222, %scan3A_1643 = %broadcast_in_dim3A_1224) -> (vector<256x128xf32>, vector<256xf32>)  : i32 {
      %get3A_1644 = arith.index_cast %scan3A_1641 : i32 to index
      %get3A_1645 = arith.constant 0 : index
      %get3A_1646 = arith.constant 0 : index
      %get3A_1647 = vector.load %arg15[%get3A_1644, %get3A_1645, %get3A_1646] : memref<20x256x128xf32, #tpu.memory_space<vmem>>, vector<1x256x128xf32>
      %get3A_1648 = vector.shape_cast %get3A_1647 : vector<1x256x128xf32> to vector<256x128xf32>
      %sub3A_1649 = arith.subf %get3A_1648, %get3A_1214 : vector<256x128xf32>
      %mul3A_1650 = arith.mulf %sub3A_1649, %sub3A_1649 : vector<256x128xf32>
      %reduce_sum3A_1651 = arith.constant dense<0.000000e+00> : vector<256xf32>
      %reduce_sum3A_1652 = vector.multi_reduction <add>, %mul3A_1650, %reduce_sum3A_1651 [1] : vector<256x128xf32> to vector<256xf32>
      %get3A_1653 = arith.index_cast %scan3A_1641 : i32 to index
      %get3A_1654 = arith.constant 0 : index
      %get3A_1655 = vector.load %arg3[%get3A_1653, %get3A_1654] : memref<20x256xf32, #tpu.memory_space<vmem>>, vector<1x256xf32>
      %sub3A_1656 = arith.subf %get3A_1655, %get3A_1217 : vector<1x256xf32>
      %get3A_1657 = arith.index_cast %scan3A_1641 : i32 to index
      %get3A_1658 = arith.constant 0 : index
      %get3A_1659 = vector.load %arg4[%get3A_1657, %get3A_1658] : memref<20x256xf32, #tpu.memory_space<vmem>>, vector<1x256xf32>
      %sub3A_1660 = arith.subf %get3A_1659, %get3A_1220 : vector<1x256xf32>
      %mul3A_1661 = arith.mulf %sub3A_1656, %sub3A_1656 : vector<1x256xf32>
      %mul3A_1662 = arith.mulf %sub3A_1660, %sub3A_1660 : vector<1x256xf32>
      %add3A_1663 = arith.addf %mul3A_1661, %mul3A_1662 : vector<1x256xf32>
      %add3A_1664 = arith.constant 9.99999996E-13 : f32
      %add3A_1665 = vector.broadcast %add3A_1664 : f32 to vector<1x256xf32>
      %add3A_1666 = arith.addf %add3A_1663, %add3A_1665 : vector<1x256xf32>
      %sqrt3A_1667 = math.sqrt %add3A_1666 : vector<1x256xf32>
      %squeeze3A_1668 = vector.shape_cast %sqrt3A_1667 : vector<1x256xf32> to vector<256xf32>
      %mul3A_1669 = arith.constant 1.000000e-01 : f32
      %mul3A_1670 = vector.broadcast %mul3A_1669 : f32 to vector<256xf32>
      %mul3A_1671 = arith.mulf %mul3A_1670, %squeeze3A_1668 : vector<256xf32>
      %add3A_1672 = arith.addf %reduce_sum3A_1652, %mul3A_1671 : vector<256xf32>
      %neg3A_1673 = arith.constant 0.000000e+00 : f32
      %neg3A_1674 = vector.broadcast %neg3A_1673 : f32 to vector<256xf32>
      %neg3A_1675 = arith.subf %neg3A_1674, %add3A_1672 : vector<256xf32>
      %exp3A_1676 = math.exp %neg3A_1675 : vector<256xf32>
      %add3A_1677 = arith.constant 1.000000e-10 : f32
      %add3A_1678 = vector.broadcast %add3A_1677 : f32 to vector<256xf32>
      %add3A_1679 = arith.addf %exp3A_1676, %add3A_1678 : vector<256xf32>
      %broadcast_in_dim3A_1680 = vector.shape_cast %add3A_1679 : vector<256xf32> to vector<256x1xf32>
      %get3A_1681 = arith.index_cast %scan3A_1641 : i32 to index
      %get3A_1682 = arith.constant 0 : index
      %get3A_1683 = arith.constant 0 : index
      %get3A_1684 = vector.load %arg14[%get3A_1681, %get3A_1682, %get3A_1683] : memref<20x256x128xf32, #tpu.memory_space<vmem>>, vector<1x256x128xf32>
      %get3A_1685 = vector.shape_cast %get3A_1684 : vector<1x256x128xf32> to vector<256x128xf32>
      %mul3A_1686 = vector.broadcast %broadcast_in_dim3A_1680 : vector<256x1xf32> to vector<256x128xf32>
      %mul3A_1687 = arith.mulf %mul3A_1686, %get3A_1685 : vector<256x128xf32>
      %add3A_1688 = arith.addf %scan3A_1642, %mul3A_1687 : vector<256x128xf32>
      %add3A_1689 = arith.addf %scan3A_1643, %add3A_1679 : vector<256xf32>
      scf.yield %add3A_1688, %add3A_1689 : vector<256x128xf32>, vector<256xf32>
    }
    %scan3A_1230 = arith.constant 7 : i32
    %broadcast_in_dim3A_1231 = vector.shape_cast %scan3A_1229#1 : vector<256xf32> to vector<256x1xf32>
    %div3A_1232 = vector.broadcast %broadcast_in_dim3A_1231 : vector<256x1xf32> to vector<256x128xf32>
    %div3A_1233 = arith.divf %scan3A_1229#0, %div3A_1232 : vector<256x128xf32>
    %convert_element_type3A_1234 = arith.truncf %div3A_1233 : vector<256x128xf32> to vector<256x128xbf16>
    %broadcast_in_dim3A_1235 = vector.shape_cast %convert_element_type3A_1234 : vector<256x128xbf16> to vector<1x256x128xbf16>
    %swap3A_1236 = arith.constant 6 : index
    %swap3A_1237 = arith.constant 0 : index
    %swap3A_1238 = arith.constant 0 : index
    %swap3A_1239 = vector.load %arg13[%swap3A_1236, %swap3A_1237, %swap3A_1238] : memref<20x256x256xbf16, #tpu.memory_space<vmem>>, vector<1x256x128xbf16>
    tpu.vector_store %arg13[%swap3A_1236, %swap3A_1237, %swap3A_1238], %broadcast_in_dim3A_1235 {strides = array<i32>} : memref<20x256x256xbf16, #tpu.memory_space<vmem>>, vector<1x256x128xbf16>,
    %get3A_1240 = arith.constant 7 : index
    %get3A_1241 = arith.constant 0 : index
    %get3A_1242 = arith.constant 0 : index
    %get3A_1243 = vector.load %arg15[%get3A_1240, %get3A_1241, %get3A_1242] : memref<20x256x128xf32, #tpu.memory_space<vmem>>, vector<1x256x128xf32>
    %get3A_1244 = vector.shape_cast %get3A_1243 : vector<1x256x128xf32> to vector<256x128xf32>
    %get3A_1245 = arith.constant 7 : index
    %get3A_1246 = arith.constant 0 : index
    %get3A_1247 = vector.load %arg3[%get3A_1245, %get3A_1246] : memref<20x256xf32, #tpu.memory_space<vmem>>, vector<1x256xf32>
    %get3A_1248 = arith.constant 7 : index
    %get3A_1249 = arith.constant 0 : index
    %get3A_1250 = vector.load %arg4[%get3A_1248, %get3A_1249] : memref<20x256xf32, #tpu.memory_space<vmem>>, vector<1x256xf32>
    %broadcast_in_dim3A_1251 = arith.constant 0.000000e+00 : f32
    %broadcast_in_dim3A_1252 = vector.broadcast %broadcast_in_dim3A_1251 : f32 to vector<256x128xf32>
    %broadcast_in_dim3A_1253 = arith.constant 0.000000e+00 : f32
    %broadcast_in_dim3A_1254 = vector.broadcast %broadcast_in_dim3A_1253 : f32 to vector<256xf32>
    %scan3A_1255 = arith.constant 0 : i32
    %scan3A_1256 = arith.constant 8 : i32
    %scan3A_1257 = arith.addi %scan3A_1255, %scan3A_1256 : i32
    %scan3A_1258 = arith.constant 1 : i32
    %scan3A_1259:2 = scf.for %scan3A_1641 = %scan3A_1255 to %scan3A_1257 step %scan3A_1258 iter_args(%scan3A_1642 = %broadcast_in_dim3A_1252, %scan3A_1643 = %broadcast_in_dim3A_1254) -> (vector<256x128xf32>, vector<256xf32>)  : i32 {
      %get3A_1644 = arith.index_cast %scan3A_1641 : i32 to index
      %get3A_1645 = arith.constant 0 : index
      %get3A_1646 = arith.constant 0 : index
      %get3A_1647 = vector.load %arg15[%get3A_1644, %get3A_1645, %get3A_1646] : memref<20x256x128xf32, #tpu.memory_space<vmem>>, vector<1x256x128xf32>
      %get3A_1648 = vector.shape_cast %get3A_1647 : vector<1x256x128xf32> to vector<256x128xf32>
      %sub3A_1649 = arith.subf %get3A_1648, %get3A_1244 : vector<256x128xf32>
      %mul3A_1650 = arith.mulf %sub3A_1649, %sub3A_1649 : vector<256x128xf32>
      %reduce_sum3A_1651 = arith.constant dense<0.000000e+00> : vector<256xf32>
      %reduce_sum3A_1652 = vector.multi_reduction <add>, %mul3A_1650, %reduce_sum3A_1651 [1] : vector<256x128xf32> to vector<256xf32>
      %get3A_1653 = arith.index_cast %scan3A_1641 : i32 to index
      %get3A_1654 = arith.constant 0 : index
      %get3A_1655 = vector.load %arg3[%get3A_1653, %get3A_1654] : memref<20x256xf32, #tpu.memory_space<vmem>>, vector<1x256xf32>
      %sub3A_1656 = arith.subf %get3A_1655, %get3A_1247 : vector<1x256xf32>
      %get3A_1657 = arith.index_cast %scan3A_1641 : i32 to index
      %get3A_1658 = arith.constant 0 : index
      %get3A_1659 = vector.load %arg4[%get3A_1657, %get3A_1658] : memref<20x256xf32, #tpu.memory_space<vmem>>, vector<1x256xf32>
      %sub3A_1660 = arith.subf %get3A_1659, %get3A_1250 : vector<1x256xf32>
      %mul3A_1661 = arith.mulf %sub3A_1656, %sub3A_1656 : vector<1x256xf32>
      %mul3A_1662 = arith.mulf %sub3A_1660, %sub3A_1660 : vector<1x256xf32>
      %add3A_1663 = arith.addf %mul3A_1661, %mul3A_1662 : vector<1x256xf32>
      %add3A_1664 = arith.constant 9.99999996E-13 : f32
      %add3A_1665 = vector.broadcast %add3A_1664 : f32 to vector<1x256xf32>
      %add3A_1666 = arith.addf %add3A_1663, %add3A_1665 : vector<1x256xf32>
      %sqrt3A_1667 = math.sqrt %add3A_1666 : vector<1x256xf32>
      %squeeze3A_1668 = vector.shape_cast %sqrt3A_1667 : vector<1x256xf32> to vector<256xf32>
      %mul3A_1669 = arith.constant 1.000000e-01 : f32
      %mul3A_1670 = vector.broadcast %mul3A_1669 : f32 to vector<256xf32>
      %mul3A_1671 = arith.mulf %mul3A_1670, %squeeze3A_1668 : vector<256xf32>
      %add3A_1672 = arith.addf %reduce_sum3A_1652, %mul3A_1671 : vector<256xf32>
      %neg3A_1673 = arith.constant 0.000000e+00 : f32
      %neg3A_1674 = vector.broadcast %neg3A_1673 : f32 to vector<256xf32>
      %neg3A_1675 = arith.subf %neg3A_1674, %add3A_1672 : vector<256xf32>
      %exp3A_1676 = math.exp %neg3A_1675 : vector<256xf32>
      %add3A_1677 = arith.constant 1.000000e-10 : f32
      %add3A_1678 = vector.broadcast %add3A_1677 : f32 to vector<256xf32>
      %add3A_1679 = arith.addf %exp3A_1676, %add3A_1678 : vector<256xf32>
      %broadcast_in_dim3A_1680 = vector.shape_cast %add3A_1679 : vector<256xf32> to vector<256x1xf32>
      %get3A_1681 = arith.index_cast %scan3A_1641 : i32 to index
      %get3A_1682 = arith.constant 0 : index
      %get3A_1683 = arith.constant 0 : index
      %get3A_1684 = vector.load %arg14[%get3A_1681, %get3A_1682, %get3A_1683] : memref<20x256x128xf32, #tpu.memory_space<vmem>>, vector<1x256x128xf32>
      %get3A_1685 = vector.shape_cast %get3A_1684 : vector<1x256x128xf32> to vector<256x128xf32>
      %mul3A_1686 = vector.broadcast %broadcast_in_dim3A_1680 : vector<256x1xf32> to vector<256x128xf32>
      %mul3A_1687 = arith.mulf %mul3A_1686, %get3A_1685 : vector<256x128xf32>
      %add3A_1688 = arith.addf %scan3A_1642, %mul3A_1687 : vector<256x128xf32>
      %add3A_1689 = arith.addf %scan3A_1643, %add3A_1679 : vector<256xf32>
      scf.yield %add3A_1688, %add3A_1689 : vector<256x128xf32>, vector<256xf32>
    }
    %scan3A_1260 = arith.constant 8 : i32
    %broadcast_in_dim3A_1261 = vector.shape_cast %scan3A_1259#1 : vector<256xf32> to vector<256x1xf32>
    %div3A_1262 = vector.broadcast %broadcast_in_dim3A_1261 : vector<256x1xf32> to vector<256x128xf32>
    %div3A_1263 = arith.divf %scan3A_1259#0, %div3A_1262 : vector<256x128xf32>
    %convert_element_type3A_1264 = arith.truncf %div3A_1263 : vector<256x128xf32> to vector<256x128xbf16>
    %broadcast_in_dim3A_1265 = vector.shape_cast %convert_element_type3A_1264 : vector<256x128xbf16> to vector<1x256x128xbf16>
    %swap3A_1266 = arith.constant 7 : index
    %swap3A_1267 = arith.constant 0 : index
    %swap3A_1268 = arith.constant 0 : index
    %swap3A_1269 = vector.load %arg13[%swap3A_1266, %swap3A_1267, %swap3A_1268] : memref<20x256x256xbf16, #tpu.memory_space<vmem>>, vector<1x256x128xbf16>
    tpu.vector_store %arg13[%swap3A_1266, %swap3A_1267, %swap3A_1268], %broadcast_in_dim3A_1265 {strides = array<i32>} : memref<20x256x256xbf16, #tpu.memory_space<vmem>>, vector<1x256x128xbf16>,
    %get3A_1270 = arith.constant 8 : index
    %get3A_1271 = arith.constant 0 : index
    %get3A_1272 = arith.constant 0 : index
    %get3A_1273 = vector.load %arg15[%get3A_1270, %get3A_1271, %get3A_1272] : memref<20x256x128xf32, #tpu.memory_space<vmem>>, vector<1x256x128xf32>
    %get3A_1274 = vector.shape_cast %get3A_1273 : vector<1x256x128xf32> to vector<256x128xf32>
    %get3A_1275 = arith.constant 8 : index
    %get3A_1276 = arith.constant 0 : index
    %get3A_1277 = vector.load %arg3[%get3A_1275, %get3A_1276] : memref<20x256xf32, #tpu.memory_space<vmem>>, vector<1x256xf32>
    %get3A_1278 = arith.constant 8 : index
    %get3A_1279 = arith.constant 0 : index
    %get3A_1280 = vector.load %arg4[%get3A_1278, %get3A_1279] : memref<20x256xf32, #tpu.memory_space<vmem>>, vector<1x256xf32>
    %broadcast_in_dim3A_1281 = arith.constant 0.000000e+00 : f32
    %broadcast_in_dim3A_1282 = vector.broadcast %broadcast_in_dim3A_1281 : f32 to vector<256x128xf32>
    %broadcast_in_dim3A_1283 = arith.constant 0.000000e+00 : f32
    %broadcast_in_dim3A_1284 = vector.broadcast %broadcast_in_dim3A_1283 : f32 to vector<256xf32>
    %scan3A_1285 = arith.constant 0 : i32
    %scan3A_1286 = arith.constant 9 : i32
    %scan3A_1287 = arith.addi %scan3A_1285, %scan3A_1286 : i32
    %scan3A_1288 = arith.constant 1 : i32
    %scan3A_1289:2 = scf.for %scan3A_1641 = %scan3A_1285 to %scan3A_1287 step %scan3A_1288 iter_args(%scan3A_1642 = %broadcast_in_dim3A_1282, %scan3A_1643 = %broadcast_in_dim3A_1284) -> (vector<256x128xf32>, vector<256xf32>)  : i32 {
      %get3A_1644 = arith.index_cast %scan3A_1641 : i32 to index
      %get3A_1645 = arith.constant 0 : index
      %get3A_1646 = arith.constant 0 : index
      %get3A_1647 = vector.load %arg15[%get3A_1644, %get3A_1645, %get3A_1646] : memref<20x256x128xf32, #tpu.memory_space<vmem>>, vector<1x256x128xf32>
      %get3A_1648 = vector.shape_cast %get3A_1647 : vector<1x256x128xf32> to vector<256x128xf32>
      %sub3A_1649 = arith.subf %get3A_1648, %get3A_1274 : vector<256x128xf32>
      %mul3A_1650 = arith.mulf %sub3A_1649, %sub3A_1649 : vector<256x128xf32>
      %reduce_sum3A_1651 = arith.constant dense<0.000000e+00> : vector<256xf32>
      %reduce_sum3A_1652 = vector.multi_reduction <add>, %mul3A_1650, %reduce_sum3A_1651 [1] : vector<256x128xf32> to vector<256xf32>
      %get3A_1653 = arith.index_cast %scan3A_1641 : i32 to index
      %get3A_1654 = arith.constant 0 : index
      %get3A_1655 = vector.load %arg3[%get3A_1653, %get3A_1654] : memref<20x256xf32, #tpu.memory_space<vmem>>, vector<1x256xf32>
      %sub3A_1656 = arith.subf %get3A_1655, %get3A_1277 : vector<1x256xf32>
      %get3A_1657 = arith.index_cast %scan3A_1641 : i32 to index
      %get3A_1658 = arith.constant 0 : index
      %get3A_1659 = vector.load %arg4[%get3A_1657, %get3A_1658] : memref<20x256xf32, #tpu.memory_space<vmem>>, vector<1x256xf32>
      %sub3A_1660 = arith.subf %get3A_1659, %get3A_1280 : vector<1x256xf32>
      %mul3A_1661 = arith.mulf %sub3A_1656, %sub3A_1656 : vector<1x256xf32>
      %mul3A_1662 = arith.mulf %sub3A_1660, %sub3A_1660 : vector<1x256xf32>
      %add3A_1663 = arith.addf %mul3A_1661, %mul3A_1662 : vector<1x256xf32>
      %add3A_1664 = arith.constant 9.99999996E-13 : f32
      %add3A_1665 = vector.broadcast %add3A_1664 : f32 to vector<1x256xf32>
      %add3A_1666 = arith.addf %add3A_1663, %add3A_1665 : vector<1x256xf32>
      %sqrt3A_1667 = math.sqrt %add3A_1666 : vector<1x256xf32>
      %squeeze3A_1668 = vector.shape_cast %sqrt3A_1667 : vector<1x256xf32> to vector<256xf32>
      %mul3A_1669 = arith.constant 1.000000e-01 : f32
      %mul3A_1670 = vector.broadcast %mul3A_1669 : f32 to vector<256xf32>
      %mul3A_1671 = arith.mulf %mul3A_1670, %squeeze3A_1668 : vector<256xf32>
      %add3A_1672 = arith.addf %reduce_sum3A_1652, %mul3A_1671 : vector<256xf32>
      %neg3A_1673 = arith.constant 0.000000e+00 : f32
      %neg3A_1674 = vector.broadcast %neg3A_1673 : f32 to vector<256xf32>
      %neg3A_1675 = arith.subf %neg3A_1674, %add3A_1672 : vector<256xf32>
      %exp3A_1676 = math.exp %neg3A_1675 : vector<256xf32>
      %add3A_1677 = arith.constant 1.000000e-10 : f32
      %add3A_1678 = vector.broadcast %add3A_1677 : f32 to vector<256xf32>
      %add3A_1679 = arith.addf %exp3A_1676, %add3A_1678 : vector<256xf32>
      %broadcast_in_dim3A_1680 = vector.shape_cast %add3A_1679 : vector<256xf32> to vector<256x1xf32>
      %get3A_1681 = arith.index_cast %scan3A_1641 : i32 to index
      %get3A_1682 = arith.constant 0 : index
      %get3A_1683 = arith.constant 0 : index
      %get3A_1684 = vector.load %arg14[%get3A_1681, %get3A_1682, %get3A_1683] : memref<20x256x128xf32, #tpu.memory_space<vmem>>, vector<1x256x128xf32>
      %get3A_1685 = vector.shape_cast %get3A_1684 : vector<1x256x128xf32> to vector<256x128xf32>
      %mul3A_1686 = vector.broadcast %broadcast_in_dim3A_1680 : vector<256x1xf32> to vector<256x128xf32>
      %mul3A_1687 = arith.mulf %mul3A_1686, %get3A_1685 : vector<256x128xf32>
      %add3A_1688 = arith.addf %scan3A_1642, %mul3A_1687 : vector<256x128xf32>
      %add3A_1689 = arith.addf %scan3A_1643, %add3A_1679 : vector<256xf32>
      scf.yield %add3A_1688, %add3A_1689 : vector<256x128xf32>, vector<256xf32>
    }
    %scan3A_1290 = arith.constant 9 : i32
    %broadcast_in_dim3A_1291 = vector.shape_cast %scan3A_1289#1 : vector<256xf32> to vector<256x1xf32>
    %div3A_1292 = vector.broadcast %broadcast_in_dim3A_1291 : vector<256x1xf32> to vector<256x128xf32>
    %div3A_1293 = arith.divf %scan3A_1289#0, %div3A_1292 : vector<256x128xf32>
    %convert_element_type3A_1294 = arith.truncf %div3A_1293 : vector<256x128xf32> to vector<256x128xbf16>
    %broadcast_in_dim3A_1295 = vector.shape_cast %convert_element_type3A_1294 : vector<256x128xbf16> to vector<1x256x128xbf16>
    %swap3A_1296 = arith.constant 8 : index
    %swap3A_1297 = arith.constant 0 : index
    %swap3A_1298 = arith.constant 0 : index
    %swap3A_1299 = vector.load %arg13[%swap3A_1296, %swap3A_1297, %swap3A_1298] : memref<20x256x256xbf16, #tpu.memory_space<vmem>>, vector<1x256x128xbf16>
    tpu.vector_store %arg13[%swap3A_1296, %swap3A_1297, %swap3A_1298], %broadcast_in_dim3A_1295 {strides = array<i32>} : memref<20x256x256xbf16, #tpu.memory_space<vmem>>, vector<1x256x128xbf16>,
    %get3A_1300 = arith.constant 9 : index
    %get3A_1301 = arith.constant 0 : index
    %get3A_1302 = arith.constant 0 : index
    %get3A_1303 = vector.load %arg15[%get3A_1300, %get3A_1301, %get3A_1302] : memref<20x256x128xf32, #tpu.memory_space<vmem>>, vector<1x256x128xf32>
    %get3A_1304 = vector.shape_cast %get3A_1303 : vector<1x256x128xf32> to vector<256x128xf32>
    %get3A_1305 = arith.constant 9 : index
    %get3A_1306 = arith.constant 0 : index
    %get3A_1307 = vector.load %arg3[%get3A_1305, %get3A_1306] : memref<20x256xf32, #tpu.memory_space<vmem>>, vector<1x256xf32>
    %get3A_1308 = arith.constant 9 : index
    %get3A_1309 = arith.constant 0 : index
    %get3A_1310 = vector.load %arg4[%get3A_1308, %get3A_1309] : memref<20x256xf32, #tpu.memory_space<vmem>>, vector<1x256xf32>
    %broadcast_in_dim3A_1311 = arith.constant 0.000000e+00 : f32
    %broadcast_in_dim3A_1312 = vector.broadcast %broadcast_in_dim3A_1311 : f32 to vector<256x128xf32>
    %broadcast_in_dim3A_1313 = arith.constant 0.000000e+00 : f32
    %broadcast_in_dim3A_1314 = vector.broadcast %broadcast_in_dim3A_1313 : f32 to vector<256xf32>
    %scan3A_1315 = arith.constant 0 : i32
    %scan3A_1316 = arith.constant 10 : i32
    %scan3A_1317 = arith.addi %scan3A_1315, %scan3A_1316 : i32
    %scan3A_1318 = arith.constant 1 : i32
    %scan3A_1319:2 = scf.for %scan3A_1641 = %scan3A_1315 to %scan3A_1317 step %scan3A_1318 iter_args(%scan3A_1642 = %broadcast_in_dim3A_1312, %scan3A_1643 = %broadcast_in_dim3A_1314) -> (vector<256x128xf32>, vector<256xf32>)  : i32 {
      %get3A_1644 = arith.index_cast %scan3A_1641 : i32 to index
      %get3A_1645 = arith.constant 0 : index
      %get3A_1646 = arith.constant 0 : index
      %get3A_1647 = vector.load %arg15[%get3A_1644, %get3A_1645, %get3A_1646] : memref<20x256x128xf32, #tpu.memory_space<vmem>>, vector<1x256x128xf32>
      %get3A_1648 = vector.shape_cast %get3A_1647 : vector<1x256x128xf32> to vector<256x128xf32>
      %sub3A_1649 = arith.subf %get3A_1648, %get3A_1304 : vector<256x128xf32>
      %mul3A_1650 = arith.mulf %sub3A_1649, %sub3A_1649 : vector<256x128xf32>
      %reduce_sum3A_1651 = arith.constant dense<0.000000e+00> : vector<256xf32>
      %reduce_sum3A_1652 = vector.multi_reduction <add>, %mul3A_1650, %reduce_sum3A_1651 [1] : vector<256x128xf32> to vector<256xf32>
      %get3A_1653 = arith.index_cast %scan3A_1641 : i32 to index
      %get3A_1654 = arith.constant 0 : index
      %get3A_1655 = vector.load %arg3[%get3A_1653, %get3A_1654] : memref<20x256xf32, #tpu.memory_space<vmem>>, vector<1x256xf32>
      %sub3A_1656 = arith.subf %get3A_1655, %get3A_1307 : vector<1x256xf32>
      %get3A_1657 = arith.index_cast %scan3A_1641 : i32 to index
      %get3A_1658 = arith.constant 0 : index
      %get3A_1659 = vector.load %arg4[%get3A_1657, %get3A_1658] : memref<20x256xf32, #tpu.memory_space<vmem>>, vector<1x256xf32>
      %sub3A_1660 = arith.subf %get3A_1659, %get3A_1310 : vector<1x256xf32>
      %mul3A_1661 = arith.mulf %sub3A_1656, %sub3A_1656 : vector<1x256xf32>
      %mul3A_1662 = arith.mulf %sub3A_1660, %sub3A_1660 : vector<1x256xf32>
      %add3A_1663 = arith.addf %mul3A_1661, %mul3A_1662 : vector<1x256xf32>
      %add3A_1664 = arith.constant 9.99999996E-13 : f32
      %add3A_1665 = vector.broadcast %add3A_1664 : f32 to vector<1x256xf32>
      %add3A_1666 = arith.addf %add3A_1663, %add3A_1665 : vector<1x256xf32>
      %sqrt3A_1667 = math.sqrt %add3A_1666 : vector<1x256xf32>
      %squeeze3A_1668 = vector.shape_cast %sqrt3A_1667 : vector<1x256xf32> to vector<256xf32>
      %mul3A_1669 = arith.constant 1.000000e-01 : f32
      %mul3A_1670 = vector.broadcast %mul3A_1669 : f32 to vector<256xf32>
      %mul3A_1671 = arith.mulf %mul3A_1670, %squeeze3A_1668 : vector<256xf32>
      %add3A_1672 = arith.addf %reduce_sum3A_1652, %mul3A_1671 : vector<256xf32>
      %neg3A_1673 = arith.constant 0.000000e+00 : f32
      %neg3A_1674 = vector.broadcast %neg3A_1673 : f32 to vector<256xf32>
      %neg3A_1675 = arith.subf %neg3A_1674, %add3A_1672 : vector<256xf32>
      %exp3A_1676 = math.exp %neg3A_1675 : vector<256xf32>
      %add3A_1677 = arith.constant 1.000000e-10 : f32
      %add3A_1678 = vector.broadcast %add3A_1677 : f32 to vector<256xf32>
      %add3A_1679 = arith.addf %exp3A_1676, %add3A_1678 : vector<256xf32>
      %broadcast_in_dim3A_1680 = vector.shape_cast %add3A_1679 : vector<256xf32> to vector<256x1xf32>
      %get3A_1681 = arith.index_cast %scan3A_1641 : i32 to index
      %get3A_1682 = arith.constant 0 : index
      %get3A_1683 = arith.constant 0 : index
      %get3A_1684 = vector.load %arg14[%get3A_1681, %get3A_1682, %get3A_1683] : memref<20x256x128xf32, #tpu.memory_space<vmem>>, vector<1x256x128xf32>
      %get3A_1685 = vector.shape_cast %get3A_1684 : vector<1x256x128xf32> to vector<256x128xf32>
      %mul3A_1686 = vector.broadcast %broadcast_in_dim3A_1680 : vector<256x1xf32> to vector<256x128xf32>
      %mul3A_1687 = arith.mulf %mul3A_1686, %get3A_1685 : vector<256x128xf32>
      %add3A_1688 = arith.addf %scan3A_1642, %mul3A_1687 : vector<256x128xf32>
      %add3A_1689 = arith.addf %scan3A_1643, %add3A_1679 : vector<256xf32>
      scf.yield %add3A_1688, %add3A_1689 : vector<256x128xf32>, vector<256xf32>
    }
    %scan3A_1320 = arith.constant 10 : i32
    %broadcast_in_dim3A_1321 = vector.shape_cast %scan3A_1319#1 : vector<256xf32> to vector<256x1xf32>
    %div3A_1322 = vector.broadcast %broadcast_in_dim3A_1321 : vector<256x1xf32> to vector<256x128xf32>
    %div3A_1323 = arith.divf %scan3A_1319#0, %div3A_1322 : vector<256x128xf32>
    %convert_element_type3A_1324 = arith.truncf %div3A_1323 : vector<256x128xf32> to vector<256x128xbf16>
    %broadcast_in_dim3A_1325 = vector.shape_cast %convert_element_type3A_1324 : vector<256x128xbf16> to vector<1x256x128xbf16>
    %swap3A_1326 = arith.constant 9 : index
    %swap3A_1327 = arith.constant 0 : index
    %swap3A_1328 = arith.constant 0 : index
    %swap3A_1329 = vector.load %arg13[%swap3A_1326, %swap3A_1327, %swap3A_1328] : memref<20x256x256xbf16, #tpu.memory_space<vmem>>, vector<1x256x128xbf16>
    tpu.vector_store %arg13[%swap3A_1326, %swap3A_1327, %swap3A_1328], %broadcast_in_dim3A_1325 {strides = array<i32>} : memref<20x256x256xbf16, #tpu.memory_space<vmem>>, vector<1x256x128xbf16>,
    %get3A_1330 = arith.constant 10 : index
    %get3A_1331 = arith.constant 0 : index
    %get3A_1332 = arith.constant 0 : index
    %get3A_1333 = vector.load %arg15[%get3A_1330, %get3A_1331, %get3A_1332] : memref<20x256x128xf32, #tpu.memory_space<vmem>>, vector<1x256x128xf32>
    %get3A_1334 = vector.shape_cast %get3A_1333 : vector<1x256x128xf32> to vector<256x128xf32>
    %get3A_1335 = arith.constant 10 : index
    %get3A_1336 = arith.constant 0 : index
    %get3A_1337 = vector.load %arg3[%get3A_1335, %get3A_1336] : memref<20x256xf32, #tpu.memory_space<vmem>>, vector<1x256xf32>
    %get3A_1338 = arith.constant 10 : index
    %get3A_1339 = arith.constant 0 : index
    %get3A_1340 = vector.load %arg4[%get3A_1338, %get3A_1339] : memref<20x256xf32, #tpu.memory_space<vmem>>, vector<1x256xf32>
    %broadcast_in_dim3A_1341 = arith.constant 0.000000e+00 : f32
    %broadcast_in_dim3A_1342 = vector.broadcast %broadcast_in_dim3A_1341 : f32 to vector<256x128xf32>
    %broadcast_in_dim3A_1343 = arith.constant 0.000000e+00 : f32
    %broadcast_in_dim3A_1344 = vector.broadcast %broadcast_in_dim3A_1343 : f32 to vector<256xf32>
    %scan3A_1345 = arith.constant 0 : i32
    %scan3A_1346 = arith.constant 11 : i32
    %scan3A_1347 = arith.addi %scan3A_1345, %scan3A_1346 : i32
    %scan3A_1348 = arith.constant 1 : i32
    %scan3A_1349:2 = scf.for %scan3A_1641 = %scan3A_1345 to %scan3A_1347 step %scan3A_1348 iter_args(%scan3A_1642 = %broadcast_in_dim3A_1342, %scan3A_1643 = %broadcast_in_dim3A_1344) -> (vector<256x128xf32>, vector<256xf32>)  : i32 {
      %get3A_1644 = arith.index_cast %scan3A_1641 : i32 to index
      %get3A_1645 = arith.constant 0 : index
      %get3A_1646 = arith.constant 0 : index
      %get3A_1647 = vector.load %arg15[%get3A_1644, %get3A_1645, %get3A_1646] : memref<20x256x128xf32, #tpu.memory_space<vmem>>, vector<1x256x128xf32>
      %get3A_1648 = vector.shape_cast %get3A_1647 : vector<1x256x128xf32> to vector<256x128xf32>
      %sub3A_1649 = arith.subf %get3A_1648, %get3A_1334 : vector<256x128xf32>
      %mul3A_1650 = arith.mulf %sub3A_1649, %sub3A_1649 : vector<256x128xf32>
      %reduce_sum3A_1651 = arith.constant dense<0.000000e+00> : vector<256xf32>
      %reduce_sum3A_1652 = vector.multi_reduction <add>, %mul3A_1650, %reduce_sum3A_1651 [1] : vector<256x128xf32> to vector<256xf32>
      %get3A_1653 = arith.index_cast %scan3A_1641 : i32 to index
      %get3A_1654 = arith.constant 0 : index
      %get3A_1655 = vector.load %arg3[%get3A_1653, %get3A_1654] : memref<20x256xf32, #tpu.memory_space<vmem>>, vector<1x256xf32>
      %sub3A_1656 = arith.subf %get3A_1655, %get3A_1337 : vector<1x256xf32>
      %get3A_1657 = arith.index_cast %scan3A_1641 : i32 to index
      %get3A_1658 = arith.constant 0 : index
      %get3A_1659 = vector.load %arg4[%get3A_1657, %get3A_1658] : memref<20x256xf32, #tpu.memory_space<vmem>>, vector<1x256xf32>
      %sub3A_1660 = arith.subf %get3A_1659, %get3A_1340 : vector<1x256xf32>
      %mul3A_1661 = arith.mulf %sub3A_1656, %sub3A_1656 : vector<1x256xf32>
      %mul3A_1662 = arith.mulf %sub3A_1660, %sub3A_1660 : vector<1x256xf32>
      %add3A_1663 = arith.addf %mul3A_1661, %mul3A_1662 : vector<1x256xf32>
      %add3A_1664 = arith.constant 9.99999996E-13 : f32
      %add3A_1665 = vector.broadcast %add3A_1664 : f32 to vector<1x256xf32>
      %add3A_1666 = arith.addf %add3A_1663, %add3A_1665 : vector<1x256xf32>
      %sqrt3A_1667 = math.sqrt %add3A_1666 : vector<1x256xf32>
      %squeeze3A_1668 = vector.shape_cast %sqrt3A_1667 : vector<1x256xf32> to vector<256xf32>
      %mul3A_1669 = arith.constant 1.000000e-01 : f32
      %mul3A_1670 = vector.broadcast %mul3A_1669 : f32 to vector<256xf32>
      %mul3A_1671 = arith.mulf %mul3A_1670, %squeeze3A_1668 : vector<256xf32>
      %add3A_1672 = arith.addf %reduce_sum3A_1652, %mul3A_1671 : vector<256xf32>
      %neg3A_1673 = arith.constant 0.000000e+00 : f32
      %neg3A_1674 = vector.broadcast %neg3A_1673 : f32 to vector<256xf32>
      %neg3A_1675 = arith.subf %neg3A_1674, %add3A_1672 : vector<256xf32>
      %exp3A_1676 = math.exp %neg3A_1675 : vector<256xf32>
      %add3A_1677 = arith.constant 1.000000e-10 : f32
      %add3A_1678 = vector.broadcast %add3A_1677 : f32 to vector<256xf32>
      %add3A_1679 = arith.addf %exp3A_1676, %add3A_1678 : vector<256xf32>
      %broadcast_in_dim3A_1680 = vector.shape_cast %add3A_1679 : vector<256xf32> to vector<256x1xf32>
      %get3A_1681 = arith.index_cast %scan3A_1641 : i32 to index
      %get3A_1682 = arith.constant 0 : index
      %get3A_1683 = arith.constant 0 : index
      %get3A_1684 = vector.load %arg14[%get3A_1681, %get3A_1682, %get3A_1683] : memref<20x256x128xf32, #tpu.memory_space<vmem>>, vector<1x256x128xf32>
      %get3A_1685 = vector.shape_cast %get3A_1684 : vector<1x256x128xf32> to vector<256x128xf32>
      %mul3A_1686 = vector.broadcast %broadcast_in_dim3A_1680 : vector<256x1xf32> to vector<256x128xf32>
      %mul3A_1687 = arith.mulf %mul3A_1686, %get3A_1685 : vector<256x128xf32>
      %add3A_1688 = arith.addf %scan3A_1642, %mul3A_1687 : vector<256x128xf32>
      %add3A_1689 = arith.addf %scan3A_1643, %add3A_1679 : vector<256xf32>
      scf.yield %add3A_1688, %add3A_1689 : vector<256x128xf32>, vector<256xf32>
    }
    %scan3A_1350 = arith.constant 11 : i32
    %broadcast_in_dim3A_1351 = vector.shape_cast %scan3A_1349#1 : vector<256xf32> to vector<256x1xf32>
    %div3A_1352 = vector.broadcast %broadcast_in_dim3A_1351 : vector<256x1xf32> to vector<256x128xf32>
    %div3A_1353 = arith.divf %scan3A_1349#0, %div3A_1352 : vector<256x128xf32>
    %convert_element_type3A_1354 = arith.truncf %div3A_1353 : vector<256x128xf32> to vector<256x128xbf16>
    %broadcast_in_dim3A_1355 = vector.shape_cast %convert_element_type3A_1354 : vector<256x128xbf16> to vector<1x256x128xbf16>
    %swap3A_1356 = arith.constant 10 : index
    %swap3A_1357 = arith.constant 0 : index
    %swap3A_1358 = arith.constant 0 : index
    %swap3A_1359 = vector.load %arg13[%swap3A_1356, %swap3A_1357, %swap3A_1358] : memref<20x256x256xbf16, #tpu.memory_space<vmem>>, vector<1x256x128xbf16>
    tpu.vector_store %arg13[%swap3A_1356, %swap3A_1357, %swap3A_1358], %broadcast_in_dim3A_1355 {strides = array<i32>} : memref<20x256x256xbf16, #tpu.memory_space<vmem>>, vector<1x256x128xbf16>,
    %get3A_1360 = arith.constant 11 : index
    %get3A_1361 = arith.constant 0 : index
    %get3A_1362 = arith.constant 0 : index
    %get3A_1363 = vector.load %arg15[%get3A_1360, %get3A_1361, %get3A_1362] : memref<20x256x128xf32, #tpu.memory_space<vmem>>, vector<1x256x128xf32>
    %get3A_1364 = vector.shape_cast %get3A_1363 : vector<1x256x128xf32> to vector<256x128xf32>
    %get3A_1365 = arith.constant 11 : index
    %get3A_1366 = arith.constant 0 : index
    %get3A_1367 = vector.load %arg3[%get3A_1365, %get3A_1366] : memref<20x256xf32, #tpu.memory_space<vmem>>, vector<1x256xf32>
    %get3A_1368 = arith.constant 11 : index
    %get3A_1369 = arith.constant 0 : index
    %get3A_1370 = vector.load %arg4[%get3A_1368, %get3A_1369] : memref<20x256xf32, #tpu.memory_space<vmem>>, vector<1x256xf32>
    %broadcast_in_dim3A_1371 = arith.constant 0.000000e+00 : f32
    %broadcast_in_dim3A_1372 = vector.broadcast %broadcast_in_dim3A_1371 : f32 to vector<256x128xf32>
    %broadcast_in_dim3A_1373 = arith.constant 0.000000e+00 : f32
    %broadcast_in_dim3A_1374 = vector.broadcast %broadcast_in_dim3A_1373 : f32 to vector<256xf32>
    %scan3A_1375 = arith.constant 0 : i32
    %scan3A_1376 = arith.constant 12 : i32
    %scan3A_1377 = arith.addi %scan3A_1375, %scan3A_1376 : i32
    %scan3A_1378 = arith.constant 1 : i32
    %scan3A_1379:2 = scf.for %scan3A_1641 = %scan3A_1375 to %scan3A_1377 step %scan3A_1378 iter_args(%scan3A_1642 = %broadcast_in_dim3A_1372, %scan3A_1643 = %broadcast_in_dim3A_1374) -> (vector<256x128xf32>, vector<256xf32>)  : i32 {
      %get3A_1644 = arith.index_cast %scan3A_1641 : i32 to index
      %get3A_1645 = arith.constant 0 : index
      %get3A_1646 = arith.constant 0 : index
      %get3A_1647 = vector.load %arg15[%get3A_1644, %get3A_1645, %get3A_1646] : memref<20x256x128xf32, #tpu.memory_space<vmem>>, vector<1x256x128xf32>
      %get3A_1648 = vector.shape_cast %get3A_1647 : vector<1x256x128xf32> to vector<256x128xf32>
      %sub3A_1649 = arith.subf %get3A_1648, %get3A_1364 : vector<256x128xf32>
      %mul3A_1650 = arith.mulf %sub3A_1649, %sub3A_1649 : vector<256x128xf32>
      %reduce_sum3A_1651 = arith.constant dense<0.000000e+00> : vector<256xf32>
      %reduce_sum3A_1652 = vector.multi_reduction <add>, %mul3A_1650, %reduce_sum3A_1651 [1] : vector<256x128xf32> to vector<256xf32>
      %get3A_1653 = arith.index_cast %scan3A_1641 : i32 to index
      %get3A_1654 = arith.constant 0 : index
      %get3A_1655 = vector.load %arg3[%get3A_1653, %get3A_1654] : memref<20x256xf32, #tpu.memory_space<vmem>>, vector<1x256xf32>
      %sub3A_1656 = arith.subf %get3A_1655, %get3A_1367 : vector<1x256xf32>
      %get3A_1657 = arith.index_cast %scan3A_1641 : i32 to index
      %get3A_1658 = arith.constant 0 : index
      %get3A_1659 = vector.load %arg4[%get3A_1657, %get3A_1658] : memref<20x256xf32, #tpu.memory_space<vmem>>, vector<1x256xf32>
      %sub3A_1660 = arith.subf %get3A_1659, %get3A_1370 : vector<1x256xf32>
      %mul3A_1661 = arith.mulf %sub3A_1656, %sub3A_1656 : vector<1x256xf32>
      %mul3A_1662 = arith.mulf %sub3A_1660, %sub3A_1660 : vector<1x256xf32>
      %add3A_1663 = arith.addf %mul3A_1661, %mul3A_1662 : vector<1x256xf32>
      %add3A_1664 = arith.constant 9.99999996E-13 : f32
      %add3A_1665 = vector.broadcast %add3A_1664 : f32 to vector<1x256xf32>
      %add3A_1666 = arith.addf %add3A_1663, %add3A_1665 : vector<1x256xf32>
      %sqrt3A_1667 = math.sqrt %add3A_1666 : vector<1x256xf32>
      %squeeze3A_1668 = vector.shape_cast %sqrt3A_1667 : vector<1x256xf32> to vector<256xf32>
      %mul3A_1669 = arith.constant 1.000000e-01 : f32
      %mul3A_1670 = vector.broadcast %mul3A_1669 : f32 to vector<256xf32>
      %mul3A_1671 = arith.mulf %mul3A_1670, %squeeze3A_1668 : vector<256xf32>
      %add3A_1672 = arith.addf %reduce_sum3A_1652, %mul3A_1671 : vector<256xf32>
      %neg3A_1673 = arith.constant 0.000000e+00 : f32
      %neg3A_1674 = vector.broadcast %neg3A_1673 : f32 to vector<256xf32>
      %neg3A_1675 = arith.subf %neg3A_1674, %add3A_1672 : vector<256xf32>
      %exp3A_1676 = math.exp %neg3A_1675 : vector<256xf32>
      %add3A_1677 = arith.constant 1.000000e-10 : f32
      %add3A_1678 = vector.broadcast %add3A_1677 : f32 to vector<256xf32>
      %add3A_1679 = arith.addf %exp3A_1676, %add3A_1678 : vector<256xf32>
      %broadcast_in_dim3A_1680 = vector.shape_cast %add3A_1679 : vector<256xf32> to vector<256x1xf32>
      %get3A_1681 = arith.index_cast %scan3A_1641 : i32 to index
      %get3A_1682 = arith.constant 0 : index
      %get3A_1683 = arith.constant 0 : index
      %get3A_1684 = vector.load %arg14[%get3A_1681, %get3A_1682, %get3A_1683] : memref<20x256x128xf32, #tpu.memory_space<vmem>>, vector<1x256x128xf32>
      %get3A_1685 = vector.shape_cast %get3A_1684 : vector<1x256x128xf32> to vector<256x128xf32>
      %mul3A_1686 = vector.broadcast %broadcast_in_dim3A_1680 : vector<256x1xf32> to vector<256x128xf32>
      %mul3A_1687 = arith.mulf %mul3A_1686, %get3A_1685 : vector<256x128xf32>
      %add3A_1688 = arith.addf %scan3A_1642, %mul3A_1687 : vector<256x128xf32>
      %add3A_1689 = arith.addf %scan3A_1643, %add3A_1679 : vector<256xf32>
      scf.yield %add3A_1688, %add3A_1689 : vector<256x128xf32>, vector<256xf32>
    }
    %scan3A_1380 = arith.constant 12 : i32
    %broadcast_in_dim3A_1381 = vector.shape_cast %scan3A_1379#1 : vector<256xf32> to vector<256x1xf32>
    %div3A_1382 = vector.broadcast %broadcast_in_dim3A_1381 : vector<256x1xf32> to vector<256x128xf32>
    %div3A_1383 = arith.divf %scan3A_1379#0, %div3A_1382 : vector<256x128xf32>
    %convert_element_type3A_1384 = arith.truncf %div3A_1383 : vector<256x128xf32> to vector<256x128xbf16>
    %broadcast_in_dim3A_1385 = vector.shape_cast %convert_element_type3A_1384 : vector<256x128xbf16> to vector<1x256x128xbf16>
    %swap3A_1386 = arith.constant 11 : index
    %swap3A_1387 = arith.constant 0 : index
    %swap3A_1388 = arith.constant 0 : index
    %swap3A_1389 = vector.load %arg13[%swap3A_1386, %swap3A_1387, %swap3A_1388] : memref<20x256x256xbf16, #tpu.memory_space<vmem>>, vector<1x256x128xbf16>
    tpu.vector_store %arg13[%swap3A_1386, %swap3A_1387, %swap3A_1388], %broadcast_in_dim3A_1385 {strides = array<i32>} : memref<20x256x256xbf16, #tpu.memory_space<vmem>>, vector<1x256x128xbf16>,
    %get3A_1390 = arith.constant 12 : index
    %get3A_1391 = arith.constant 0 : index
    %get3A_1392 = arith.constant 0 : index
    %get3A_1393 = vector.load %arg15[%get3A_1390, %get3A_1391, %get3A_1392] : memref<20x256x128xf32, #tpu.memory_space<vmem>>, vector<1x256x128xf32>
    %get3A_1394 = vector.shape_cast %get3A_1393 : vector<1x256x128xf32> to vector<256x128xf32>
    %get3A_1395 = arith.constant 12 : index
    %get3A_1396 = arith.constant 0 : index
    %get3A_1397 = vector.load %arg3[%get3A_1395, %get3A_1396] : memref<20x256xf32, #tpu.memory_space<vmem>>, vector<1x256xf32>
    %get3A_1398 = arith.constant 12 : index
    %get3A_1399 = arith.constant 0 : index
    %get3A_1400 = vector.load %arg4[%get3A_1398, %get3A_1399] : memref<20x256xf32, #tpu.memory_space<vmem>>, vector<1x256xf32>
    %broadcast_in_dim3A_1401 = arith.constant 0.000000e+00 : f32
    %broadcast_in_dim3A_1402 = vector.broadcast %broadcast_in_dim3A_1401 : f32 to vector<256x128xf32>
    %broadcast_in_dim3A_1403 = arith.constant 0.000000e+00 : f32
    %broadcast_in_dim3A_1404 = vector.broadcast %broadcast_in_dim3A_1403 : f32 to vector<256xf32>
    %scan3A_1405 = arith.constant 0 : i32
    %scan3A_1406 = arith.constant 13 : i32
    %scan3A_1407 = arith.addi %scan3A_1405, %scan3A_1406 : i32
    %scan3A_1408 = arith.constant 1 : i32
    %scan3A_1409:2 = scf.for %scan3A_1641 = %scan3A_1405 to %scan3A_1407 step %scan3A_1408 iter_args(%scan3A_1642 = %broadcast_in_dim3A_1402, %scan3A_1643 = %broadcast_in_dim3A_1404) -> (vector<256x128xf32>, vector<256xf32>)  : i32 {
      %get3A_1644 = arith.index_cast %scan3A_1641 : i32 to index
      %get3A_1645 = arith.constant 0 : index
      %get3A_1646 = arith.constant 0 : index
      %get3A_1647 = vector.load %arg15[%get3A_1644, %get3A_1645, %get3A_1646] : memref<20x256x128xf32, #tpu.memory_space<vmem>>, vector<1x256x128xf32>
      %get3A_1648 = vector.shape_cast %get3A_1647 : vector<1x256x128xf32> to vector<256x128xf32>
      %sub3A_1649 = arith.subf %get3A_1648, %get3A_1394 : vector<256x128xf32>
      %mul3A_1650 = arith.mulf %sub3A_1649, %sub3A_1649 : vector<256x128xf32>
      %reduce_sum3A_1651 = arith.constant dense<0.000000e+00> : vector<256xf32>
      %reduce_sum3A_1652 = vector.multi_reduction <add>, %mul3A_1650, %reduce_sum3A_1651 [1] : vector<256x128xf32> to vector<256xf32>
      %get3A_1653 = arith.index_cast %scan3A_1641 : i32 to index
      %get3A_1654 = arith.constant 0 : index
      %get3A_1655 = vector.load %arg3[%get3A_1653, %get3A_1654] : memref<20x256xf32, #tpu.memory_space<vmem>>, vector<1x256xf32>
      %sub3A_1656 = arith.subf %get3A_1655, %get3A_1397 : vector<1x256xf32>
      %get3A_1657 = arith.index_cast %scan3A_1641 : i32 to index
      %get3A_1658 = arith.constant 0 : index
      %get3A_1659 = vector.load %arg4[%get3A_1657, %get3A_1658] : memref<20x256xf32, #tpu.memory_space<vmem>>, vector<1x256xf32>
      %sub3A_1660 = arith.subf %get3A_1659, %get3A_1400 : vector<1x256xf32>
      %mul3A_1661 = arith.mulf %sub3A_1656, %sub3A_1656 : vector<1x256xf32>
      %mul3A_1662 = arith.mulf %sub3A_1660, %sub3A_1660 : vector<1x256xf32>
      %add3A_1663 = arith.addf %mul3A_1661, %mul3A_1662 : vector<1x256xf32>
      %add3A_1664 = arith.constant 9.99999996E-13 : f32
      %add3A_1665 = vector.broadcast %add3A_1664 : f32 to vector<1x256xf32>
      %add3A_1666 = arith.addf %add3A_1663, %add3A_1665 : vector<1x256xf32>
      %sqrt3A_1667 = math.sqrt %add3A_1666 : vector<1x256xf32>
      %squeeze3A_1668 = vector.shape_cast %sqrt3A_1667 : vector<1x256xf32> to vector<256xf32>
      %mul3A_1669 = arith.constant 1.000000e-01 : f32
      %mul3A_1670 = vector.broadcast %mul3A_1669 : f32 to vector<256xf32>
      %mul3A_1671 = arith.mulf %mul3A_1670, %squeeze3A_1668 : vector<256xf32>
      %add3A_1672 = arith.addf %reduce_sum3A_1652, %mul3A_1671 : vector<256xf32>
      %neg3A_1673 = arith.constant 0.000000e+00 : f32
      %neg3A_1674 = vector.broadcast %neg3A_1673 : f32 to vector<256xf32>
      %neg3A_1675 = arith.subf %neg3A_1674, %add3A_1672 : vector<256xf32>
      %exp3A_1676 = math.exp %neg3A_1675 : vector<256xf32>
      %add3A_1677 = arith.constant 1.000000e-10 : f32
      %add3A_1678 = vector.broadcast %add3A_1677 : f32 to vector<256xf32>
      %add3A_1679 = arith.addf %exp3A_1676, %add3A_1678 : vector<256xf32>
      %broadcast_in_dim3A_1680 = vector.shape_cast %add3A_1679 : vector<256xf32> to vector<256x1xf32>
      %get3A_1681 = arith.index_cast %scan3A_1641 : i32 to index
      %get3A_1682 = arith.constant 0 : index
      %get3A_1683 = arith.constant 0 : index
      %get3A_1684 = vector.load %arg14[%get3A_1681, %get3A_1682, %get3A_1683] : memref<20x256x128xf32, #tpu.memory_space<vmem>>, vector<1x256x128xf32>
      %get3A_1685 = vector.shape_cast %get3A_1684 : vector<1x256x128xf32> to vector<256x128xf32>
      %mul3A_1686 = vector.broadcast %broadcast_in_dim3A_1680 : vector<256x1xf32> to vector<256x128xf32>
      %mul3A_1687 = arith.mulf %mul3A_1686, %get3A_1685 : vector<256x128xf32>
      %add3A_1688 = arith.addf %scan3A_1642, %mul3A_1687 : vector<256x128xf32>
      %add3A_1689 = arith.addf %scan3A_1643, %add3A_1679 : vector<256xf32>
      scf.yield %add3A_1688, %add3A_1689 : vector<256x128xf32>, vector<256xf32>
    }
    %scan3A_1410 = arith.constant 13 : i32
    %broadcast_in_dim3A_1411 = vector.shape_cast %scan3A_1409#1 : vector<256xf32> to vector<256x1xf32>
    %div3A_1412 = vector.broadcast %broadcast_in_dim3A_1411 : vector<256x1xf32> to vector<256x128xf32>
    %div3A_1413 = arith.divf %scan3A_1409#0, %div3A_1412 : vector<256x128xf32>
    %convert_element_type3A_1414 = arith.truncf %div3A_1413 : vector<256x128xf32> to vector<256x128xbf16>
    %broadcast_in_dim3A_1415 = vector.shape_cast %convert_element_type3A_1414 : vector<256x128xbf16> to vector<1x256x128xbf16>
    %swap3A_1416 = arith.constant 12 : index
    %swap3A_1417 = arith.constant 0 : index
    %swap3A_1418 = arith.constant 0 : index
    %swap3A_1419 = vector.load %arg13[%swap3A_1416, %swap3A_1417, %swap3A_1418] : memref<20x256x256xbf16, #tpu.memory_space<vmem>>, vector<1x256x128xbf16>
    tpu.vector_store %arg13[%swap3A_1416, %swap3A_1417, %swap3A_1418], %broadcast_in_dim3A_1415 {strides = array<i32>} : memref<20x256x256xbf16, #tpu.memory_space<vmem>>, vector<1x256x128xbf16>,
    %get3A_1420 = arith.constant 13 : index
    %get3A_1421 = arith.constant 0 : index
    %get3A_1422 = arith.constant 0 : index
    %get3A_1423 = vector.load %arg15[%get3A_1420, %get3A_1421, %get3A_1422] : memref<20x256x128xf32, #tpu.memory_space<vmem>>, vector<1x256x128xf32>
    %get3A_1424 = vector.shape_cast %get3A_1423 : vector<1x256x128xf32> to vector<256x128xf32>
    %get3A_1425 = arith.constant 13 : index
    %get3A_1426 = arith.constant 0 : index
    %get3A_1427 = vector.load %arg3[%get3A_1425, %get3A_1426] : memref<20x256xf32, #tpu.memory_space<vmem>>, vector<1x256xf32>
    %get3A_1428 = arith.constant 13 : index
    %get3A_1429 = arith.constant 0 : index
    %get3A_1430 = vector.load %arg4[%get3A_1428, %get3A_1429] : memref<20x256xf32, #tpu.memory_space<vmem>>, vector<1x256xf32>
    %broadcast_in_dim3A_1431 = arith.constant 0.000000e+00 : f32
    %broadcast_in_dim3A_1432 = vector.broadcast %broadcast_in_dim3A_1431 : f32 to vector<256x128xf32>
    %broadcast_in_dim3A_1433 = arith.constant 0.000000e+00 : f32
    %broadcast_in_dim3A_1434 = vector.broadcast %broadcast_in_dim3A_1433 : f32 to vector<256xf32>
    %scan3A_1435 = arith.constant 0 : i32
    %scan3A_1436 = arith.constant 14 : i32
    %scan3A_1437 = arith.addi %scan3A_1435, %scan3A_1436 : i32
    %scan3A_1438 = arith.constant 1 : i32
    %scan3A_1439:2 = scf.for %scan3A_1641 = %scan3A_1435 to %scan3A_1437 step %scan3A_1438 iter_args(%scan3A_1642 = %broadcast_in_dim3A_1432, %scan3A_1643 = %broadcast_in_dim3A_1434) -> (vector<256x128xf32>, vector<256xf32>)  : i32 {
      %get3A_1644 = arith.index_cast %scan3A_1641 : i32 to index
      %get3A_1645 = arith.constant 0 : index
      %get3A_1646 = arith.constant 0 : index
      %get3A_1647 = vector.load %arg15[%get3A_1644, %get3A_1645, %get3A_1646] : memref<20x256x128xf32, #tpu.memory_space<vmem>>, vector<1x256x128xf32>
      %get3A_1648 = vector.shape_cast %get3A_1647 : vector<1x256x128xf32> to vector<256x128xf32>
      %sub3A_1649 = arith.subf %get3A_1648, %get3A_1424 : vector<256x128xf32>
      %mul3A_1650 = arith.mulf %sub3A_1649, %sub3A_1649 : vector<256x128xf32>
      %reduce_sum3A_1651 = arith.constant dense<0.000000e+00> : vector<256xf32>
      %reduce_sum3A_1652 = vector.multi_reduction <add>, %mul3A_1650, %reduce_sum3A_1651 [1] : vector<256x128xf32> to vector<256xf32>
      %get3A_1653 = arith.index_cast %scan3A_1641 : i32 to index
      %get3A_1654 = arith.constant 0 : index
      %get3A_1655 = vector.load %arg3[%get3A_1653, %get3A_1654] : memref<20x256xf32, #tpu.memory_space<vmem>>, vector<1x256xf32>
      %sub3A_1656 = arith.subf %get3A_1655, %get3A_1427 : vector<1x256xf32>
      %get3A_1657 = arith.index_cast %scan3A_1641 : i32 to index
      %get3A_1658 = arith.constant 0 : index
      %get3A_1659 = vector.load %arg4[%get3A_1657, %get3A_1658] : memref<20x256xf32, #tpu.memory_space<vmem>>, vector<1x256xf32>
      %sub3A_1660 = arith.subf %get3A_1659, %get3A_1430 : vector<1x256xf32>
      %mul3A_1661 = arith.mulf %sub3A_1656, %sub3A_1656 : vector<1x256xf32>
      %mul3A_1662 = arith.mulf %sub3A_1660, %sub3A_1660 : vector<1x256xf32>
      %add3A_1663 = arith.addf %mul3A_1661, %mul3A_1662 : vector<1x256xf32>
      %add3A_1664 = arith.constant 9.99999996E-13 : f32
      %add3A_1665 = vector.broadcast %add3A_1664 : f32 to vector<1x256xf32>
      %add3A_1666 = arith.addf %add3A_1663, %add3A_1665 : vector<1x256xf32>
      %sqrt3A_1667 = math.sqrt %add3A_1666 : vector<1x256xf32>
      %squeeze3A_1668 = vector.shape_cast %sqrt3A_1667 : vector<1x256xf32> to vector<256xf32>
      %mul3A_1669 = arith.constant 1.000000e-01 : f32
      %mul3A_1670 = vector.broadcast %mul3A_1669 : f32 to vector<256xf32>
      %mul3A_1671 = arith.mulf %mul3A_1670, %squeeze3A_1668 : vector<256xf32>
      %add3A_1672 = arith.addf %reduce_sum3A_1652, %mul3A_1671 : vector<256xf32>
      %neg3A_1673 = arith.constant 0.000000e+00 : f32
      %neg3A_1674 = vector.broadcast %neg3A_1673 : f32 to vector<256xf32>
      %neg3A_1675 = arith.subf %neg3A_1674, %add3A_1672 : vector<256xf32>
      %exp3A_1676 = math.exp %neg3A_1675 : vector<256xf32>
      %add3A_1677 = arith.constant 1.000000e-10 : f32
      %add3A_1678 = vector.broadcast %add3A_1677 : f32 to vector<256xf32>
      %add3A_1679 = arith.addf %exp3A_1676, %add3A_1678 : vector<256xf32>
      %broadcast_in_dim3A_1680 = vector.shape_cast %add3A_1679 : vector<256xf32> to vector<256x1xf32>
      %get3A_1681 = arith.index_cast %scan3A_1641 : i32 to index
      %get3A_1682 = arith.constant 0 : index
      %get3A_1683 = arith.constant 0 : index
      %get3A_1684 = vector.load %arg14[%get3A_1681, %get3A_1682, %get3A_1683] : memref<20x256x128xf32, #tpu.memory_space<vmem>>, vector<1x256x128xf32>
      %get3A_1685 = vector.shape_cast %get3A_1684 : vector<1x256x128xf32> to vector<256x128xf32>
      %mul3A_1686 = vector.broadcast %broadcast_in_dim3A_1680 : vector<256x1xf32> to vector<256x128xf32>
      %mul3A_1687 = arith.mulf %mul3A_1686, %get3A_1685 : vector<256x128xf32>
      %add3A_1688 = arith.addf %scan3A_1642, %mul3A_1687 : vector<256x128xf32>
      %add3A_1689 = arith.addf %scan3A_1643, %add3A_1679 : vector<256xf32>
      scf.yield %add3A_1688, %add3A_1689 : vector<256x128xf32>, vector<256xf32>
    }
    %scan3A_1440 = arith.constant 14 : i32
    %broadcast_in_dim3A_1441 = vector.shape_cast %scan3A_1439#1 : vector<256xf32> to vector<256x1xf32>
    %div3A_1442 = vector.broadcast %broadcast_in_dim3A_1441 : vector<256x1xf32> to vector<256x128xf32>
    %div3A_1443 = arith.divf %scan3A_1439#0, %div3A_1442 : vector<256x128xf32>
    %convert_element_type3A_1444 = arith.truncf %div3A_1443 : vector<256x128xf32> to vector<256x128xbf16>
    %broadcast_in_dim3A_1445 = vector.shape_cast %convert_element_type3A_1444 : vector<256x128xbf16> to vector<1x256x128xbf16>
    %swap3A_1446 = arith.constant 13 : index
    %swap3A_1447 = arith.constant 0 : index
    %swap3A_1448 = arith.constant 0 : index
    %swap3A_1449 = vector.load %arg13[%swap3A_1446, %swap3A_1447, %swap3A_1448] : memref<20x256x256xbf16, #tpu.memory_space<vmem>>, vector<1x256x128xbf16>
    tpu.vector_store %arg13[%swap3A_1446, %swap3A_1447, %swap3A_1448], %broadcast_in_dim3A_1445 {strides = array<i32>} : memref<20x256x256xbf16, #tpu.memory_space<vmem>>, vector<1x256x128xbf16>,
    %get3A_1450 = arith.constant 14 : index
    %get3A_1451 = arith.constant 0 : index
    %get3A_1452 = arith.constant 0 : index
    %get3A_1453 = vector.load %arg15[%get3A_1450, %get3A_1451, %get3A_1452] : memref<20x256x128xf32, #tpu.memory_space<vmem>>, vector<1x256x128xf32>
    %get3A_1454 = vector.shape_cast %get3A_1453 : vector<1x256x128xf32> to vector<256x128xf32>
    %get3A_1455 = arith.constant 14 : index
    %get3A_1456 = arith.constant 0 : index
    %get3A_1457 = vector.load %arg3[%get3A_1455, %get3A_1456] : memref<20x256xf32, #tpu.memory_space<vmem>>, vector<1x256xf32>
    %get3A_1458 = arith.constant 14 : index
    %get3A_1459 = arith.constant 0 : index
    %get3A_1460 = vector.load %arg4[%get3A_1458, %get3A_1459] : memref<20x256xf32, #tpu.memory_space<vmem>>, vector<1x256xf32>
    %broadcast_in_dim3A_1461 = arith.constant 0.000000e+00 : f32
    %broadcast_in_dim3A_1462 = vector.broadcast %broadcast_in_dim3A_1461 : f32 to vector<256x128xf32>
    %broadcast_in_dim3A_1463 = arith.constant 0.000000e+00 : f32
    %broadcast_in_dim3A_1464 = vector.broadcast %broadcast_in_dim3A_1463 : f32 to vector<256xf32>
    %scan3A_1465 = arith.constant 0 : i32
    %scan3A_1466 = arith.constant 15 : i32
    %scan3A_1467 = arith.addi %scan3A_1465, %scan3A_1466 : i32
    %scan3A_1468 = arith.constant 1 : i32
    %scan3A_1469:2 = scf.for %scan3A_1641 = %scan3A_1465 to %scan3A_1467 step %scan3A_1468 iter_args(%scan3A_1642 = %broadcast_in_dim3A_1462, %scan3A_1643 = %broadcast_in_dim3A_1464) -> (vector<256x128xf32>, vector<256xf32>)  : i32 {
      %get3A_1644 = arith.index_cast %scan3A_1641 : i32 to index
      %get3A_1645 = arith.constant 0 : index
      %get3A_1646 = arith.constant 0 : index
      %get3A_1647 = vector.load %arg15[%get3A_1644, %get3A_1645, %get3A_1646] : memref<20x256x128xf32, #tpu.memory_space<vmem>>, vector<1x256x128xf32>
      %get3A_1648 = vector.shape_cast %get3A_1647 : vector<1x256x128xf32> to vector<256x128xf32>
      %sub3A_1649 = arith.subf %get3A_1648, %get3A_1454 : vector<256x128xf32>
      %mul3A_1650 = arith.mulf %sub3A_1649, %sub3A_1649 : vector<256x128xf32>
      %reduce_sum3A_1651 = arith.constant dense<0.000000e+00> : vector<256xf32>
      %reduce_sum3A_1652 = vector.multi_reduction <add>, %mul3A_1650, %reduce_sum3A_1651 [1] : vector<256x128xf32> to vector<256xf32>
      %get3A_1653 = arith.index_cast %scan3A_1641 : i32 to index
      %get3A_1654 = arith.constant 0 : index
      %get3A_1655 = vector.load %arg3[%get3A_1653, %get3A_1654] : memref<20x256xf32, #tpu.memory_space<vmem>>, vector<1x256xf32>
      %sub3A_1656 = arith.subf %get3A_1655, %get3A_1457 : vector<1x256xf32>
      %get3A_1657 = arith.index_cast %scan3A_1641 : i32 to index
      %get3A_1658 = arith.constant 0 : index
      %get3A_1659 = vector.load %arg4[%get3A_1657, %get3A_1658] : memref<20x256xf32, #tpu.memory_space<vmem>>, vector<1x256xf32>
      %sub3A_1660 = arith.subf %get3A_1659, %get3A_1460 : vector<1x256xf32>
      %mul3A_1661 = arith.mulf %sub3A_1656, %sub3A_1656 : vector<1x256xf32>
      %mul3A_1662 = arith.mulf %sub3A_1660, %sub3A_1660 : vector<1x256xf32>
      %add3A_1663 = arith.addf %mul3A_1661, %mul3A_1662 : vector<1x256xf32>
      %add3A_1664 = arith.constant 9.99999996E-13 : f32
      %add3A_1665 = vector.broadcast %add3A_1664 : f32 to vector<1x256xf32>
      %add3A_1666 = arith.addf %add3A_1663, %add3A_1665 : vector<1x256xf32>
      %sqrt3A_1667 = math.sqrt %add3A_1666 : vector<1x256xf32>
      %squeeze3A_1668 = vector.shape_cast %sqrt3A_1667 : vector<1x256xf32> to vector<256xf32>
      %mul3A_1669 = arith.constant 1.000000e-01 : f32
      %mul3A_1670 = vector.broadcast %mul3A_1669 : f32 to vector<256xf32>
      %mul3A_1671 = arith.mulf %mul3A_1670, %squeeze3A_1668 : vector<256xf32>
      %add3A_1672 = arith.addf %reduce_sum3A_1652, %mul3A_1671 : vector<256xf32>
      %neg3A_1673 = arith.constant 0.000000e+00 : f32
      %neg3A_1674 = vector.broadcast %neg3A_1673 : f32 to vector<256xf32>
      %neg3A_1675 = arith.subf %neg3A_1674, %add3A_1672 : vector<256xf32>
      %exp3A_1676 = math.exp %neg3A_1675 : vector<256xf32>
      %add3A_1677 = arith.constant 1.000000e-10 : f32
      %add3A_1678 = vector.broadcast %add3A_1677 : f32 to vector<256xf32>
      %add3A_1679 = arith.addf %exp3A_1676, %add3A_1678 : vector<256xf32>
      %broadcast_in_dim3A_1680 = vector.shape_cast %add3A_1679 : vector<256xf32> to vector<256x1xf32>
      %get3A_1681 = arith.index_cast %scan3A_1641 : i32 to index
      %get3A_1682 = arith.constant 0 : index
      %get3A_1683 = arith.constant 0 : index
      %get3A_1684 = vector.load %arg14[%get3A_1681, %get3A_1682, %get3A_1683] : memref<20x256x128xf32, #tpu.memory_space<vmem>>, vector<1x256x128xf32>
      %get3A_1685 = vector.shape_cast %get3A_1684 : vector<1x256x128xf32> to vector<256x128xf32>
      %mul3A_1686 = vector.broadcast %broadcast_in_dim3A_1680 : vector<256x1xf32> to vector<256x128xf32>
      %mul3A_1687 = arith.mulf %mul3A_1686, %get3A_1685 : vector<256x128xf32>
      %add3A_1688 = arith.addf %scan3A_1642, %mul3A_1687 : vector<256x128xf32>
      %add3A_1689 = arith.addf %scan3A_1643, %add3A_1679 : vector<256xf32>
      scf.yield %add3A_1688, %add3A_1689 : vector<256x128xf32>, vector<256xf32>
    }
    %scan3A_1470 = arith.constant 15 : i32
    %broadcast_in_dim3A_1471 = vector.shape_cast %scan3A_1469#1 : vector<256xf32> to vector<256x1xf32>
    %div3A_1472 = vector.broadcast %broadcast_in_dim3A_1471 : vector<256x1xf32> to vector<256x128xf32>
    %div3A_1473 = arith.divf %scan3A_1469#0, %div3A_1472 : vector<256x128xf32>
    %convert_element_type3A_1474 = arith.truncf %div3A_1473 : vector<256x128xf32> to vector<256x128xbf16>
    %broadcast_in_dim3A_1475 = vector.shape_cast %convert_element_type3A_1474 : vector<256x128xbf16> to vector<1x256x128xbf16>
    %swap3A_1476 = arith.constant 14 : index
    %swap3A_1477 = arith.constant 0 : index
    %swap3A_1478 = arith.constant 0 : index
    %swap3A_1479 = vector.load %arg13[%swap3A_1476, %swap3A_1477, %swap3A_1478] : memref<20x256x256xbf16, #tpu.memory_space<vmem>>, vector<1x256x128xbf16>
    tpu.vector_store %arg13[%swap3A_1476, %swap3A_1477, %swap3A_1478], %broadcast_in_dim3A_1475 {strides = array<i32>} : memref<20x256x256xbf16, #tpu.memory_space<vmem>>, vector<1x256x128xbf16>,
    %get3A_1480 = arith.constant 15 : index
    %get3A_1481 = arith.constant 0 : index
    %get3A_1482 = arith.constant 0 : index
    %get3A_1483 = vector.load %arg15[%get3A_1480, %get3A_1481, %get3A_1482] : memref<20x256x128xf32, #tpu.memory_space<vmem>>, vector<1x256x128xf32>
    %get3A_1484 = vector.shape_cast %get3A_1483 : vector<1x256x128xf32> to vector<256x128xf32>
    %get3A_1485 = arith.constant 15 : index
    %get3A_1486 = arith.constant 0 : index
    %get3A_1487 = vector.load %arg3[%get3A_1485, %get3A_1486] : memref<20x256xf32, #tpu.memory_space<vmem>>, vector<1x256xf32>
    %get3A_1488 = arith.constant 15 : index
    %get3A_1489 = arith.constant 0 : index
    %get3A_1490 = vector.load %arg4[%get3A_1488, %get3A_1489] : memref<20x256xf32, #tpu.memory_space<vmem>>, vector<1x256xf32>
    %broadcast_in_dim3A_1491 = arith.constant 0.000000e+00 : f32
    %broadcast_in_dim3A_1492 = vector.broadcast %broadcast_in_dim3A_1491 : f32 to vector<256x128xf32>
    %broadcast_in_dim3A_1493 = arith.constant 0.000000e+00 : f32
    %broadcast_in_dim3A_1494 = vector.broadcast %broadcast_in_dim3A_1493 : f32 to vector<256xf32>
    %scan3A_1495 = arith.constant 0 : i32
    %scan3A_1496 = arith.constant 16 : i32
    %scan3A_1497 = arith.addi %scan3A_1495, %scan3A_1496 : i32
    %scan3A_1498 = arith.constant 1 : i32
    %scan3A_1499:2 = scf.for %scan3A_1641 = %scan3A_1495 to %scan3A_1497 step %scan3A_1498 iter_args(%scan3A_1642 = %broadcast_in_dim3A_1492, %scan3A_1643 = %broadcast_in_dim3A_1494) -> (vector<256x128xf32>, vector<256xf32>)  : i32 {
      %get3A_1644 = arith.index_cast %scan3A_1641 : i32 to index
      %get3A_1645 = arith.constant 0 : index
      %get3A_1646 = arith.constant 0 : index
      %get3A_1647 = vector.load %arg15[%get3A_1644, %get3A_1645, %get3A_1646] : memref<20x256x128xf32, #tpu.memory_space<vmem>>, vector<1x256x128xf32>
      %get3A_1648 = vector.shape_cast %get3A_1647 : vector<1x256x128xf32> to vector<256x128xf32>
      %sub3A_1649 = arith.subf %get3A_1648, %get3A_1484 : vector<256x128xf32>
      %mul3A_1650 = arith.mulf %sub3A_1649, %sub3A_1649 : vector<256x128xf32>
      %reduce_sum3A_1651 = arith.constant dense<0.000000e+00> : vector<256xf32>
      %reduce_sum3A_1652 = vector.multi_reduction <add>, %mul3A_1650, %reduce_sum3A_1651 [1] : vector<256x128xf32> to vector<256xf32>
      %get3A_1653 = arith.index_cast %scan3A_1641 : i32 to index
      %get3A_1654 = arith.constant 0 : index
      %get3A_1655 = vector.load %arg3[%get3A_1653, %get3A_1654] : memref<20x256xf32, #tpu.memory_space<vmem>>, vector<1x256xf32>
      %sub3A_1656 = arith.subf %get3A_1655, %get3A_1487 : vector<1x256xf32>
      %get3A_1657 = arith.index_cast %scan3A_1641 : i32 to index
      %get3A_1658 = arith.constant 0 : index
      %get3A_1659 = vector.load %arg4[%get3A_1657, %get3A_1658] : memref<20x256xf32, #tpu.memory_space<vmem>>, vector<1x256xf32>
      %sub3A_1660 = arith.subf %get3A_1659, %get3A_1490 : vector<1x256xf32>
      %mul3A_1661 = arith.mulf %sub3A_1656, %sub3A_1656 : vector<1x256xf32>
      %mul3A_1662 = arith.mulf %sub3A_1660, %sub3A_1660 : vector<1x256xf32>
      %add3A_1663 = arith.addf %mul3A_1661, %mul3A_1662 : vector<1x256xf32>
      %add3A_1664 = arith.constant 9.99999996E-13 : f32
      %add3A_1665 = vector.broadcast %add3A_1664 : f32 to vector<1x256xf32>
      %add3A_1666 = arith.addf %add3A_1663, %add3A_1665 : vector<1x256xf32>
      %sqrt3A_1667 = math.sqrt %add3A_1666 : vector<1x256xf32>
      %squeeze3A_1668 = vector.shape_cast %sqrt3A_1667 : vector<1x256xf32> to vector<256xf32>
      %mul3A_1669 = arith.constant 1.000000e-01 : f32
      %mul3A_1670 = vector.broadcast %mul3A_1669 : f32 to vector<256xf32>
      %mul3A_1671 = arith.mulf %mul3A_1670, %squeeze3A_1668 : vector<256xf32>
      %add3A_1672 = arith.addf %reduce_sum3A_1652, %mul3A_1671 : vector<256xf32>
      %neg3A_1673 = arith.constant 0.000000e+00 : f32
      %neg3A_1674 = vector.broadcast %neg3A_1673 : f32 to vector<256xf32>
      %neg3A_1675 = arith.subf %neg3A_1674, %add3A_1672 : vector<256xf32>
      %exp3A_1676 = math.exp %neg3A_1675 : vector<256xf32>
      %add3A_1677 = arith.constant 1.000000e-10 : f32
      %add3A_1678 = vector.broadcast %add3A_1677 : f32 to vector<256xf32>
      %add3A_1679 = arith.addf %exp3A_1676, %add3A_1678 : vector<256xf32>
      %broadcast_in_dim3A_1680 = vector.shape_cast %add3A_1679 : vector<256xf32> to vector<256x1xf32>
      %get3A_1681 = arith.index_cast %scan3A_1641 : i32 to index
      %get3A_1682 = arith.constant 0 : index
      %get3A_1683 = arith.constant 0 : index
      %get3A_1684 = vector.load %arg14[%get3A_1681, %get3A_1682, %get3A_1683] : memref<20x256x128xf32, #tpu.memory_space<vmem>>, vector<1x256x128xf32>
      %get3A_1685 = vector.shape_cast %get3A_1684 : vector<1x256x128xf32> to vector<256x128xf32>
      %mul3A_1686 = vector.broadcast %broadcast_in_dim3A_1680 : vector<256x1xf32> to vector<256x128xf32>
      %mul3A_1687 = arith.mulf %mul3A_1686, %get3A_1685 : vector<256x128xf32>
      %add3A_1688 = arith.addf %scan3A_1642, %mul3A_1687 : vector<256x128xf32>
      %add3A_1689 = arith.addf %scan3A_1643, %add3A_1679 : vector<256xf32>
      scf.yield %add3A_1688, %add3A_1689 : vector<256x128xf32>, vector<256xf32>
    }
    %scan3A_1500 = arith.constant 16 : i32
    %broadcast_in_dim3A_1501 = vector.shape_cast %scan3A_1499#1 : vector<256xf32> to vector<256x1xf32>
    %div3A_1502 = vector.broadcast %broadcast_in_dim3A_1501 : vector<256x1xf32> to vector<256x128xf32>
    %div3A_1503 = arith.divf %scan3A_1499#0, %div3A_1502 : vector<256x128xf32>
    %convert_element_type3A_1504 = arith.truncf %div3A_1503 : vector<256x128xf32> to vector<256x128xbf16>
    %broadcast_in_dim3A_1505 = vector.shape_cast %convert_element_type3A_1504 : vector<256x128xbf16> to vector<1x256x128xbf16>
    %swap3A_1506 = arith.constant 15 : index
    %swap3A_1507 = arith.constant 0 : index
    %swap3A_1508 = arith.constant 0 : index
    %swap3A_1509 = vector.load %arg13[%swap3A_1506, %swap3A_1507, %swap3A_1508] : memref<20x256x256xbf16, #tpu.memory_space<vmem>>, vector<1x256x128xbf16>
    tpu.vector_store %arg13[%swap3A_1506, %swap3A_1507, %swap3A_1508], %broadcast_in_dim3A_1505 {strides = array<i32>} : memref<20x256x256xbf16, #tpu.memory_space<vmem>>, vector<1x256x128xbf16>,
    %get3A_1510 = arith.constant 16 : index
    %get3A_1511 = arith.constant 0 : index
    %get3A_1512 = arith.constant 0 : index
    %get3A_1513 = vector.load %arg15[%get3A_1510, %get3A_1511, %get3A_1512] : memref<20x256x128xf32, #tpu.memory_space<vmem>>, vector<1x256x128xf32>
    %get3A_1514 = vector.shape_cast %get3A_1513 : vector<1x256x128xf32> to vector<256x128xf32>
    %get3A_1515 = arith.constant 16 : index
    %get3A_1516 = arith.constant 0 : index
    %get3A_1517 = vector.load %arg3[%get3A_1515, %get3A_1516] : memref<20x256xf32, #tpu.memory_space<vmem>>, vector<1x256xf32>
    %get3A_1518 = arith.constant 16 : index
    %get3A_1519 = arith.constant 0 : index
    %get3A_1520 = vector.load %arg4[%get3A_1518, %get3A_1519] : memref<20x256xf32, #tpu.memory_space<vmem>>, vector<1x256xf32>
    %broadcast_in_dim3A_1521 = arith.constant 0.000000e+00 : f32
    %broadcast_in_dim3A_1522 = vector.broadcast %broadcast_in_dim3A_1521 : f32 to vector<256x128xf32>
    %broadcast_in_dim3A_1523 = arith.constant 0.000000e+00 : f32
    %broadcast_in_dim3A_1524 = vector.broadcast %broadcast_in_dim3A_1523 : f32 to vector<256xf32>
    %scan3A_1525 = arith.constant 0 : i32
    %scan3A_1526 = arith.constant 17 : i32
    %scan3A_1527 = arith.addi %scan3A_1525, %scan3A_1526 : i32
    %scan3A_1528 = arith.constant 1 : i32
    %scan3A_1529:2 = scf.for %scan3A_1641 = %scan3A_1525 to %scan3A_1527 step %scan3A_1528 iter_args(%scan3A_1642 = %broadcast_in_dim3A_1522, %scan3A_1643 = %broadcast_in_dim3A_1524) -> (vector<256x128xf32>, vector<256xf32>)  : i32 {
      %get3A_1644 = arith.index_cast %scan3A_1641 : i32 to index
      %get3A_1645 = arith.constant 0 : index
      %get3A_1646 = arith.constant 0 : index
      %get3A_1647 = vector.load %arg15[%get3A_1644, %get3A_1645, %get3A_1646] : memref<20x256x128xf32, #tpu.memory_space<vmem>>, vector<1x256x128xf32>
      %get3A_1648 = vector.shape_cast %get3A_1647 : vector<1x256x128xf32> to vector<256x128xf32>
      %sub3A_1649 = arith.subf %get3A_1648, %get3A_1514 : vector<256x128xf32>
      %mul3A_1650 = arith.mulf %sub3A_1649, %sub3A_1649 : vector<256x128xf32>
      %reduce_sum3A_1651 = arith.constant dense<0.000000e+00> : vector<256xf32>
      %reduce_sum3A_1652 = vector.multi_reduction <add>, %mul3A_1650, %reduce_sum3A_1651 [1] : vector<256x128xf32> to vector<256xf32>
      %get3A_1653 = arith.index_cast %scan3A_1641 : i32 to index
      %get3A_1654 = arith.constant 0 : index
      %get3A_1655 = vector.load %arg3[%get3A_1653, %get3A_1654] : memref<20x256xf32, #tpu.memory_space<vmem>>, vector<1x256xf32>
      %sub3A_1656 = arith.subf %get3A_1655, %get3A_1517 : vector<1x256xf32>
      %get3A_1657 = arith.index_cast %scan3A_1641 : i32 to index
      %get3A_1658 = arith.constant 0 : index
      %get3A_1659 = vector.load %arg4[%get3A_1657, %get3A_1658] : memref<20x256xf32, #tpu.memory_space<vmem>>, vector<1x256xf32>
      %sub3A_1660 = arith.subf %get3A_1659, %get3A_1520 : vector<1x256xf32>
      %mul3A_1661 = arith.mulf %sub3A_1656, %sub3A_1656 : vector<1x256xf32>
      %mul3A_1662 = arith.mulf %sub3A_1660, %sub3A_1660 : vector<1x256xf32>
      %add3A_1663 = arith.addf %mul3A_1661, %mul3A_1662 : vector<1x256xf32>
      %add3A_1664 = arith.constant 9.99999996E-13 : f32
      %add3A_1665 = vector.broadcast %add3A_1664 : f32 to vector<1x256xf32>
      %add3A_1666 = arith.addf %add3A_1663, %add3A_1665 : vector<1x256xf32>
      %sqrt3A_1667 = math.sqrt %add3A_1666 : vector<1x256xf32>
      %squeeze3A_1668 = vector.shape_cast %sqrt3A_1667 : vector<1x256xf32> to vector<256xf32>
      %mul3A_1669 = arith.constant 1.000000e-01 : f32
      %mul3A_1670 = vector.broadcast %mul3A_1669 : f32 to vector<256xf32>
      %mul3A_1671 = arith.mulf %mul3A_1670, %squeeze3A_1668 : vector<256xf32>
      %add3A_1672 = arith.addf %reduce_sum3A_1652, %mul3A_1671 : vector<256xf32>
      %neg3A_1673 = arith.constant 0.000000e+00 : f32
      %neg3A_1674 = vector.broadcast %neg3A_1673 : f32 to vector<256xf32>
      %neg3A_1675 = arith.subf %neg3A_1674, %add3A_1672 : vector<256xf32>
      %exp3A_1676 = math.exp %neg3A_1675 : vector<256xf32>
      %add3A_1677 = arith.constant 1.000000e-10 : f32
      %add3A_1678 = vector.broadcast %add3A_1677 : f32 to vector<256xf32>
      %add3A_1679 = arith.addf %exp3A_1676, %add3A_1678 : vector<256xf32>
      %broadcast_in_dim3A_1680 = vector.shape_cast %add3A_1679 : vector<256xf32> to vector<256x1xf32>
      %get3A_1681 = arith.index_cast %scan3A_1641 : i32 to index
      %get3A_1682 = arith.constant 0 : index
      %get3A_1683 = arith.constant 0 : index
      %get3A_1684 = vector.load %arg14[%get3A_1681, %get3A_1682, %get3A_1683] : memref<20x256x128xf32, #tpu.memory_space<vmem>>, vector<1x256x128xf32>
      %get3A_1685 = vector.shape_cast %get3A_1684 : vector<1x256x128xf32> to vector<256x128xf32>
      %mul3A_1686 = vector.broadcast %broadcast_in_dim3A_1680 : vector<256x1xf32> to vector<256x128xf32>
      %mul3A_1687 = arith.mulf %mul3A_1686, %get3A_1685 : vector<256x128xf32>
      %add3A_1688 = arith.addf %scan3A_1642, %mul3A_1687 : vector<256x128xf32>
      %add3A_1689 = arith.addf %scan3A_1643, %add3A_1679 : vector<256xf32>
      scf.yield %add3A_1688, %add3A_1689 : vector<256x128xf32>, vector<256xf32>
    }
    %scan3A_1530 = arith.constant 17 : i32
    %broadcast_in_dim3A_1531 = vector.shape_cast %scan3A_1529#1 : vector<256xf32> to vector<256x1xf32>
    %div3A_1532 = vector.broadcast %broadcast_in_dim3A_1531 : vector<256x1xf32> to vector<256x128xf32>
    %div3A_1533 = arith.divf %scan3A_1529#0, %div3A_1532 : vector<256x128xf32>
    %convert_element_type3A_1534 = arith.truncf %div3A_1533 : vector<256x128xf32> to vector<256x128xbf16>
    %broadcast_in_dim3A_1535 = vector.shape_cast %convert_element_type3A_1534 : vector<256x128xbf16> to vector<1x256x128xbf16>
    %swap3A_1536 = arith.constant 16 : index
    %swap3A_1537 = arith.constant 0 : index
    %swap3A_1538 = arith.constant 0 : index
    %swap3A_1539 = vector.load %arg13[%swap3A_1536, %swap3A_1537, %swap3A_1538] : memref<20x256x256xbf16, #tpu.memory_space<vmem>>, vector<1x256x128xbf16>
    tpu.vector_store %arg13[%swap3A_1536, %swap3A_1537, %swap3A_1538], %broadcast_in_dim3A_1535 {strides = array<i32>} : memref<20x256x256xbf16, #tpu.memory_space<vmem>>, vector<1x256x128xbf16>,
    %get3A_1540 = arith.constant 17 : index
    %get3A_1541 = arith.constant 0 : index
    %get3A_1542 = arith.constant 0 : index
    %get3A_1543 = vector.load %arg15[%get3A_1540, %get3A_1541, %get3A_1542] : memref<20x256x128xf32, #tpu.memory_space<vmem>>, vector<1x256x128xf32>
    %get3A_1544 = vector.shape_cast %get3A_1543 : vector<1x256x128xf32> to vector<256x128xf32>
    %get3A_1545 = arith.constant 17 : index
    %get3A_1546 = arith.constant 0 : index
    %get3A_1547 = vector.load %arg3[%get3A_1545, %get3A_1546] : memref<20x256xf32, #tpu.memory_space<vmem>>, vector<1x256xf32>
    %get3A_1548 = arith.constant 17 : index
    %get3A_1549 = arith.constant 0 : index
    %get3A_1550 = vector.load %arg4[%get3A_1548, %get3A_1549] : memref<20x256xf32, #tpu.memory_space<vmem>>, vector<1x256xf32>
    %broadcast_in_dim3A_1551 = arith.constant 0.000000e+00 : f32
    %broadcast_in_dim3A_1552 = vector.broadcast %broadcast_in_dim3A_1551 : f32 to vector<256x128xf32>
    %broadcast_in_dim3A_1553 = arith.constant 0.000000e+00 : f32
    %broadcast_in_dim3A_1554 = vector.broadcast %broadcast_in_dim3A_1553 : f32 to vector<256xf32>
    %scan3A_1555 = arith.constant 0 : i32
    %scan3A_1556 = arith.constant 18 : i32
    %scan3A_1557 = arith.addi %scan3A_1555, %scan3A_1556 : i32
    %scan3A_1558 = arith.constant 1 : i32
    %scan3A_1559:2 = scf.for %scan3A_1641 = %scan3A_1555 to %scan3A_1557 step %scan3A_1558 iter_args(%scan3A_1642 = %broadcast_in_dim3A_1552, %scan3A_1643 = %broadcast_in_dim3A_1554) -> (vector<256x128xf32>, vector<256xf32>)  : i32 {
      %get3A_1644 = arith.index_cast %scan3A_1641 : i32 to index
      %get3A_1645 = arith.constant 0 : index
      %get3A_1646 = arith.constant 0 : index
      %get3A_1647 = vector.load %arg15[%get3A_1644, %get3A_1645, %get3A_1646] : memref<20x256x128xf32, #tpu.memory_space<vmem>>, vector<1x256x128xf32>
      %get3A_1648 = vector.shape_cast %get3A_1647 : vector<1x256x128xf32> to vector<256x128xf32>
      %sub3A_1649 = arith.subf %get3A_1648, %get3A_1544 : vector<256x128xf32>
      %mul3A_1650 = arith.mulf %sub3A_1649, %sub3A_1649 : vector<256x128xf32>
      %reduce_sum3A_1651 = arith.constant dense<0.000000e+00> : vector<256xf32>
      %reduce_sum3A_1652 = vector.multi_reduction <add>, %mul3A_1650, %reduce_sum3A_1651 [1] : vector<256x128xf32> to vector<256xf32>
      %get3A_1653 = arith.index_cast %scan3A_1641 : i32 to index
      %get3A_1654 = arith.constant 0 : index
      %get3A_1655 = vector.load %arg3[%get3A_1653, %get3A_1654] : memref<20x256xf32, #tpu.memory_space<vmem>>, vector<1x256xf32>
      %sub3A_1656 = arith.subf %get3A_1655, %get3A_1547 : vector<1x256xf32>
      %get3A_1657 = arith.index_cast %scan3A_1641 : i32 to index
      %get3A_1658 = arith.constant 0 : index
      %get3A_1659 = vector.load %arg4[%get3A_1657, %get3A_1658] : memref<20x256xf32, #tpu.memory_space<vmem>>, vector<1x256xf32>
      %sub3A_1660 = arith.subf %get3A_1659, %get3A_1550 : vector<1x256xf32>
      %mul3A_1661 = arith.mulf %sub3A_1656, %sub3A_1656 : vector<1x256xf32>
      %mul3A_1662 = arith.mulf %sub3A_1660, %sub3A_1660 : vector<1x256xf32>
      %add3A_1663 = arith.addf %mul3A_1661, %mul3A_1662 : vector<1x256xf32>
      %add3A_1664 = arith.constant 9.99999996E-13 : f32
      %add3A_1665 = vector.broadcast %add3A_1664 : f32 to vector<1x256xf32>
      %add3A_1666 = arith.addf %add3A_1663, %add3A_1665 : vector<1x256xf32>
      %sqrt3A_1667 = math.sqrt %add3A_1666 : vector<1x256xf32>
      %squeeze3A_1668 = vector.shape_cast %sqrt3A_1667 : vector<1x256xf32> to vector<256xf32>
      %mul3A_1669 = arith.constant 1.000000e-01 : f32
      %mul3A_1670 = vector.broadcast %mul3A_1669 : f32 to vector<256xf32>
      %mul3A_1671 = arith.mulf %mul3A_1670, %squeeze3A_1668 : vector<256xf32>
      %add3A_1672 = arith.addf %reduce_sum3A_1652, %mul3A_1671 : vector<256xf32>
      %neg3A_1673 = arith.constant 0.000000e+00 : f32
      %neg3A_1674 = vector.broadcast %neg3A_1673 : f32 to vector<256xf32>
      %neg3A_1675 = arith.subf %neg3A_1674, %add3A_1672 : vector<256xf32>
      %exp3A_1676 = math.exp %neg3A_1675 : vector<256xf32>
      %add3A_1677 = arith.constant 1.000000e-10 : f32
      %add3A_1678 = vector.broadcast %add3A_1677 : f32 to vector<256xf32>
      %add3A_1679 = arith.addf %exp3A_1676, %add3A_1678 : vector<256xf32>
      %broadcast_in_dim3A_1680 = vector.shape_cast %add3A_1679 : vector<256xf32> to vector<256x1xf32>
      %get3A_1681 = arith.index_cast %scan3A_1641 : i32 to index
      %get3A_1682 = arith.constant 0 : index
      %get3A_1683 = arith.constant 0 : index
      %get3A_1684 = vector.load %arg14[%get3A_1681, %get3A_1682, %get3A_1683] : memref<20x256x128xf32, #tpu.memory_space<vmem>>, vector<1x256x128xf32>
      %get3A_1685 = vector.shape_cast %get3A_1684 : vector<1x256x128xf32> to vector<256x128xf32>
      %mul3A_1686 = vector.broadcast %broadcast_in_dim3A_1680 : vector<256x1xf32> to vector<256x128xf32>
      %mul3A_1687 = arith.mulf %mul3A_1686, %get3A_1685 : vector<256x128xf32>
      %add3A_1688 = arith.addf %scan3A_1642, %mul3A_1687 : vector<256x128xf32>
      %add3A_1689 = arith.addf %scan3A_1643, %add3A_1679 : vector<256xf32>
      scf.yield %add3A_1688, %add3A_1689 : vector<256x128xf32>, vector<256xf32>
    }
    %scan3A_1560 = arith.constant 18 : i32
    %broadcast_in_dim3A_1561 = vector.shape_cast %scan3A_1559#1 : vector<256xf32> to vector<256x1xf32>
    %div3A_1562 = vector.broadcast %broadcast_in_dim3A_1561 : vector<256x1xf32> to vector<256x128xf32>
    %div3A_1563 = arith.divf %scan3A_1559#0, %div3A_1562 : vector<256x128xf32>
    %convert_element_type3A_1564 = arith.truncf %div3A_1563 : vector<256x128xf32> to vector<256x128xbf16>
    %broadcast_in_dim3A_1565 = vector.shape_cast %convert_element_type3A_1564 : vector<256x128xbf16> to vector<1x256x128xbf16>
    %swap3A_1566 = arith.constant 17 : index
    %swap3A_1567 = arith.constant 0 : index
    %swap3A_1568 = arith.constant 0 : index
    %swap3A_1569 = vector.load %arg13[%swap3A_1566, %swap3A_1567, %swap3A_1568] : memref<20x256x256xbf16, #tpu.memory_space<vmem>>, vector<1x256x128xbf16>
    tpu.vector_store %arg13[%swap3A_1566, %swap3A_1567, %swap3A_1568], %broadcast_in_dim3A_1565 {strides = array<i32>} : memref<20x256x256xbf16, #tpu.memory_space<vmem>>, vector<1x256x128xbf16>,
    %get3A_1570 = arith.constant 18 : index
    %get3A_1571 = arith.constant 0 : index
    %get3A_1572 = arith.constant 0 : index
    %get3A_1573 = vector.load %arg15[%get3A_1570, %get3A_1571, %get3A_1572] : memref<20x256x128xf32, #tpu.memory_space<vmem>>, vector<1x256x128xf32>
    %get3A_1574 = vector.shape_cast %get3A_1573 : vector<1x256x128xf32> to vector<256x128xf32>
    %get3A_1575 = arith.constant 18 : index
    %get3A_1576 = arith.constant 0 : index
    %get3A_1577 = vector.load %arg3[%get3A_1575, %get3A_1576] : memref<20x256xf32, #tpu.memory_space<vmem>>, vector<1x256xf32>
    %get3A_1578 = arith.constant 18 : index
    %get3A_1579 = arith.constant 0 : index
    %get3A_1580 = vector.load %arg4[%get3A_1578, %get3A_1579] : memref<20x256xf32, #tpu.memory_space<vmem>>, vector<1x256xf32>
    %broadcast_in_dim3A_1581 = arith.constant 0.000000e+00 : f32
    %broadcast_in_dim3A_1582 = vector.broadcast %broadcast_in_dim3A_1581 : f32 to vector<256x128xf32>
    %broadcast_in_dim3A_1583 = arith.constant 0.000000e+00 : f32
    %broadcast_in_dim3A_1584 = vector.broadcast %broadcast_in_dim3A_1583 : f32 to vector<256xf32>
    %scan3A_1585 = arith.constant 0 : i32
    %scan3A_1586 = arith.constant 19 : i32
    %scan3A_1587 = arith.addi %scan3A_1585, %scan3A_1586 : i32
    %scan3A_1588 = arith.constant 1 : i32
    %scan3A_1589:2 = scf.for %scan3A_1641 = %scan3A_1585 to %scan3A_1587 step %scan3A_1588 iter_args(%scan3A_1642 = %broadcast_in_dim3A_1582, %scan3A_1643 = %broadcast_in_dim3A_1584) -> (vector<256x128xf32>, vector<256xf32>)  : i32 {
      %get3A_1644 = arith.index_cast %scan3A_1641 : i32 to index
      %get3A_1645 = arith.constant 0 : index
      %get3A_1646 = arith.constant 0 : index
      %get3A_1647 = vector.load %arg15[%get3A_1644, %get3A_1645, %get3A_1646] : memref<20x256x128xf32, #tpu.memory_space<vmem>>, vector<1x256x128xf32>
      %get3A_1648 = vector.shape_cast %get3A_1647 : vector<1x256x128xf32> to vector<256x128xf32>
      %sub3A_1649 = arith.subf %get3A_1648, %get3A_1574 : vector<256x128xf32>
      %mul3A_1650 = arith.mulf %sub3A_1649, %sub3A_1649 : vector<256x128xf32>
      %reduce_sum3A_1651 = arith.constant dense<0.000000e+00> : vector<256xf32>
      %reduce_sum3A_1652 = vector.multi_reduction <add>, %mul3A_1650, %reduce_sum3A_1651 [1] : vector<256x128xf32> to vector<256xf32>
      %get3A_1653 = arith.index_cast %scan3A_1641 : i32 to index
      %get3A_1654 = arith.constant 0 : index
      %get3A_1655 = vector.load %arg3[%get3A_1653, %get3A_1654] : memref<20x256xf32, #tpu.memory_space<vmem>>, vector<1x256xf32>
      %sub3A_1656 = arith.subf %get3A_1655, %get3A_1577 : vector<1x256xf32>
      %get3A_1657 = arith.index_cast %scan3A_1641 : i32 to index
      %get3A_1658 = arith.constant 0 : index
      %get3A_1659 = vector.load %arg4[%get3A_1657, %get3A_1658] : memref<20x256xf32, #tpu.memory_space<vmem>>, vector<1x256xf32>
      %sub3A_1660 = arith.subf %get3A_1659, %get3A_1580 : vector<1x256xf32>
      %mul3A_1661 = arith.mulf %sub3A_1656, %sub3A_1656 : vector<1x256xf32>
      %mul3A_1662 = arith.mulf %sub3A_1660, %sub3A_1660 : vector<1x256xf32>
      %add3A_1663 = arith.addf %mul3A_1661, %mul3A_1662 : vector<1x256xf32>
      %add3A_1664 = arith.constant 9.99999996E-13 : f32
      %add3A_1665 = vector.broadcast %add3A_1664 : f32 to vector<1x256xf32>
      %add3A_1666 = arith.addf %add3A_1663, %add3A_1665 : vector<1x256xf32>
      %sqrt3A_1667 = math.sqrt %add3A_1666 : vector<1x256xf32>
      %squeeze3A_1668 = vector.shape_cast %sqrt3A_1667 : vector<1x256xf32> to vector<256xf32>
      %mul3A_1669 = arith.constant 1.000000e-01 : f32
      %mul3A_1670 = vector.broadcast %mul3A_1669 : f32 to vector<256xf32>
      %mul3A_1671 = arith.mulf %mul3A_1670, %squeeze3A_1668 : vector<256xf32>
      %add3A_1672 = arith.addf %reduce_sum3A_1652, %mul3A_1671 : vector<256xf32>
      %neg3A_1673 = arith.constant 0.000000e+00 : f32
      %neg3A_1674 = vector.broadcast %neg3A_1673 : f32 to vector<256xf32>
      %neg3A_1675 = arith.subf %neg3A_1674, %add3A_1672 : vector<256xf32>
      %exp3A_1676 = math.exp %neg3A_1675 : vector<256xf32>
      %add3A_1677 = arith.constant 1.000000e-10 : f32
      %add3A_1678 = vector.broadcast %add3A_1677 : f32 to vector<256xf32>
      %add3A_1679 = arith.addf %exp3A_1676, %add3A_1678 : vector<256xf32>
      %broadcast_in_dim3A_1680 = vector.shape_cast %add3A_1679 : vector<256xf32> to vector<256x1xf32>
      %get3A_1681 = arith.index_cast %scan3A_1641 : i32 to index
      %get3A_1682 = arith.constant 0 : index
      %get3A_1683 = arith.constant 0 : index
      %get3A_1684 = vector.load %arg14[%get3A_1681, %get3A_1682, %get3A_1683] : memref<20x256x128xf32, #tpu.memory_space<vmem>>, vector<1x256x128xf32>
      %get3A_1685 = vector.shape_cast %get3A_1684 : vector<1x256x128xf32> to vector<256x128xf32>
      %mul3A_1686 = vector.broadcast %broadcast_in_dim3A_1680 : vector<256x1xf32> to vector<256x128xf32>
      %mul3A_1687 = arith.mulf %mul3A_1686, %get3A_1685 : vector<256x128xf32>
      %add3A_1688 = arith.addf %scan3A_1642, %mul3A_1687 : vector<256x128xf32>
      %add3A_1689 = arith.addf %scan3A_1643, %add3A_1679 : vector<256xf32>
      scf.yield %add3A_1688, %add3A_1689 : vector<256x128xf32>, vector<256xf32>
    }
    %scan3A_1590 = arith.constant 19 : i32
    %broadcast_in_dim3A_1591 = vector.shape_cast %scan3A_1589#1 : vector<256xf32> to vector<256x1xf32>
    %div3A_1592 = vector.broadcast %broadcast_in_dim3A_1591 : vector<256x1xf32> to vector<256x128xf32>
    %div3A_1593 = arith.divf %scan3A_1589#0, %div3A_1592 : vector<256x128xf32>
    %convert_element_type3A_1594 = arith.truncf %div3A_1593 : vector<256x128xf32> to vector<256x128xbf16>
    %broadcast_in_dim3A_1595 = vector.shape_cast %convert_element_type3A_1594 : vector<256x128xbf16> to vector<1x256x128xbf16>
    %swap3A_1596 = arith.constant 18 : index
    %swap3A_1597 = arith.constant 0 : index
    %swap3A_1598 = arith.constant 0 : index
    %swap3A_1599 = vector.load %arg13[%swap3A_1596, %swap3A_1597, %swap3A_1598] : memref<20x256x256xbf16, #tpu.memory_space<vmem>>, vector<1x256x128xbf16>
    tpu.vector_store %arg13[%swap3A_1596, %swap3A_1597, %swap3A_1598], %broadcast_in_dim3A_1595 {strides = array<i32>} : memref<20x256x256xbf16, #tpu.memory_space<vmem>>, vector<1x256x128xbf16>,
    %get3A_1600 = arith.constant 19 : index
    %get3A_1601 = arith.constant 0 : index
    %get3A_1602 = arith.constant 0 : index
    %get3A_1603 = vector.load %arg15[%get3A_1600, %get3A_1601, %get3A_1602] : memref<20x256x128xf32, #tpu.memory_space<vmem>>, vector<1x256x128xf32>
    %get3A_1604 = vector.shape_cast %get3A_1603 : vector<1x256x128xf32> to vector<256x128xf32>
    %get3A_1605 = arith.constant 19 : index
    %get3A_1606 = arith.constant 0 : index
    %get3A_1607 = vector.load %arg3[%get3A_1605, %get3A_1606] : memref<20x256xf32, #tpu.memory_space<vmem>>, vector<1x256xf32>
    %get3A_1608 = arith.constant 19 : index
    %get3A_1609 = arith.constant 0 : index
    %get3A_1610 = vector.load %arg4[%get3A_1608, %get3A_1609] : memref<20x256xf32, #tpu.memory_space<vmem>>, vector<1x256xf32>
    %broadcast_in_dim3A_1611 = arith.constant 0.000000e+00 : f32
    %broadcast_in_dim3A_1612 = vector.broadcast %broadcast_in_dim3A_1611 : f32 to vector<256x128xf32>
    %broadcast_in_dim3A_1613 = arith.constant 0.000000e+00 : f32
    %broadcast_in_dim3A_1614 = vector.broadcast %broadcast_in_dim3A_1613 : f32 to vector<256xf32>
    %scan3A_1615 = arith.constant 0 : i32
    %scan3A_1616 = arith.constant 20 : i32
    %scan3A_1617 = arith.addi %scan3A_1615, %scan3A_1616 : i32
    %scan3A_1618 = arith.constant 1 : i32
    %scan3A_1619:2 = scf.for %scan3A_1641 = %scan3A_1615 to %scan3A_1617 step %scan3A_1618 iter_args(%scan3A_1642 = %broadcast_in_dim3A_1612, %scan3A_1643 = %broadcast_in_dim3A_1614) -> (vector<256x128xf32>, vector<256xf32>)  : i32 {
      %get3A_1644 = arith.index_cast %scan3A_1641 : i32 to index
      %get3A_1645 = arith.constant 0 : index
      %get3A_1646 = arith.constant 0 : index
      %get3A_1647 = vector.load %arg15[%get3A_1644, %get3A_1645, %get3A_1646] : memref<20x256x128xf32, #tpu.memory_space<vmem>>, vector<1x256x128xf32>
      %get3A_1648 = vector.shape_cast %get3A_1647 : vector<1x256x128xf32> to vector<256x128xf32>
      %sub3A_1649 = arith.subf %get3A_1648, %get3A_1604 : vector<256x128xf32>
      %mul3A_1650 = arith.mulf %sub3A_1649, %sub3A_1649 : vector<256x128xf32>
      %reduce_sum3A_1651 = arith.constant dense<0.000000e+00> : vector<256xf32>
      %reduce_sum3A_1652 = vector.multi_reduction <add>, %mul3A_1650, %reduce_sum3A_1651 [1] : vector<256x128xf32> to vector<256xf32>
      %get3A_1653 = arith.index_cast %scan3A_1641 : i32 to index
      %get3A_1654 = arith.constant 0 : index
      %get3A_1655 = vector.load %arg3[%get3A_1653, %get3A_1654] : memref<20x256xf32, #tpu.memory_space<vmem>>, vector<1x256xf32>
      %sub3A_1656 = arith.subf %get3A_1655, %get3A_1607 : vector<1x256xf32>
      %get3A_1657 = arith.index_cast %scan3A_1641 : i32 to index
      %get3A_1658 = arith.constant 0 : index
      %get3A_1659 = vector.load %arg4[%get3A_1657, %get3A_1658] : memref<20x256xf32, #tpu.memory_space<vmem>>, vector<1x256xf32>
      %sub3A_1660 = arith.subf %get3A_1659, %get3A_1610 : vector<1x256xf32>
      %mul3A_1661 = arith.mulf %sub3A_1656, %sub3A_1656 : vector<1x256xf32>
      %mul3A_1662 = arith.mulf %sub3A_1660, %sub3A_1660 : vector<1x256xf32>
      %add3A_1663 = arith.addf %mul3A_1661, %mul3A_1662 : vector<1x256xf32>
      %add3A_1664 = arith.constant 9.99999996E-13 : f32
      %add3A_1665 = vector.broadcast %add3A_1664 : f32 to vector<1x256xf32>
      %add3A_1666 = arith.addf %add3A_1663, %add3A_1665 : vector<1x256xf32>
      %sqrt3A_1667 = math.sqrt %add3A_1666 : vector<1x256xf32>
      %squeeze3A_1668 = vector.shape_cast %sqrt3A_1667 : vector<1x256xf32> to vector<256xf32>
      %mul3A_1669 = arith.constant 1.000000e-01 : f32
      %mul3A_1670 = vector.broadcast %mul3A_1669 : f32 to vector<256xf32>
      %mul3A_1671 = arith.mulf %mul3A_1670, %squeeze3A_1668 : vector<256xf32>
      %add3A_1672 = arith.addf %reduce_sum3A_1652, %mul3A_1671 : vector<256xf32>
      %neg3A_1673 = arith.constant 0.000000e+00 : f32
      %neg3A_1674 = vector.broadcast %neg3A_1673 : f32 to vector<256xf32>
      %neg3A_1675 = arith.subf %neg3A_1674, %add3A_1672 : vector<256xf32>
      %exp3A_1676 = math.exp %neg3A_1675 : vector<256xf32>
      %add3A_1677 = arith.constant 1.000000e-10 : f32
      %add3A_1678 = vector.broadcast %add3A_1677 : f32 to vector<256xf32>
      %add3A_1679 = arith.addf %exp3A_1676, %add3A_1678 : vector<256xf32>
      %broadcast_in_dim3A_1680 = vector.shape_cast %add3A_1679 : vector<256xf32> to vector<256x1xf32>
      %get3A_1681 = arith.index_cast %scan3A_1641 : i32 to index
      %get3A_1682 = arith.constant 0 : index
      %get3A_1683 = arith.constant 0 : index
      %get3A_1684 = vector.load %arg14[%get3A_1681, %get3A_1682, %get3A_1683] : memref<20x256x128xf32, #tpu.memory_space<vmem>>, vector<1x256x128xf32>
      %get3A_1685 = vector.shape_cast %get3A_1684 : vector<1x256x128xf32> to vector<256x128xf32>
      %mul3A_1686 = vector.broadcast %broadcast_in_dim3A_1680 : vector<256x1xf32> to vector<256x128xf32>
      %mul3A_1687 = arith.mulf %mul3A_1686, %get3A_1685 : vector<256x128xf32>
      %add3A_1688 = arith.addf %scan3A_1642, %mul3A_1687 : vector<256x128xf32>
      %add3A_1689 = arith.addf %scan3A_1643, %add3A_1679 : vector<256xf32>
      scf.yield %add3A_1688, %add3A_1689 : vector<256x128xf32>, vector<256xf32>
    }
    %scan3A_1620 = arith.constant 20 : i32
    %broadcast_in_dim3A_1621 = vector.shape_cast %scan3A_1619#1 : vector<256xf32> to vector<256x1xf32>
    %div3A_1622 = vector.broadcast %broadcast_in_dim3A_1621 : vector<256x1xf32> to vector<256x128xf32>
    %div3A_1623 = arith.divf %scan3A_1619#0, %div3A_1622 : vector<256x128xf32>
    %convert_element_type3A_1624 = arith.truncf %div3A_1623 : vector<256x128xf32> to vector<256x128xbf16>
    %broadcast_in_dim3A_1625 = vector.shape_cast %convert_element_type3A_1624 : vector<256x128xbf16> to vector<1x256x128xbf16>
    %swap3A_1626 = arith.constant 19 : index
    %swap3A_1627 = arith.constant 0 : index
    %swap3A_1628 = arith.constant 0 : index
    %swap3A_1629 = vector.load %arg13[%swap3A_1626, %swap3A_1627, %swap3A_1628] : memref<20x256x256xbf16, #tpu.memory_space<vmem>>, vector<1x256x128xbf16>
    tpu.vector_store %arg13[%swap3A_1626, %swap3A_1627, %swap3A_1628], %broadcast_in_dim3A_1625 {strides = array<i32>} : memref<20x256x256xbf16, #tpu.memory_space<vmem>>, vector<1x256x128xbf16>,
    %get3A_1630 = arith.constant 0 : index
    %get3A_1631 = arith.constant 0 : index
    %get3A_1632 = vector.load %arg1[%get3A_1630, %get3A_1631] : memref<256x128xf32, #tpu.memory_space<vmem>>, vector<256x128xf32>
    %convert_element_type3A_1633 = arith.truncf %get3A_1632 : vector<256x128xf32> to vector<256x128xbf16>
    %broadcast_in_dim3A_1634 = vector.shape_cast %convert_element_type3A_1633 : vector<256x128xbf16> to vector<1x256x128xbf16>
    %broadcast_in_dim3A_1635 = vector.shape_cast %broadcast_in_dim3A_1634 : vector<1x256x128xbf16> to vector<1x256x128xbf16>
    %broadcast_in_dim3A_1636 = vector.broadcast %broadcast_in_dim3A_1635 : vector<1x256x128xbf16> to vector<20x256x128xbf16>
    %swap3A_1637 = arith.constant 0 : index
    %swap3A_1638 = arith.constant 0 : index
    %swap3A_1639 = arith.constant 128 : index
    %swap3A_1640 = vector.load %arg13[%swap3A_1637, %swap3A_1638, %swap3A_1639] : memref<20x256x256xbf16, #tpu.memory_space<vmem>>, vector<20x256x128xbf16>
    tpu.vector_store %arg13[%swap3A_1637, %swap3A_1638, %swap3A_1639], %broadcast_in_dim3A_1636 {strides = array<i32>} : memref<20x256x256xbf16, #tpu.memory_space<vmem>>, vector<20x256x128xbf16>,
    return
  }
}

</mosaic_0001>

<sc_bundles>
// kernel: kernel.5.cloned.1.call-start
scs
__scs_entry_jumppad:
0x0: {  	(pc) =	sbr.rel $0x88, $3  }
0x1: {  	(tag) =	ssettag $0x0;
	lr =	simm.s32 $0x1  }
0x2: {  	[smem:$0x3F91] =	sst lr;
	_ =	strace $0xD0000000  }
0x3: {  	_ = 	snop  }
0x4: {  	_ = 	snop  }
0x5: {  	_ = 	snop  }
0x6: {  	_ = 	snop  }
0x7: {  	_ = 	snop  }
__scs_overlays_trampoline_lowered:
0x8: {  	[smem:$0x3FA0] =	sst s0  }
0x9: {  	[smem:$0x3FA1] =	sst s1  }
0xa: {  	[smem:$0x3FA2] =	sst s2  }
0xb: {  	[smem:$0x3FA3] =	sst s3  }
0xc: {  	[smem:$0x3FA4] =	sst s4  }
0xd: {  	[smem:$0x3FA5] =	sst s5  }
0xe: {  	[smem:$0x3FA6] =	sst s6  }
0xf: {  	[smem:$0x3FA7] =	sst s7  }
0x10: {  	[smem:$0x3FA8] =	sst s8  }
0x11: {  	[smem:$0x3FA9] =	sst s9;
	s0 =	simm.s32 @!p0 $0x0  }
0x12: {  	s1 =	sld [smem:$0x3F8F];
	s0 =	simm.s32 @p0 $0x1  }
0x13: {  	[smem:$0x3FAA] =	sst s0;
	s0 =	simm.s32 @!p1 $0x0  }
0x14: {  	s2 =	sld [smem:$0x3F8E];
	s0 =	simm.s32 @p1 $0x1  }
0x15: {  	[smem:$0x3FAB] =	sst s0;
	s0 =	simm.s32 @!p2 $0x0  }
0x16: {  	s3 =	sld [smem:$0x3FDB];
	s0 =	simm.s32 @p2 $0x1  }
0x17: {  	s4 =	simm.s32 $0x1BF5;
	[smem:$0x3FAD] =	sst s0  }
0x18: {  	s0 =	sld [smem:$0x3F90];
	_ =	swait.ge [sflag:s4], $0x0  }
0x19: {  	s7 =	sld [smem:$0x3F91]  }
0x1a: {  	s8 =	sadd.s32 $0xFFFFE003, lr  }
0x1b: {  	s9 =	sadd.s32 $0xFFFFFEF7, lr;
	s5 =	simm.s32 $0xFFFFFFFF;
	p2 =	slt.u32 s8, $0xFFFFF086  }
0x1c: {  	p1 =	slt.u32 s9, $0xF7A;
	s5 =	simm.s32 @!p2 $0x0  }
0x1d: {  	s5 =	simm.s32 @p1 $0x1;
	p0 =	seq.s32 s7, s2  }
0x1e: {  	s7 =	smul.u32 @!p0 $0xF7A, s2;
	p2 =	seq.s32 @!p0 s5, $0x0  }
0x1f: {  	s9 =	smul.u32 $0xF7A, s1;
	s8 =	simm.s32 @!p0 $0x1BF5;
	p2 =	por !p2, p0  }
0x20: {  	[sflag:s8] =	ssyncset.s32 @!p0 $0xFFFFF086;
	s6 =	sadd.s32 @!p0 s3, s7;
	s7 =	simm.s32 @!p0 $0x108  }
0x21: {  	s3 =	sadd.s32 s3, s9;
	s6 =	sadd.s32 @!p0 $0x88, s6;
	s7 =	simm.s32 @p2 $0x1082  }
0x22: {  	[simem:s7], [sflag:s8] =	dma.local @!p0 [hbm:s6], $0xF7A  }
0x23: {  	s9 =	sor.u32 $0xD0000000, s2;
	s6 =	simm.s32 $0x108;
	_ =	swait.ge @!p0 [sflag:s8], $0x0  }
0x24: {  	s3 =	sadd.s32 $0x88, s3;
	s6 =	simm.s32 @!p1 $0x1082;
	[sflag:s4] =	ssyncset.s32 $0xFFFFF086  }
0x25: {  	[simem:s6], [sflag:s4] =	dma.local [hbm:s3], $0xF7A  }
0x26: {  	[smem:$0x3F91] =	sst s1;
	(tag) =	ssettag s2;
	_ =	strace s9  }
0x27: {  	s1 =	sld [smem:$0x3FA1]  }
0x28: {  	s2 =	sld [smem:$0x3FA2]  }
0x29: {  	s4 =	sld [smem:$0x3FA4]  }
0x2a: {  	p0 =	seq.s32 s5, $0x0;
	s5 =	sld [smem:$0x3FA5]  }
0x2b: {  	s6 =	sld [smem:$0x3FA6]  }
0x2c: {  	s7 =	sld [smem:$0x3FA7]  }
0x2d: {  	s3 =	simm.s32 $0x108;
	s8 =	sld [smem:$0x3FA8]  }
0x2e: {  	s3 =	simm.s32 @!p0 $0x1082;
	s9 =	sld [smem:$0x3FA9]  }
0x2f: {  	lr =	sadd.s32 s0, s3;
	s0 =	sld [smem:$0x3FA0]  }
0x30: {  	s3 =	sld [smem:$0x3FA3]  }
0x31: {  	[smem:$0x3FAC] =	sst s10  }
0x32: {  	s10 =	sld [smem:$0x3FAA];
	_ =	sdelay $0x3  }
0x33: {  	p0 =	seq.s32 s10, $0x1;
	s10 =	sld [smem:$0x3FAC];
	_ =	sdelay $0x3  }
0x34: {  	[smem:$0x3FAC] =	sst s10  }
0x35: {  	s10 =	sld [smem:$0x3FAB];
	_ =	sdelay $0x3  }
0x36: {  	p1 =	seq.s32 s10, $0x1;
	s10 =	sld [smem:$0x3FAC];
	_ =	sdelay $0x3  }
0x37: {  	[smem:$0x3FAC] =	sst s10  }
0x38: {  	s10 =	sld [smem:$0x3FAD]  }
0x39: {  	_ = 	snop;
	(pc) =	sbr.ind lr, $3  }
0x3a: {  	_ = 	snop  }
0x3b: {  	_ = 	snop  }
0x3c: {  	p2 =	seq.s32 s10, $0x1;
	s10 =	sld [smem:$0x3FAC]  }
0x3d: {  	_ =	shalt  }
0x3e: {  	_ =	shalt  }
0x3f: {  	_ =	shalt  }
0x40: {  	_ =	shalt  }
0x41: {  	_ =	shalt  }
0x42: {  	_ =	shalt  }
0x43: {  	_ =	shalt  }
0x44: {  	_ =	shalt  }
0x45: {  	_ =	shalt  }
0x46: {  	_ =	shalt  }
0x47: {  	_ =	shalt  }
0x48: {  	_ =	shalt  }
0x49: {  	_ =	shalt  }
0x4a: {  	_ =	shalt  }
0x4b: {  	_ =	shalt  }
0x4c: {  	_ =	shalt  }
0x4d: {  	_ =	shalt  }
0x4e: {  	_ =	shalt  }
0x4f: {  	_ =	shalt  }
0x50: {  	_ =	shalt  }
0x51: {  	_ =	shalt  }
0x52: {  	_ =	shalt  }
0x53: {  	_ =	shalt  }
0x54: {  	_ =	shalt  }
0x55: {  	_ =	shalt  }
0x56: {  	_ =	shalt  }
0x57: {  	_ =	shalt  }
0x58: {  	_ =	shalt  }
0x59: {  	_ =	shalt  }
0x5a: {  	_ =	shalt  }
0x5b: {  	_ =	shalt  }
0x5c: {  	_ =	shalt  }
0x5d: {  	_ =	shalt  }
0x5e: {  	_ =	shalt  }
0x5f: {  	_ =	shalt  }
0x60: {  	_ =	shalt  }
0x61: {  	_ =	shalt  }
0x62: {  	_ =	shalt  }
0x63: {  	_ =	shalt  }
0x64: {  	_ =	shalt  }
0x65: {  	_ =	shalt  }
0x66: {  	_ =	shalt  }
0x67: {  	_ =	shalt  }
0x68: {  	_ =	shalt  }
0x69: {  	_ =	shalt  }
0x6a: {  	_ =	shalt  }
0x6b: {  	_ =	shalt  }
0x6c: {  	_ =	shalt  }
0x6d: {  	_ =	shalt  }
0x6e: {  	_ =	shalt  }
0x6f: {  	_ =	shalt  }
0x70: {  	_ =	shalt  }
0x71: {  	_ =	shalt  }
0x72: {  	_ =	shalt  }
0x73: {  	_ =	shalt  }
0x74: {  	_ =	shalt  }
0x75: {  	_ =	shalt  }
0x76: {  	_ =	shalt  }
0x77: {  	_ =	shalt  }
0x78: {  	_ =	shalt  }
0x79: {  	_ =	shalt  }
0x7a: {  	_ =	shalt  }
0x7b: {  	_ =	shalt  }
0x7c: {  	_ =	shalt  }
0x7d: {  	_ =	shalt  }
0x7e: {  	_ =	shalt  }
0x7f: {  	_ =	shalt  }
0x80: {  	_ =	shalt  }
0x81: {  	_ =	shalt  }
0x82: {  	_ =	shalt  }
0x83: {  	_ =	shalt  }
0x84: {  	_ =	shalt  }
0x85: {  	_ =	shalt  }
0x86: {  	_ =	shalt  }
0x87: {  	_ =	shalt  }
.Lfunc_end0:
.L_simem_size_0:
called_computation_lowered:
.L_overlay_start_0:
0x88: {  	s2 =	sld [smem:$0x3FD9]  }
0x89: {  	s3 =	sld [smem:$0x3FFE];
	_ =	sdelay $0x1  }
0x8a: {  	s1 =	srdreg.scid  }
0x8b: {  	s0 =	sand.u32 $0x1, s1  }
0x8c: {  	s17 =	sshll.u32 s0, $0xA;
	s2 =	sadd.s32 s3, s2  }
0x8d: {  	s2 =	sadd.s32 s2, s17  }
0x8e: {  	[smem:$0x3FB8] =	sst s2  }
0x8f: {  	_ = 	snop  }
0x90: {  	s2 =	sld [smem:$0x3FC5]  }
0x91: {  	s18 =	sld [smem:$0x3FC4]  }
0x92: {  	s4 =	sld [smem:$0x3FD0];
	(tm) =	ssettm $0x1  }
0x93: {  	s5 =	sld [smem:$0x3FFB];
	_ =	sdelay $0x3  }
0x94: {  	_ =	strace s5  }
0x95: {  	s5 =	sld [smem:$0x3FFC];
	_ =	sdelay $0x3  }
0x96: {  	_ =	strace s5  }
0x97: {  	s5 =	sld [smem:$0x3FFD];
	_ =	sdelay $0x3  }
0x98: {  	_ =	strace s5  }
0x99: {  	_ =	strace $0x8FFFFFFF  }
0x9a: {  	s19 =	sld [smem:$0x3FDB];
	_ =	sdelay $0x1  }
0x9b: {  	s6 =	simm.s32 $_scs_section_size  }
0x9c: {  	s7 =	simm.s32 $_size__tile_overlayer_lowered;
	s8 =	simm.s32 $_tile_overlayer_lowered  }
0x9d: {  	s22 =	simm.s32 $0x1BFF;
	s21 =	sshll.u32 s8, $0x1;
	s5 =	sadd.s32 s6, s19  }
0x9e: {  	s9 =	simm.s32 $0x0;
	s20 =	sshll.u32 s7, $0x1;
	s7 =	sadd.s32 s21, s5  }
0x9f: {  	[timem:s9], [sflag:s22] =	dma.local [hbm:s7], s20  }
0xa0: {  	_ =	swait.ge [sflag:s22], s20  }
0xa1: {  	s6 =	ssub.s32 $0x0, s20;
	[sflag:s22] =	ssyncset.done $0x0  }
0xa2: {  	[sflag:s22] =	ssyncadd.s32 s6;
	_ =	sdelay $0x1  }
0xa3: {  	s23 =	simm.s32 $0x1B8B  }
0xa4: {  	_ =	swait.ge [sflag:s23], $0x1  }
0xa5: {  	[sflag:s23] =	ssyncset.done $0x0  }
0xa6: {  	s25 =	simm.s32 $0x1B8E;
	s24 =	sld [smem:$0x3FFE];
	[sflag:s23] =	ssyncadd.s32 $0xFFFFFFFF  }
0xa7: {  	s26 =	simm.s32 $execute0_lowered;
	[smem:$0x3FD2] =	sst s25  }
0xa8: {  	s7 =	sshll.u32 s26, $0x1;
	_ =	strace $0x80000046;
	[dreg:$0x1] =	wrdreg $0xFFFFFFFF  }
0xa9: {  	s28 =	simm.s32 $_size_execute0_lowered;
	s5 =	sadd.s32 s5, s7;
	[dreg:$0x0] =	wrdreg $0x0  }
0xaa: {  	s7 =	sshll.u32 s28, $0x1;
	[dreg:$0x2] =	wrdreg s5  }
0xab: {  	[dreg:$0x3] =	wrdreg s7  }
0xac: {  	[dreg:$0x4] =	wrdreg $0xC0  }
0xad: {  	_ =	task [dreg:s9], $0x5FFFF  }
0xae: {  	[dreg:$0x1] =	wrdreg $0xFFFFFFFF  }
0xaf: {  	[dreg:$0x0] =	wrdreg $0x60  }
0xb0: {  	[dreg:$0x2] =	wrdreg s18  }
0xb1: {  	[dreg:$0x3] =	wrdreg s24  }
0xb2: {  	[dreg:$0x4] =	wrdreg s2  }
0xb3: {  	[dreg:$0x5] =	wrdreg s4  }
0xb4: {  	[dreg:$0x6] =	wrdreg $0x9  }
0xb5: {  	_ =	task.clear_ibuf [dreg:s9], $0x7FFFF;
	_ =	strace $0x90000046  }
0xb6: {  	s29 =	simm.s32 $0x9;
	_ =	strace $0x80000048  }
0xb7: {  	_ =	swait.ge [sflag:s29], $0x1  }
0xb8: {  	[sflag:s29] =	ssyncadd.s32 $0xFFFFFFFF  }
0xb9: {  	_ =	strace $0x90000048  }
0xba: {  	_ =	sfence  }
0xbb: {  	s30 =	sld [smem:$0x0];
	_ =	sdelay $0x2  }
0xbc: {  	s31 =	sshll.u32 s1, $0xD;
	s1 =	sshrl.u32 s1, $0x2  }
0xbd: {  	s3 =	sand.u32 $0x4000, s31;
	s1 =	sadd.s32 s1, s30  }
0xbe: {  	s0 =	sor.u32 s3, s0;
	s1 =	sshll.u32 s1, $0x11  }
0xbf: {  	s0 =	sor.u32 s1, s0  }
0xc0: {  	s0 =	sadd.s32 $0x8F2B, s0  }
0xc1: {  	[sflag:s0] =	ssyncadd.remote.s32 $0x1  }
0xc2: {  	_ =	sfence.sel $0xFFFF  }
0xc3: {  	[dreg:$0x0] =	wrdreg $0xFFFFFFFF;
	(pc) =	sbr.abs _section_cstart, $3  }
0xc4: {  	[dreg:$0x1] =	wrdreg $0xFFFFFFFF  }
0xc5: {  	_ =	task.clear_ibuf [dreg:s9], $0x2FFFF;
	_ =	strace $0x9FFFFFFF  }
0xc6: {  	(tm) =	ssettm $0x7FFFFFFF  }
0xc7: {  	_ =	shalt  }
tec
execute0_lowered:
.L_overlay_start_1:
0x0: {  	(tag) =	ssettag $0x1  }
0x1: {  	s1 =	rddreg [dreg:$0x0]  }
0x2: {  	s2 =	srdreg.scid;
	s0 =	stileid.u32  }
0x3: {  	s15 =	rddreg [dreg:$0x1];
	s14 =	sand.u32 $0x1, s2;
	s29 =	sshll.u32 s0, $0x1  }
0x4: {  	s6 =	rddreg [dreg:$0x2];
	s16 =	sor.u32 s14, s29  }
0x5: {  	s17 =	rddreg [dreg:$0x3];
	s4 =	smul.u32 $0x14, s16  }
0x6: {  	s3 =	simm.s32 $0x0;
	s2 =	rddreg [dreg:$0x4]  }
0x7: {  	[smem:$0x7FF] =	sst s3;
	s4 =	sadd.s32 s4, s15  }
0x8: {  	_ =	strace $0x80000047;
	s5 =	sadd.s32 $0x2E00, s4;
	s4 =	simm.s32 $0x2  }
0x9: {  	[tilespmem:s3], [sflag:$0x2] =	stream.linear.gather [hbm4b:s5+s3], $0xA0, $0x38;
	[tilespmem:$0x5580] =	vst v63  }
0xa: {  	_ =	swait.ge [sflag:s4], $0xA0  }
0xb: {  	[sflag:s4] =	ssyncset.done $0x0  }
0xc: {  	s7 =	simm.s32 $0x100;
	s6 =	sadd.s32 s6, s16;
	[sflag:s4] =	ssyncadd.s32 $0xFFFFFF60  }
0xd: {  	[tilespmem:s7], [sflag:$0x2] =	stream.linear.gather [hbm4b:s6+s3], $0x8, $0x38;
	[tilespmem:$0x5580] =	vst v63  }
0xe: {  	_ =	swait.ge [sflag:s4], $0x8  }
0xf: {  	[sflag:s4] =	ssyncset.done $0x0  }
0x10: {  	s8 =	simm.s32 $0x50;
	s9 =	simm.s32 $0x180;
	[sflag:s4] =	ssyncadd.s32 $0xFFFFFFF8  }
0x11: {  	[tilespmem:s9], [sflag:$0x1] =	stream.indirect.gather [hbm4b:s1+s8], $0x80, s3, s8, $0xb8;
	[tilespmem:$0x5580] =	vst v63  }
0x12: {  	s10 =	simm.s32 $0x2980  }
0x13: {  	[tilespmem:s10], [sflag:$0x1] =	stream.indirect.gather [hbm4b:s1+s8], $0x80, s8, s8, $0xb8;
	[tilespmem:$0x5580] =	vst v63  }
0x14: {  	s11 =	simm.s32 $0x8;
	s12 =	simm.s32 $0x5180;
	s13 =	simm.s32 $0x1  }
0x15: {  	[tilespmem:s12], [sflag:$0x1] =	stream.indirect.gather [hbm4b:s1+s11], $0x80, s7, s11, $0xb8;
	[tilespmem:$0x5580] =	vst v63  }
0x16: {  	_ =	swait.ge [sflag:s13], $0x2800  }
0x17: {  	[sflag:s13] =	ssyncset.done $0x0  }
0x18: {  	[sflag:s13] =	ssyncadd.s32 $0xFFFFD800  }
0x19: {  	_ =	swait.ge [sflag:s13], $0x2800  }
0x1a: {  	[sflag:s13] =	ssyncset.done $0x0  }
0x1b: {  	s19 =	ssub.s32 $0x2, s14;
	s18 =	smul.u32 $0xA00, s16;
	[sflag:s13] =	ssyncadd.s32 $0xFFFFD800  }
0x1c: {  	s16 =	sshll.u32 s16, $0x7;
	s30 =	sshrl.u32 s19, $0x1;
	_ =	swait.ge [sflag:s13], $0x400  }
0x1d: {  	s31 =	ssub.s32 s19, s30;
	s14 =	sadd.s32 s17, s18;
	[sflag:s13] =	ssyncset.done $0x0  }
0x1e: {  	s15 =	sadd.s32 s16, s15;
	s16 =	smax.u32 s31, $0x1;
	[sflag:s13] =	ssyncadd.s32 $0xFFFFFC00  }
0x1f: {  	[hbm4b:s14+s3] =	stream.linear.scatter [tilespmem:s9], [sflag:$0x2], $0x5000, $0x38;
	[tilespmem:$0x5580] =	vst v63  }
0x20: {  	p0 =	sne.s32 s16, $0x1;
	_ =	swait.ge [sflag:s4], $0x5000  }
.Ltmp0:
0x21: {  	[sflag:s4] =	ssyncset.done $0x0;
	(pc) =	sbr.rel @!p0 .LBB2_2-.Ltmp0, $4  }
0x22: {  	s15 =	sadd.s32 $0x3200, s15;
	[sflag:s4] =	ssyncadd.s32 $0xFFFFB000  }
0x23: {  	[hbm4b:s15+s3] =	stream.linear.scatter [tilespmem:s12], [sflag:$0x2], $0x400, $0x38;
	[tilespmem:$0x5580] =	vst v63  }
0x24: {  	_ =	swait.ge [sflag:s4], $0x400  }
0x25: {  	s16 =	sadd.s32 $0xFFFFFFFF, s16;
	[sflag:s4] =	ssyncset.done $0x0  }
.LBB2_1:
0x26: {  	p0 =	sne.s32 s16, $0x1;
	s16 =	sadd.s32 $0xFFFFFFFF, s16;
	[sflag:s4] =	ssyncadd.s32 $0xFFFFFC00  }
0x27: {  	[tilespmem:s3], [sflag:$0x2] =	stream.linear.gather [hbm4b:s5+s3], $0xA0, $0x38;
	[tilespmem:$0x5580] =	vst v63  }
0x28: {  	_ =	swait.ge [sflag:s4], $0xA0  }
0x29: {  	[sflag:s4] =	ssyncset.done $0x0  }
0x2a: {  	[sflag:s4] =	ssyncadd.s32 $0xFFFFFF60  }
0x2b: {  	[tilespmem:s7], [sflag:$0x2] =	stream.linear.gather [hbm4b:s6+s3], $0x8, $0x38;
	[tilespmem:$0x5580] =	vst v63  }
0x2c: {  	_ =	swait.ge [sflag:s4], $0x8  }
0x2d: {  	[sflag:s4] =	ssyncset.done $0x0  }
0x2e: {  	[sflag:s4] =	ssyncadd.s32 $0xFFFFFFF8  }
0x2f: {  	[tilespmem:s9], [sflag:$0x1] =	stream.indirect.gather [hbm4b:s1+s8], $0x80, s3, s8, $0xb8;
	[tilespmem:$0x5580] =	vst v63  }
0x30: {  	_ = 	snop  }
0x31: {  	[tilespmem:s10], [sflag:$0x1] =	stream.indirect.gather [hbm4b:s1+s8], $0x80, s8, s8, $0xb8;
	[tilespmem:$0x5580] =	vst v63  }
0x32: {  	_ = 	snop  }
0x33: {  	[tilespmem:s12], [sflag:$0x1] =	stream.indirect.gather [hbm4b:s1+s11], $0x80, s7, s11, $0xb8;
	[tilespmem:$0x5580] =	vst v63  }
0x34: {  	_ =	swait.ge [sflag:s13], $0x2800  }
0x35: {  	[sflag:s13] =	ssyncset.done $0x0  }
0x36: {  	[sflag:s13] =	ssyncadd.s32 $0xFFFFD800  }
0x37: {  	_ =	swait.ge [sflag:s13], $0x2800  }
0x38: {  	[sflag:s13] =	ssyncset.done $0x0  }
0x39: {  	[sflag:s13] =	ssyncadd.s32 $0xFFFFD800  }
0x3a: {  	_ =	swait.ge [sflag:s13], $0x400  }
0x3b: {  	[sflag:s13] =	ssyncset.done $0x0  }
0x3c: {  	[sflag:s13] =	ssyncadd.s32 $0xFFFFFC00  }
0x3d: {  	[hbm4b:s14+s3] =	stream.linear.scatter [tilespmem:s9], [sflag:$0x2], $0x5000, $0x38;
	[tilespmem:$0x5580] =	vst v63  }
0x3e: {  	_ =	swait.ge [sflag:s4], $0x5000  }
.Ltmp1:
0x3f: {  	[sflag:s4] =	ssyncset.done $0x0;
	(pc) =	sbr.rel @p0 .LBB2_1-.Ltmp1, $4  }
0x40: {  	[sflag:s4] =	ssyncadd.s32 $0xFFFFB000  }
0x41: {  	[hbm4b:s15+s3] =	stream.linear.scatter [tilespmem:s12], [sflag:$0x2], $0x400, $0x38;
	[tilespmem:$0x5580] =	vst v63  }
0x42: {  	_ =	swait.ge [sflag:s4], $0x400  }
0x43: {  	[sflag:s4] =	ssyncset.done $0x0  }
.LBB2_2:
0x44: {  	[sflag:s4] =	ssyncadd.s32 $0xFFFFFC00  }
0x45: {  	_ =	sfence.sel $0x180000  }
0x46: {  	[bflag:$0x0] =	sbarrier.arrive $0xFFFF  }
0x47: {  	p0 =	sne.s32 s0, $0x0;
	_ =	strace $0x90000047  }
0x48: {  	s0 =	sadd.s32 @!p0 $0x100000, s2;
	[bflag:$0x2] =	sbarrier.arrive $0xFFFF  }
0x49: {  	[sflag:s0] =	ssyncadd.tile.s32 @!p0 $0x1;
	_ =	shalt  }
.Lfunc_end2:
_tile_overlayer_lowered:
.L_overlay_start_2:
0x4a: {  	(tag) =	ssettag $0x2  }
0x4b: {  	s0 =	rddreg [dreg:$0x0];
	s2 =	stileid.u32  }
0x4c: {  	s1 =	rddreg [dreg:$0x1];
	p0 =	sne.s32 s2, $0x0  }
0x4d: {  	s3 =	rddreg [dreg:$0x2];
	[bflag:$0x3] =	sbarrier.arrive $0xFFFF;
	s2 =	simm.s32 @!p0 $0x1C02  }
0x4e: {  	[timem:s3], [sflag:s2] =	dma.local @!p0 [hbm:s0], s1  }
0x4f: {  	s0 =	simm.s32 @!p0 $0x2  }
0x50: {  	_ =	swait.ge @!p0 [sflag:s0], s1  }
0x51: {  	s1 =	ssub.s32 @!p0 $0x0, s1;
	[sflag:s0] =	ssyncset.done @!p0 $0x0  }
0x52: {  	[sflag:s0] =	ssyncadd.s32 @!p0 s1  }
0x53: {  	[bflag:$0x3] =	sbarrier.arrive $0xFFFF  }
0x54: {  	_ =	shalt  }

</sc_bundles>
